<compile_context>
chip_gen: v7x
topology: tpu7x:2x2x1
jax: 0.10.2.dev20260603
libtpu: 0.0.44.dev20260713+nightly
codegen_flags: <defaults>
</compile_context>

<pallas_src>
import functools

import jax
import jax.numpy as jnp
from jax import lax
from jax.experimental import pallas as pl
from jax.experimental.pallas import tpu as pltpu
from jax.experimental.pallas import tpu_sc as plsc

N = 10000
D = 128
E = 320000
NC = 2
NS = 16
TILES = NC * NS
KD = 128
CHD = 80
E_PAD = TILES * KD * CHD
K = 128
CH = CHD
PHASES = ((0, 40), (40, 40))
PBUF = 40
N2 = 10112
DUMMY = N
RPT = N2 // NS

_mesh = plsc.VectorSubcoreMesh(core_axis_name="c", subcore_axis_name="s",
                               num_cores=NC, num_subcores=NS)


@functools.partial(
    pl.kernel,
    out_type=jax.ShapeDtypeStruct((NC * N2,), jnp.float32),
    mesh=_mesh,
    scratch_types=[
        pltpu.VMEM((CHD, KD), jnp.int32),
        pltpu.VMEM((KD,), jnp.float32),
        pltpu.VMEM((RPT,), jnp.float32),
        pltpu.VMEM_SHARED((N2,), jnp.float32),
        pltpu.SemaphoreType.DMA,
    ],
)
def _deg_kernel(dst_hbm, ones_hbm, zcol_hbm, out_hbm, dst_v, ones_v, zbuf,
                deg_sh, sd):
    c = lax.axis_index("c")
    s = lax.axis_index("s")
    pltpu.sync_copy(dst_hbm.at[c * NS + s], dst_v)
    pltpu.sync_copy(ones_hbm, ones_v)
    pltpu.sync_copy(zcol_hbm.at[pl.ds(s * RPT, RPT)], zbuf)
    pltpu.sync_copy(zbuf, deg_sh.at[pl.ds(s * RPT, RPT)])
    plsc.subcore_barrier()

    def body(j, carry):
        pltpu.async_copy(ones_v, deg_sh.at[dst_v.at[j]], sd, add=True)
        return carry

    lax.fori_loop(0, CHD, body, 0)

    def bodyw(j, carry):
        pltpu.make_async_copy(ones_v, deg_sh.at[dst_v.at[j]], sd).wait()
        return carry

    lax.fori_loop(0, CHD, bodyw, 0)
    plsc.subcore_barrier()
    pltpu.sync_copy(deg_sh.at[pl.ds(s * RPT, RPT)], zbuf)
    pltpu.sync_copy(zbuf, out_hbm.at[pl.ds(c * N2 + s * RPT, RPT)])


@functools.partial(
    pl.kernel,
    out_type=(jax.ShapeDtypeStruct((NC, N2, D), jnp.float32),
              jax.ShapeDtypeStruct((NC * N2,), jnp.float32)),
    mesh=_mesh,
    scratch_types=[
        pltpu.VMEM((PBUF, K), jnp.int32),
        pltpu.VMEM((PBUF, K), jnp.int32),
        pltpu.VMEM((PBUF, K), jnp.float32),
        pltpu.VMEM((2, K, D), jnp.float32),
        pltpu.VMEM_SHARED((N2, D), jnp.float32),
        pltpu.VMEM_SHARED((N2,), jnp.float32),
        pltpu.SemaphoreType.DMA((2,)),
        pltpu.SemaphoreType.DMA((2,)),
        pltpu.SemaphoreType.DMA,
        pltpu.SemaphoreType.DMA,
    ],
)
def _agg_kernel(y_hbm, r_hbm, src_hbm, dst_hbm, zrows_hbm, zcol_hbm,
                acc_hbm, t_hbm,
                src_v, dst_v, rvals_v, rows_v, acc_sh, t_sh, gy, sy, gt, st):
    c = lax.axis_index("c")
    s = lax.axis_index("s")
    wid = c * NS + s

    pltpu.sync_copy(zrows_hbm.at[pl.ds(s * RPT, K)], rows_v.at[0])

    def zb(i, carry):
        pltpu.sync_copy(rows_v.at[0], acc_sh.at[pl.ds(s * RPT + i * K, K)])
        return carry

    lax.fori_loop(0, RPT // K, zb, 0)
    pltpu.sync_copy(rows_v.at[0, pl.ds(0, RPT % K)],
                    acc_sh.at[pl.ds(s * RPT + (RPT // K) * K, RPT % K)])
    pltpu.sync_copy(zcol_hbm.at[pl.ds(s * RPT, K)], rvals_v.at[0])

    def zt(i, carry):
        pltpu.sync_copy(rvals_v.at[0], t_sh.at[pl.ds(s * RPT + i * K, K)])
        return carry

    lax.fori_loop(0, RPT // K, zt, 0)
    pltpu.sync_copy(rvals_v.at[0, pl.ds(0, RPT % K)],
                    t_sh.at[pl.ds(s * RPT + (RPT // K) * K, RPT % K)])
    plsc.subcore_barrier()

    for pstart, plen in PHASES:
        pltpu.sync_copy(src_hbm.at[wid, pl.ds(pstart, plen)],
                        src_v.at[pl.ds(0, plen)])
        pltpu.sync_copy(dst_hbm.at[wid, pl.ds(pstart, plen)],
                        dst_v.at[pl.ds(0, plen)])

        for b in range(2):
            pltpu.async_copy(y_hbm.at[src_v.at[b]], rows_v.at[b], gy.at[b])

        def pair(i, carry):
            for b in range(2):
                j = 2 * i + b
                pltpu.async_copy(r_hbm.at[dst_v.at[j]], rvals_v.at[j], gt)
                pltpu.make_async_copy(y_hbm.at[src_v.at[j]], rows_v.at[b],
                                      gy.at[b]).wait()
                pltpu.async_copy(rows_v.at[b], acc_sh.at[dst_v.at[j]],
                                 sy.at[b], add=True)

                @pl.when(j >= 2)
                def _():
                    pltpu.make_async_copy(r_hbm.at[dst_v.at[j - 2]],
                                          rvals_v.at[j - 2], gt).wait()
                    pltpu.async_copy(rvals_v.at[j - 2],
                                     t_sh.at[src_v.at[j - 2]], st, add=True)

                pltpu.make_async_copy(rows_v.at[b], acc_sh.at[dst_v.at[j]],
                                      sy.at[b]).wait()

                @pl.when(j + 2 < plen)
                def _():
                    pltpu.async_copy(y_hbm.at[src_v.at[j + 2]], rows_v.at[b],
                                     gy.at[b])
            return carry

        lax.fori_loop(0, plen // 2, pair, 0)

        for j in (plen - 2, plen - 1):
            pltpu.make_async_copy(r_hbm.at[dst_v.at[j]], rvals_v.at[j],
                                  gt).wait()
            pltpu.async_copy(rvals_v.at[j], t_sh.at[src_v.at[j]], st,
                             add=True)

        def tsw(j, carry):
            pltpu.make_async_copy(rvals_v.at[j], t_sh.at[src_v.at[j]],
                                  st).wait()
            return carry

        lax.fori_loop(0, plen, tsw, 0)

    plsc.subcore_barrier()

    def cpout(i, carry):
        pltpu.sync_copy(acc_sh.at[pl.ds(s * RPT + i * K, K)], rows_v.at[0])
        pltpu.sync_copy(rows_v.at[0], acc_hbm.at[c, pl.ds(s * RPT + i * K, K)])
        return carry

    lax.fori_loop(0, RPT // K, cpout, 0)
    pltpu.sync_copy(acc_sh.at[pl.ds(s * RPT + (RPT // K) * K, RPT % K)],
                    rows_v.at[0, pl.ds(0, RPT % K)])
    pltpu.sync_copy(rows_v.at[0, pl.ds(0, RPT % K)],
                    acc_hbm.at[c, pl.ds(s * RPT + (RPT // K) * K, RPT % K)])

    def tout(i, carry):
        pltpu.sync_copy(t_sh.at[pl.ds(s * RPT + i * K, K)], rvals_v.at[0])
        pltpu.sync_copy(rvals_v.at[0],
                        t_hbm.at[pl.ds(c * N2 + s * RPT + i * K, K)])
        return carry

    lax.fori_loop(0, RPT // K, tout, 0)
    pltpu.sync_copy(t_sh.at[pl.ds(s * RPT + (RPT // K) * K, RPT % K)],
                    rvals_v.at[0, pl.ds(0, RPT % K)])
    pltpu.sync_copy(rvals_v.at[0, pl.ds(0, RPT % K)],
                    t_hbm.at[pl.ds(c * N2 + s * RPT + (RPT // K) * K,
                                   RPT % K)])


def _scale_body(xp_ref, w1_ref, degp_ref, y_ref, r_ref):
    deg = jnp.sum(degp_ref[...], axis=1, keepdims=True) + 1.0
    r = lax.rsqrt(deg)
    xw = jnp.dot(xp_ref[...], w1_ref[...],
                 preferred_element_type=jnp.float32)
    y_ref[...] = r * xw
    r_ref[...] = r


def _final_body(acc_ref, y_ref, tp_ref, r_ref, b1_ref, w2_ref, b2_ref, o_ref):
    r = r_ref[...]
    a = acc_ref[0] + acc_ref[1] + y_ref[...]
    h1 = jnp.maximum(r * a + b1_ref[...], 0.0)
    t = jnp.sum(tp_ref[...], axis=1, keepdims=True) + r
    valid = lax.broadcasted_iota(jnp.int32, (N2, 1), 0) < N
    cvec = jnp.where(valid, r * t, 0.0)
    u = jnp.sum(cvec * h1, axis=0, keepdims=True)
    o_ref[...] = (u * (1.0 / N)) @ w2_ref[...] + b2_ref[...]


def kernel(x, edge_index, W1, b1, W2, b2):
    ei = edge_index.astype(jnp.int32)
    padv = DUMMY + jnp.arange(E_PAD - E, dtype=jnp.int32) % (N2 - N)
    src_flat = jnp.concatenate([ei[0], padv])
    dst_flat = jnp.concatenate([ei[1], padv])
    xp = jnp.zeros((N2, D), jnp.float32).at[:N].set(x)
    ones = jnp.ones((KD,), jnp.float32)
    zcol = jnp.zeros((N2,), jnp.float32)
    zrows = jnp.zeros((N2, D), jnp.float32)

    deg_part = _deg_kernel(dst_flat.reshape(TILES, CHD, KD), ones,
                           zcol).reshape(NC, N2)

    y, r_col = pl.pallas_call(
        _scale_body,
        out_shape=[jax.ShapeDtypeStruct((N2, D), jnp.float32),
                   jax.ShapeDtypeStruct((N2, 1), jnp.float32)],
    )(xp, W1, deg_part.T)

    acc, t_part = _agg_kernel(y, r_col.reshape(N2),
                              src_flat.reshape(TILES, CH, K),
                              dst_flat.reshape(TILES, CH, K), zrows, zcol)

    out = pl.pallas_call(
        _final_body,
        out_shape=jax.ShapeDtypeStruct((1, D), jnp.float32),
    )(acc, y, t_part.reshape(NC, N2).T, r_col, b1.reshape(1, D), W2,
      b2.reshape(1, D))
    return out

# --- scband reference (transcript-rebuilt; emitter-appended) ---
"""Pipeline reference for scband-graph-net-3959959846913 (READ-ONLY COPY).

The authoritative reference and input builder live on the scoring server;
editing this copy changes nothing except your own understanding.
"""

import jax, jax.numpy as jnp
import numpy as np

NUM_NODES = 10000
D_IN = 128
D_HID = 128
D_OUT = 128
NUM_EDGES = 320000


def gcn_conv(x, edge_index, W, b, num_nodes):
    # GCNConv: x' = D^{-1/2} (A + I) D^{-1/2} X W + b  (symmetric normalization, self-loops)
    src = edge_index[0]
    dst = edge_index[1]
    loop = jnp.arange(num_nodes, dtype=edge_index.dtype)
    src = jnp.concatenate([src, loop])
    dst = jnp.concatenate([dst, loop])
    deg = jnp.zeros((num_nodes,), dtype=x.dtype).at[dst].add(1.0)
    deg_inv_sqrt = jnp.where(deg > 0, 1.0 / jnp.sqrt(deg), 0.0)
    norm = deg_inv_sqrt[src] * deg_inv_sqrt[dst]
    xw = x @ W
    msg = xw[src] * norm[:, None]          # gather (SparseCore-friendly)
    out = jax.ops.segment_sum(msg, dst, num_segments=num_nodes)  # scatter-add
    return out + b


def setup_inputs(seed: int = 0) -> dict:
    key = jax.random.key(seed)
    k1, k2, k3, k4, k5, k6 = jax.random.split(key, 6)
    x = jax.random.normal(k1, (NUM_NODES, D_IN), dtype=jnp.float32)
    edge_index = jax.random.randint(k2, (2, NUM_EDGES), 0, NUM_NODES, dtype=jnp.int64)
    W1 = jax.random.normal(k3, (D_IN, D_HID), dtype=jnp.float32) * (1.0 / np.sqrt(D_IN))
    b1 = jnp.zeros((D_HID,), dtype=jnp.float32)
    W2 = jax.random.normal(k4, (D_HID, D_OUT), dtype=jnp.float32) * (1.0 / np.sqrt(D_HID))
    b2 = jnp.zeros((D_OUT,), dtype=jnp.float32)
    return {"x": x, "edge_index": edge_index, "W1": W1, "b1": b1, "W2": W2, "b2": b2}


def reference(x, edge_index, W1, b1, W2, b2):
    h = gcn_conv(x, edge_index, W1, b1, NUM_NODES)
    h = jax.nn.relu(h)
    h = gcn_conv(h, edge_index, W2, b2, NUM_NODES)
    # original calls global_mean_pool(x, edge_index); with a single graph this is
    # a segment-mean with batch assignment 0 for every node -> mean over nodes.
    out = jnp.mean(h, axis=0, keepdims=True)
    return out

if __name__ == "__main__":
    import jax
    _d = setup_inputs()
    print(jax.jit(kernel)(*tuple(_d.values())))

</pallas_src>

<mosaic_0001>
#map = affine_map<(d0, d1) -> (0, 0, 0)>
#map1 = affine_map<(d0, d1) -> (0)>
module attributes {stable_mosaic.version = 14 : i64} {
  func.func @_deg_kernel(%arg0: i32, %arg1: i32, %arg2: memref<32x80x128xi32, #tpu.memory_space<hbm>>, %arg3: memref<128xf32, #tpu.memory_space<hbm>>, %arg4: memref<10112xf32, #tpu.memory_space<hbm>>, %arg5: memref<20224xf32, #tpu.memory_space<hbm>>, %arg6: memref<80x128xi32, #tpu.memory_space<vmem>>, %arg7: memref<128xf32, #tpu.memory_space<vmem>>, %arg8: memref<632xf32, #tpu.memory_space<vmem>>, %arg9: memref<10112xf32, #tpu.memory_space<vmem_shared>>, %arg10: memref<!tpu.dma_semaphore, #tpu.memory_space<semaphore_mem>>) attributes {dimension_semantics = [#tpu.dimension_semantics<core_parallel>, #tpu.dimension_semantics<subcore_parallel>], iteration_bounds = array<i64: 2, 16>, scalar_prefetch = 0 : i64, scratch_operands = 5 : i64, tpu.core_type = #tpu.core_type<sc_vector_subcore>, window_params = [{transform_indices = #map}, {transform_indices = #map1}, {transform_indices = #map1}, {transform_indices = #map1}]} {
    %mul3A = arith.constant 16 : i32
    %mul3A_0 = arith.muli %arg0, %mul3A : i32
    %add3A = arith.addi %mul3A_0, %arg1 : i32
    "tpu.region"() ({
      %run_scoped3A = tpu.sem_alloc : memref<!tpu.dma_semaphore, #tpu.memory_space<semaphore_mem>>
      %dma_start3A = arith.constant 0 : i32
      %dma_start3A_24 = arith.constant 0 : i32
      %dma_start3A_25 = tpu.memref_slice %arg2[%add3A, %dma_start3A, %dma_start3A_24] : memref<32x80x128xi32, #tpu.memory_space<hbm>> -> memref<1x80x128xi32, #tpu.memory_space<hbm>>
      %dma_start3A_26 = tpu.memref_squeeze %dma_start3A_25 : memref<1x80x128xi32, #tpu.memory_space<hbm>> -> memref<80x128xi32, #tpu.memory_space<hbm>>
      %dma_start3A_27 = arith.constant 0 : i32
      %dma_start3A_28 = arith.constant 0 : i32
      %dma_start3A_29 = tpu.memref_slice %arg2[%add3A, %dma_start3A_27, %dma_start3A_28] : memref<32x80x128xi32, #tpu.memory_space<hbm>> -> memref<1x80x128xi32, #tpu.memory_space<hbm>>
      %dma_start3A_30 = tpu.memref_squeeze %dma_start3A_29 : memref<1x80x128xi32, #tpu.memory_space<hbm>> -> memref<80x128xi32, #tpu.memory_space<hbm>>
      tpu.enqueue_dma source(%dma_start3A_30 : memref<80x128xi32, #tpu.memory_space<hbm>>) target(%arg6 : memref<80x128xi32, #tpu.memory_space<vmem>>) target_semaphore(%run_scoped3A : memref<!tpu.dma_semaphore, #tpu.memory_space<semaphore_mem>>)
      %dma_wait3A = arith.constant 0 : i32
      %dma_wait3A_31 = arith.constant 0 : i32
      %dma_wait3A_32 = tpu.memref_slice %arg2[%add3A, %dma_wait3A, %dma_wait3A_31] : memref<32x80x128xi32, #tpu.memory_space<hbm>> -> memref<1x80x128xi32, #tpu.memory_space<hbm>>
      %dma_wait3A_33 = tpu.memref_squeeze %dma_wait3A_32 : memref<1x80x128xi32, #tpu.memory_space<hbm>> -> memref<80x128xi32, #tpu.memory_space<hbm>>
      %dma_wait3A_34 = arith.constant 0 : i32
      %dma_wait3A_35 = arith.constant 0 : i32
      %dma_wait3A_36 = tpu.memref_slice %arg2[%add3A, %dma_wait3A_34, %dma_wait3A_35] : memref<32x80x128xi32, #tpu.memory_space<hbm>> -> memref<1x80x128xi32, #tpu.memory_space<hbm>>
      %dma_wait3A_37 = tpu.memref_squeeze %dma_wait3A_36 : memref<1x80x128xi32, #tpu.memory_space<hbm>> -> memref<80x128xi32, #tpu.memory_space<hbm>>
      tpu.wait_dma2 semaphore(%run_scoped3A : memref<!tpu.dma_semaphore, #tpu.memory_space<semaphore_mem>>) src(%dma_wait3A_37 : memref<80x128xi32, #tpu.memory_space<hbm>>) dst(%arg6 : memref<80x128xi32, #tpu.memory_space<vmem>>)
      tpu.yield
    }) : () -> ()
    "tpu.region"() ({
      %run_scoped3A = tpu.sem_alloc : memref<!tpu.dma_semaphore, #tpu.memory_space<semaphore_mem>>
      tpu.enqueue_dma source(%arg3 : memref<128xf32, #tpu.memory_space<hbm>>) target(%arg7 : memref<128xf32, #tpu.memory_space<vmem>>) target_semaphore(%run_scoped3A : memref<!tpu.dma_semaphore, #tpu.memory_space<semaphore_mem>>)
      tpu.wait_dma2 semaphore(%run_scoped3A : memref<!tpu.dma_semaphore, #tpu.memory_space<semaphore_mem>>) src(%arg3 : memref<128xf32, #tpu.memory_space<hbm>>) dst(%arg7 : memref<128xf32, #tpu.memory_space<vmem>>)
      tpu.yield
    }) : () -> ()
    %mul3A_1 = arith.constant 632 : i32
    %mul3A_2 = arith.muli %arg1, %mul3A_1 : i32
    "tpu.region"() ({
      %run_scoped3A = tpu.sem_alloc : memref<!tpu.dma_semaphore, #tpu.memory_space<semaphore_mem>>
      %dma_start3A = tpu.memref_slice %arg4[%mul3A_2] : memref<10112xf32, #tpu.memory_space<hbm>> -> memref<632xf32, #tpu.memory_space<hbm>>
      %dma_start3A_24 = tpu.memref_slice %arg4[%mul3A_2] : memref<10112xf32, #tpu.memory_space<hbm>> -> memref<632xf32, #tpu.memory_space<hbm>>
      tpu.enqueue_dma source(%dma_start3A_24 : memref<632xf32, #tpu.memory_space<hbm>>) target(%arg8 : memref<632xf32, #tpu.memory_space<vmem>>) target_semaphore(%run_scoped3A : memref<!tpu.dma_semaphore, #tpu.memory_space<semaphore_mem>>)
      %dma_wait3A = tpu.memref_slice %arg4[%mul3A_2] : memref<10112xf32, #tpu.memory_space<hbm>> -> memref<632xf32, #tpu.memory_space<hbm>>
      %dma_wait3A_25 = tpu.memref_slice %arg4[%mul3A_2] : memref<10112xf32, #tpu.memory_space<hbm>> -> memref<632xf32, #tpu.memory_space<hbm>>
      tpu.wait_dma2 semaphore(%run_scoped3A : memref<!tpu.dma_semaphore, #tpu.memory_space<semaphore_mem>>) src(%dma_wait3A_25 : memref<632xf32, #tpu.memory_space<hbm>>) dst(%arg8 : memref<632xf32, #tpu.memory_space<vmem>>)
      tpu.yield
    }) : () -> ()
    %mul3A_3 = arith.constant 632 : i32
    %mul3A_4 = arith.muli %arg1, %mul3A_3 : i32
    "tpu.region"() ({
      %run_scoped3A = tpu.sem_alloc : memref<!tpu.dma_semaphore, #tpu.memory_space<semaphore_mem>>
      %dma_start3A = tpu.memref_slice %arg9[%mul3A_4] : memref<10112xf32, #tpu.memory_space<vmem_shared>> -> memref<632xf32, #tpu.memory_space<vmem_shared>>
      %dma_start3A_24 = tpu.memref_slice %arg9[%mul3A_4] : memref<10112xf32, #tpu.memory_space<vmem_shared>> -> memref<632xf32, #tpu.memory_space<vmem_shared>>
      tpu.enqueue_dma source(%arg8 : memref<632xf32, #tpu.memory_space<vmem>>) target(%dma_start3A_24 : memref<632xf32, #tpu.memory_space<vmem_shared>>) target_semaphore(%run_scoped3A : memref<!tpu.dma_semaphore, #tpu.memory_space<semaphore_mem>>)
      %dma_wait3A = tpu.memref_slice %arg9[%mul3A_4] : memref<10112xf32, #tpu.memory_space<vmem_shared>> -> memref<632xf32, #tpu.memory_space<vmem_shared>>
      %dma_wait3A_25 = tpu.memref_slice %arg9[%mul3A_4] : memref<10112xf32, #tpu.memory_space<vmem_shared>> -> memref<632xf32, #tpu.memory_space<vmem_shared>>
      tpu.wait_dma2 semaphore(%run_scoped3A : memref<!tpu.dma_semaphore, #tpu.memory_space<semaphore_mem>>) src(%arg8 : memref<632xf32, #tpu.memory_space<vmem>>) dst(%dma_wait3A_25 : memref<632xf32, #tpu.memory_space<vmem_shared>>)
      tpu.yield
    }) : () -> ()
    %barrier3A = arith.constant 0 : index
    tpu.barrier barrier_id(%barrier3A)
    %scan3A = arith.constant 0 : i32
    %scan3A_5 = arith.constant 0 : i32
    %scan3A_6 = arith.constant 80 : i32
    %scan3A_7 = arith.addi %scan3A_5, %scan3A_6 : i32
    %scan3A_8 = arith.constant 1 : i32
    scf.for %scan3A_24 = %scan3A_5 to %scan3A_7 step %scan3A_8  : i32 {
      %dma_start3A = arith.constant 0 : i32
      %dma_start3A_25 = tpu.memref_slice %arg6[%scan3A_24, %dma_start3A] : memref<80x128xi32, #tpu.memory_space<vmem>> -> memref<1x128xi32, #tpu.memory_space<vmem>>
      %dma_start3A_26 = tpu.memref_squeeze %dma_start3A_25 : memref<1x128xi32, #tpu.memory_space<vmem>> -> memref<128xi32, #tpu.memory_space<vmem>>
      %dma_start3A_27 = arith.constant 0 : i32
      %dma_start3A_28 = tpu.memref_slice %arg9[%dma_start3A_27] : memref<10112xf32, #tpu.memory_space<vmem_shared>> -> memref<10112xf32, #tpu.memory_space<vmem_shared>>
      tpu.enqueue_indirect_dma source(%arg7 : memref<128xf32, #tpu.memory_space<vmem>>) target(%dma_start3A_28 : memref<10112xf32, #tpu.memory_space<vmem_shared>>) offsets(%dma_start3A_26 : memref<128xi32, #tpu.memory_space<vmem>>) semaphore(%arg10 : memref<!tpu.dma_semaphore, #tpu.memory_space<semaphore_mem>>) {add = true}
    }
    %scan3A_9 = arith.constant 80 : i32
    %scan3A_10 = arith.constant 0 : i32
    %scan3A_11 = arith.constant 0 : i32
    %scan3A_12 = arith.constant 80 : i32
    %scan3A_13 = arith.addi %scan3A_11, %scan3A_12 : i32
    %scan3A_14 = arith.constant 1 : i32
    scf.for %scan3A_24 = %scan3A_11 to %scan3A_13 step %scan3A_14  : i32 {
      %dma_wait3A = arith.constant 0 : i32
      %dma_wait3A_25 = tpu.memref_slice %arg6[%scan3A_24, %dma_wait3A] : memref<80x128xi32, #tpu.memory_space<vmem>> -> memref<1x128xi32, #tpu.memory_space<vmem>>
      %dma_wait3A_26 = tpu.memref_squeeze %dma_wait3A_25 : memref<1x128xi32, #tpu.memory_space<vmem>> -> memref<128xi32, #tpu.memory_space<vmem>>
      %dma_wait3A_27 = arith.constant 0 : i32
      %dma_wait3A_28 = tpu.memref_slice %arg9[%dma_wait3A_27] : memref<10112xf32, #tpu.memory_space<vmem_shared>> -> memref<10112xf32, #tpu.memory_space<vmem_shared>>
      tpu.wait_indirect_dma semaphore(%arg10 : memref<!tpu.dma_semaphore, #tpu.memory_space<semaphore_mem>>) src(%arg7 : memref<128xf32, #tpu.memory_space<vmem>>) dst(%dma_wait3A_28 : memref<10112xf32, #tpu.memory_space<vmem_shared>>)
    }
    %scan3A_15 = arith.constant 80 : i32
    %barrier3A_16 = arith.constant 0 : index
    tpu.barrier barrier_id(%barrier3A_16)
    %mul3A_17 = arith.constant 632 : i32
    %mul3A_18 = arith.muli %arg1, %mul3A_17 : i32
    "tpu.region"() ({
      %run_scoped3A = tpu.sem_alloc : memref<!tpu.dma_semaphore, #tpu.memory_space<semaphore_mem>>
      %dma_start3A = tpu.memref_slice %arg9[%mul3A_18] : memref<10112xf32, #tpu.memory_space<vmem_shared>> -> memref<632xf32, #tpu.memory_space<vmem_shared>>
      %dma_start3A_24 = tpu.memref_slice %arg9[%mul3A_18] : memref<10112xf32, #tpu.memory_space<vmem_shared>> -> memref<632xf32, #tpu.memory_space<vmem_shared>>
      tpu.enqueue_dma source(%dma_start3A_24 : memref<632xf32, #tpu.memory_space<vmem_shared>>) target(%arg8 : memref<632xf32, #tpu.memory_space<vmem>>) target_semaphore(%run_scoped3A : memref<!tpu.dma_semaphore, #tpu.memory_space<semaphore_mem>>)
      %dma_wait3A = tpu.memref_slice %arg9[%mul3A_18] : memref<10112xf32, #tpu.memory_space<vmem_shared>> -> memref<632xf32, #tpu.memory_space<vmem_shared>>
      %dma_wait3A_25 = tpu.memref_slice %arg9[%mul3A_18] : memref<10112xf32, #tpu.memory_space<vmem_shared>> -> memref<632xf32, #tpu.memory_space<vmem_shared>>
      tpu.wait_dma2 semaphore(%run_scoped3A : memref<!tpu.dma_semaphore, #tpu.memory_space<semaphore_mem>>) src(%dma_wait3A_25 : memref<632xf32, #tpu.memory_space<vmem_shared>>) dst(%arg8 : memref<632xf32, #tpu.memory_space<vmem>>)
      tpu.yield
    }) : () -> ()
    %mul3A_19 = arith.constant 10112 : i32
    %mul3A_20 = arith.muli %arg0, %mul3A_19 : i32
    %mul3A_21 = arith.constant 632 : i32
    %mul3A_22 = arith.muli %arg1, %mul3A_21 : i32
    %add3A_23 = arith.addi %mul3A_20, %mul3A_22 : i32
    "tpu.region"() ({
      %run_scoped3A = tpu.sem_alloc : memref<!tpu.dma_semaphore, #tpu.memory_space<semaphore_mem>>
      %dma_start3A = tpu.memref_slice %arg5[%add3A_23] : memref<20224xf32, #tpu.memory_space<hbm>> -> memref<632xf32, #tpu.memory_space<hbm>>
      %dma_start3A_24 = tpu.memref_slice %arg5[%add3A_23] : memref<20224xf32, #tpu.memory_space<hbm>> -> memref<632xf32, #tpu.memory_space<hbm>>
      tpu.enqueue_dma source(%arg8 : memref<632xf32, #tpu.memory_space<vmem>>) target(%dma_start3A_24 : memref<632xf32, #tpu.memory_space<hbm>>) target_semaphore(%run_scoped3A : memref<!tpu.dma_semaphore, #tpu.memory_space<semaphore_mem>>)
      %dma_wait3A = tpu.memref_slice %arg5[%add3A_23] : memref<20224xf32, #tpu.memory_space<hbm>> -> memref<632xf32, #tpu.memory_space<hbm>>
      %dma_wait3A_25 = tpu.memref_slice %arg5[%add3A_23] : memref<20224xf32, #tpu.memory_space<hbm>> -> memref<632xf32, #tpu.memory_space<hbm>>
      tpu.wait_dma2 semaphore(%run_scoped3A : memref<!tpu.dma_semaphore, #tpu.memory_space<semaphore_mem>>) src(%arg8 : memref<632xf32, #tpu.memory_space<vmem>>) dst(%dma_wait3A_25 : memref<632xf32, #tpu.memory_space<hbm>>)
      tpu.yield
    }) : () -> ()
    return
  }
}

#map = affine_map<(d0, d1) -> (0, 0)>
#map1 = affine_map<(d0, d1) -> (0)>
#map2 = affine_map<(d0, d1) -> (0, 0, 0)>
module attributes {stable_mosaic.version = 14 : i64} {
  func.func @_agg_kernel(%arg0: i32, %arg1: i32, %arg2: memref<10112x128xf32, #tpu.memory_space<hbm>>, %arg3: memref<10112xf32, #tpu.memory_space<hbm>>, %arg4: memref<32x80x128xi32, #tpu.memory_space<hbm>>, %arg5: memref<32x80x128xi32, #tpu.memory_space<hbm>>, %arg6: memref<10112x128xf32, #tpu.memory_space<hbm>>, %arg7: memref<10112xf32, #tpu.memory_space<hbm>>, %arg8: memref<2x10112x128xf32, #tpu.memory_space<hbm>>, %arg9: memref<20224xf32, #tpu.memory_space<hbm>>, %arg10: memref<40x128xi32, #tpu.memory_space<vmem>>, %arg11: memref<40x128xi32, #tpu.memory_space<vmem>>, %arg12: memref<40x128xf32, #tpu.memory_space<vmem>>, %arg13: memref<2x128x128xf32, #tpu.memory_space<vmem>>, %arg14: memref<10112x128xf32, #tpu.memory_space<vmem_shared>>, %arg15: memref<10112xf32, #tpu.memory_space<vmem_shared>>, %arg16: memref<2x!tpu.dma_semaphore, #tpu.memory_space<semaphore_mem>>, %arg17: memref<2x!tpu.dma_semaphore, #tpu.memory_space<semaphore_mem>>, %arg18: memref<!tpu.dma_semaphore, #tpu.memory_space<semaphore_mem>>, %arg19: memref<!tpu.dma_semaphore, #tpu.memory_space<semaphore_mem>>) attributes {dimension_semantics = [#tpu.dimension_semantics<core_parallel>, #tpu.dimension_semantics<subcore_parallel>], iteration_bounds = array<i64: 2, 16>, scalar_prefetch = 0 : i64, scratch_operands = 10 : i64, tpu.core_type = #tpu.core_type<sc_vector_subcore>, window_params = [{transform_indices = #map}, {transform_indices = #map1}, {transform_indices = #map2}, {transform_indices = #map2}, {transform_indices = #map}, {transform_indices = #map1}, {transform_indices = #map2}, {transform_indices = #map1}]} {
    %mul3A = arith.constant 16 : i32
    %mul3A_0 = arith.muli %arg0, %mul3A : i32
    %add3A = arith.addi %mul3A_0, %arg1 : i32
    %mul3A_1 = arith.constant 632 : i32
    %mul3A_2 = arith.muli %arg1, %mul3A_1 : i32
    %run_scoped3A = arith.constant 0 : i32
    "tpu.region"() ({
      %run_scoped3A_225 = tpu.sem_alloc : memref<!tpu.dma_semaphore, #tpu.memory_space<semaphore_mem>>
      %dma_start3A_226 = arith.constant 0 : i32
      %dma_start3A_227 = arith.constant 0 : i32
      %dma_start3A_228 = tpu.memref_slice %arg13[%run_scoped3A, %dma_start3A_226, %dma_start3A_227] : memref<2x128x128xf32, #tpu.memory_space<vmem>> -> memref<1x128x128xf32, #tpu.memory_space<vmem>>
      %dma_start3A_229 = tpu.memref_squeeze %dma_start3A_228 : memref<1x128x128xf32, #tpu.memory_space<vmem>> -> memref<128x128xf32, #tpu.memory_space<vmem>>
      %dma_start3A_230 = arith.constant 0 : i32
      %dma_start3A_231 = tpu.memref_slice %arg6[%mul3A_2, %dma_start3A_230] : memref<10112x128xf32, #tpu.memory_space<hbm>> -> memref<128x128xf32, #tpu.memory_space<hbm>>
      %dma_start3A_232 = arith.constant 0 : i32
      %dma_start3A_233 = arith.constant 0 : i32
      %dma_start3A_234 = tpu.memref_slice %arg13[%run_scoped3A, %dma_start3A_232, %dma_start3A_233] : memref<2x128x128xf32, #tpu.memory_space<vmem>> -> memref<1x128x128xf32, #tpu.memory_space<vmem>>
      %dma_start3A_235 = tpu.memref_squeeze %dma_start3A_234 : memref<1x128x128xf32, #tpu.memory_space<vmem>> -> memref<128x128xf32, #tpu.memory_space<vmem>>
      %dma_start3A_236 = arith.constant 0 : i32
      %dma_start3A_237 = tpu.memref_slice %arg6[%mul3A_2, %dma_start3A_236] : memref<10112x128xf32, #tpu.memory_space<hbm>> -> memref<128x128xf32, #tpu.memory_space<hbm>>
      tpu.enqueue_dma source(%dma_start3A_237 : memref<128x128xf32, #tpu.memory_space<hbm>>) target(%dma_start3A_235 : memref<128x128xf32, #tpu.memory_space<vmem>>) target_semaphore(%run_scoped3A_225 : memref<!tpu.dma_semaphore, #tpu.memory_space<semaphore_mem>>)
      %dma_wait3A_238 = arith.constant 0 : i32
      %dma_wait3A_239 = arith.constant 0 : i32
      %dma_wait3A_240 = tpu.memref_slice %arg13[%run_scoped3A, %dma_wait3A_238, %dma_wait3A_239] : memref<2x128x128xf32, #tpu.memory_space<vmem>> -> memref<1x128x128xf32, #tpu.memory_space<vmem>>
      %dma_wait3A_241 = tpu.memref_squeeze %dma_wait3A_240 : memref<1x128x128xf32, #tpu.memory_space<vmem>> -> memref<128x128xf32, #tpu.memory_space<vmem>>
      %dma_wait3A_242 = arith.constant 0 : i32
      %dma_wait3A_243 = tpu.memref_slice %arg6[%mul3A_2, %dma_wait3A_242] : memref<10112x128xf32, #tpu.memory_space<hbm>> -> memref<128x128xf32, #tpu.memory_space<hbm>>
      %dma_wait3A_244 = arith.constant 0 : i32
      %dma_wait3A_245 = arith.constant 0 : i32
      %dma_wait3A_246 = tpu.memref_slice %arg13[%run_scoped3A, %dma_wait3A_244, %dma_wait3A_245] : memref<2x128x128xf32, #tpu.memory_space<vmem>> -> memref<1x128x128xf32, #tpu.memory_space<vmem>>
      %dma_wait3A_247 = tpu.memref_squeeze %dma_wait3A_246 : memref<1x128x128xf32, #tpu.memory_space<vmem>> -> memref<128x128xf32, #tpu.memory_space<vmem>>
      %dma_wait3A_248 = arith.constant 0 : i32
      %dma_wait3A_249 = tpu.memref_slice %arg6[%mul3A_2, %dma_wait3A_248] : memref<10112x128xf32, #tpu.memory_space<hbm>> -> memref<128x128xf32, #tpu.memory_space<hbm>>
      tpu.wait_dma2 semaphore(%run_scoped3A_225 : memref<!tpu.dma_semaphore, #tpu.memory_space<semaphore_mem>>) src(%dma_wait3A_249 : memref<128x128xf32, #tpu.memory_space<hbm>>) dst(%dma_wait3A_247 : memref<128x128xf32, #tpu.memory_space<vmem>>)
      tpu.yield
    }) : () -> ()
    %scan3A = arith.constant 0 : i32
    %scan3A_3 = arith.constant 0 : i32
    %scan3A_4 = arith.constant 4 : i32
    %scan3A_5 = arith.addi %scan3A_3, %scan3A_4 : i32
    %scan3A_6 = arith.constant 1 : i32
    scf.for %scan3A_225 = %scan3A_3 to %scan3A_5 step %scan3A_6  : i32 {
      %mul3A_226 = arith.constant 632 : i32
      %mul3A_227 = arith.muli %arg1, %mul3A_226 : i32
      %mul3A_228 = arith.constant 128 : i32
      %mul3A_229 = arith.muli %scan3A_225, %mul3A_228 : i32
      %add3A_230 = arith.addi %mul3A_227, %mul3A_229 : i32
      %run_scoped3A_231 = arith.constant 0 : i32
      "tpu.region"() ({
        %run_scoped3A_232 = tpu.sem_alloc : memref<!tpu.dma_semaphore, #tpu.memory_space<semaphore_mem>>
        %dma_start3A_233 = arith.constant 0 : i32
        %dma_start3A_234 = arith.constant 0 : i32
        %dma_start3A_235 = tpu.memref_slice %arg13[%run_scoped3A_231, %dma_start3A_233, %dma_start3A_234] : memref<2x128x128xf32, #tpu.memory_space<vmem>> -> memref<1x128x128xf32, #tpu.memory_space<vmem>>
        %dma_start3A_236 = tpu.memref_squeeze %dma_start3A_235 : memref<1x128x128xf32, #tpu.memory_space<vmem>> -> memref<128x128xf32, #tpu.memory_space<vmem>>
        %dma_start3A_237 = arith.constant 0 : i32
        %dma_start3A_238 = tpu.memref_slice %arg14[%add3A_230, %dma_start3A_237] : memref<10112x128xf32, #tpu.memory_space<vmem_shared>> -> memref<128x128xf32, #tpu.memory_space<vmem_shared>>
        %dma_start3A_239 = arith.constant 0 : i32
        %dma_start3A_240 = tpu.memref_slice %arg14[%add3A_230, %dma_start3A_239] : memref<10112x128xf32, #tpu.memory_space<vmem_shared>> -> memref<128x128xf32, #tpu.memory_space<vmem_shared>>
        %dma_start3A_241 = arith.constant 0 : i32
        %dma_start3A_242 = arith.constant 0 : i32
        %dma_start3A_243 = tpu.memref_slice %arg13[%run_scoped3A_231, %dma_start3A_241, %dma_start3A_242] : memref<2x128x128xf32, #tpu.memory_space<vmem>> -> memref<1x128x128xf32, #tpu.memory_space<vmem>>
        %dma_start3A_244 = tpu.memref_squeeze %dma_start3A_243 : memref<1x128x128xf32, #tpu.memory_space<vmem>> -> memref<128x128xf32, #tpu.memory_space<vmem>>
        tpu.enqueue_dma source(%dma_start3A_244 : memref<128x128xf32, #tpu.memory_space<vmem>>) target(%dma_start3A_240 : memref<128x128xf32, #tpu.memory_space<vmem_shared>>) target_semaphore(%run_scoped3A_232 : memref<!tpu.dma_semaphore, #tpu.memory_space<semaphore_mem>>)
        %dma_wait3A_245 = arith.constant 0 : i32
        %dma_wait3A_246 = arith.constant 0 : i32
        %dma_wait3A_247 = tpu.memref_slice %arg13[%run_scoped3A_231, %dma_wait3A_245, %dma_wait3A_246] : memref<2x128x128xf32, #tpu.memory_space<vmem>> -> memref<1x128x128xf32, #tpu.memory_space<vmem>>
        %dma_wait3A_248 = tpu.memref_squeeze %dma_wait3A_247 : memref<1x128x128xf32, #tpu.memory_space<vmem>> -> memref<128x128xf32, #tpu.memory_space<vmem>>
        %dma_wait3A_249 = arith.constant 0 : i32
        %dma_wait3A_250 = tpu.memref_slice %arg14[%add3A_230, %dma_wait3A_249] : memref<10112x128xf32, #tpu.memory_space<vmem_shared>> -> memref<128x128xf32, #tpu.memory_space<vmem_shared>>
        %dma_wait3A_251 = arith.constant 0 : i32
        %dma_wait3A_252 = tpu.memref_slice %arg14[%add3A_230, %dma_wait3A_251] : memref<10112x128xf32, #tpu.memory_space<vmem_shared>> -> memref<128x128xf32, #tpu.memory_space<vmem_shared>>
        %dma_wait3A_253 = arith.constant 0 : i32
        %dma_wait3A_254 = arith.constant 0 : i32
        %dma_wait3A_255 = tpu.memref_slice %arg13[%run_scoped3A_231, %dma_wait3A_253, %dma_wait3A_254] : memref<2x128x128xf32, #tpu.memory_space<vmem>> -> memref<1x128x128xf32, #tpu.memory_space<vmem>>
        %dma_wait3A_256 = tpu.memref_squeeze %dma_wait3A_255 : memref<1x128x128xf32, #tpu.memory_space<vmem>> -> memref<128x128xf32, #tpu.memory_space<vmem>>
        tpu.wait_dma2 semaphore(%run_scoped3A_232 : memref<!tpu.dma_semaphore, #tpu.memory_space<semaphore_mem>>) src(%dma_wait3A_256 : memref<128x128xf32, #tpu.memory_space<vmem>>) dst(%dma_wait3A_252 : memref<128x128xf32, #tpu.memory_space<vmem_shared>>)
        tpu.yield
      }) : () -> ()
    }
    %scan3A_7 = arith.constant 4 : i32
    %mul3A_8 = arith.constant 632 : i32
    %mul3A_9 = arith.muli %arg1, %mul3A_8 : i32
    %add3A_10 = arith.constant 512 : i32
    %add3A_11 = arith.addi %mul3A_9, %add3A_10 : i32
    %run_scoped3A_12 = arith.constant 0 : i32
    "tpu.region"() ({
      %run_scoped3A_225 = tpu.sem_alloc : memref<!tpu.dma_semaphore, #tpu.memory_space<semaphore_mem>>
      %dma_start3A_226 = arith.constant 0 : i32
      %dma_start3A_227 = arith.constant 0 : i32
      %dma_start3A_228 = tpu.memref_slice %arg13[%run_scoped3A_12, %dma_start3A_226, %dma_start3A_227] : memref<2x128x128xf32, #tpu.memory_space<vmem>> -> memref<1x120x128xf32, #tpu.memory_space<vmem>>
      %dma_start3A_229 = tpu.memref_squeeze %dma_start3A_228 : memref<1x120x128xf32, #tpu.memory_space<vmem>> -> memref<120x128xf32, #tpu.memory_space<vmem>>
      %dma_start3A_230 = arith.constant 0 : i32
      %dma_start3A_231 = tpu.memref_slice %arg14[%add3A_11, %dma_start3A_230] : memref<10112x128xf32, #tpu.memory_space<vmem_shared>> -> memref<120x128xf32, #tpu.memory_space<vmem_shared>>
      %dma_start3A_232 = arith.constant 0 : i32
      %dma_start3A_233 = tpu.memref_slice %arg14[%add3A_11, %dma_start3A_232] : memref<10112x128xf32, #tpu.memory_space<vmem_shared>> -> memref<120x128xf32, #tpu.memory_space<vmem_shared>>
      %dma_start3A_234 = arith.constant 0 : i32
      %dma_start3A_235 = arith.constant 0 : i32
      %dma_start3A_236 = tpu.memref_slice %arg13[%run_scoped3A_12, %dma_start3A_234, %dma_start3A_235] : memref<2x128x128xf32, #tpu.memory_space<vmem>> -> memref<1x120x128xf32, #tpu.memory_space<vmem>>
      %dma_start3A_237 = tpu.memref_squeeze %dma_start3A_236 : memref<1x120x128xf32, #tpu.memory_space<vmem>> -> memref<120x128xf32, #tpu.memory_space<vmem>>
      tpu.enqueue_dma source(%dma_start3A_237 : memref<120x128xf32, #tpu.memory_space<vmem>>) target(%dma_start3A_233 : memref<120x128xf32, #tpu.memory_space<vmem_shared>>) target_semaphore(%run_scoped3A_225 : memref<!tpu.dma_semaphore, #tpu.memory_space<semaphore_mem>>)
      %dma_wait3A_238 = arith.constant 0 : i32
      %dma_wait3A_239 = arith.constant 0 : i32
      %dma_wait3A_240 = tpu.memref_slice %arg13[%run_scoped3A_12, %dma_wait3A_238, %dma_wait3A_239] : memref<2x128x128xf32, #tpu.memory_space<vmem>> -> memref<1x120x128xf32, #tpu.memory_space<vmem>>
      %dma_wait3A_241 = tpu.memref_squeeze %dma_wait3A_240 : memref<1x120x128xf32, #tpu.memory_space<vmem>> -> memref<120x128xf32, #tpu.memory_space<vmem>>
      %dma_wait3A_242 = arith.constant 0 : i32
      %dma_wait3A_243 = tpu.memref_slice %arg14[%add3A_11, %dma_wait3A_242] : memref<10112x128xf32, #tpu.memory_space<vmem_shared>> -> memref<120x128xf32, #tpu.memory_space<vmem_shared>>
      %dma_wait3A_244 = arith.constant 0 : i32
      %dma_wait3A_245 = tpu.memref_slice %arg14[%add3A_11, %dma_wait3A_244] : memref<10112x128xf32, #tpu.memory_space<vmem_shared>> -> memref<120x128xf32, #tpu.memory_space<vmem_shared>>
      %dma_wait3A_246 = arith.constant 0 : i32
      %dma_wait3A_247 = arith.constant 0 : i32
      %dma_wait3A_248 = tpu.memref_slice %arg13[%run_scoped3A_12, %dma_wait3A_246, %dma_wait3A_247] : memref<2x128x128xf32, #tpu.memory_space<vmem>> -> memref<1x120x128xf32, #tpu.memory_space<vmem>>
      %dma_wait3A_249 = tpu.memref_squeeze %dma_wait3A_248 : memref<1x120x128xf32, #tpu.memory_space<vmem>> -> memref<120x128xf32, #tpu.memory_space<vmem>>
      tpu.wait_dma2 semaphore(%run_scoped3A_225 : memref<!tpu.dma_semaphore, #tpu.memory_space<semaphore_mem>>) src(%dma_wait3A_249 : memref<120x128xf32, #tpu.memory_space<vmem>>) dst(%dma_wait3A_245 : memref<120x128xf32, #tpu.memory_space<vmem_shared>>)
      tpu.yield
    }) : () -> ()
    %mul3A_13 = arith.constant 632 : i32
    %mul3A_14 = arith.muli %arg1, %mul3A_13 : i32
    %run_scoped3A_15 = arith.constant 0 : i32
    "tpu.region"() ({
      %run_scoped3A_225 = tpu.sem_alloc : memref<!tpu.dma_semaphore, #tpu.memory_space<semaphore_mem>>
      %dma_start3A_226 = arith.constant 0 : i32
      %dma_start3A_227 = tpu.memref_slice %arg12[%run_scoped3A_15, %dma_start3A_226] : memref<40x128xf32, #tpu.memory_space<vmem>> -> memref<1x128xf32, #tpu.memory_space<vmem>>
      %dma_start3A_228 = tpu.memref_squeeze %dma_start3A_227 : memref<1x128xf32, #tpu.memory_space<vmem>> -> memref<128xf32, #tpu.memory_space<vmem>>
      %dma_start3A_229 = tpu.memref_slice %arg7[%mul3A_14] : memref<10112xf32, #tpu.memory_space<hbm>> -> memref<128xf32, #tpu.memory_space<hbm>>
      %dma_start3A_230 = arith.constant 0 : i32
      %dma_start3A_231 = tpu.memref_slice %arg12[%run_scoped3A_15, %dma_start3A_230] : memref<40x128xf32, #tpu.memory_space<vmem>> -> memref<1x128xf32, #tpu.memory_space<vmem>>
      %dma_start3A_232 = tpu.memref_squeeze %dma_start3A_231 : memref<1x128xf32, #tpu.memory_space<vmem>> -> memref<128xf32, #tpu.memory_space<vmem>>
      %dma_start3A_233 = tpu.memref_slice %arg7[%mul3A_14] : memref<10112xf32, #tpu.memory_space<hbm>> -> memref<128xf32, #tpu.memory_space<hbm>>
      tpu.enqueue_dma source(%dma_start3A_233 : memref<128xf32, #tpu.memory_space<hbm>>) target(%dma_start3A_232 : memref<128xf32, #tpu.memory_space<vmem>>) target_semaphore(%run_scoped3A_225 : memref<!tpu.dma_semaphore, #tpu.memory_space<semaphore_mem>>)
      %dma_wait3A_234 = arith.constant 0 : i32
      %dma_wait3A_235 = tpu.memref_slice %arg12[%run_scoped3A_15, %dma_wait3A_234] : memref<40x128xf32, #tpu.memory_space<vmem>> -> memref<1x128xf32, #tpu.memory_space<vmem>>
      %dma_wait3A_236 = tpu.memref_squeeze %dma_wait3A_235 : memref<1x128xf32, #tpu.memory_space<vmem>> -> memref<128xf32, #tpu.memory_space<vmem>>
      %dma_wait3A_237 = tpu.memref_slice %arg7[%mul3A_14] : memref<10112xf32, #tpu.memory_space<hbm>> -> memref<128xf32, #tpu.memory_space<hbm>>
      %dma_wait3A_238 = arith.constant 0 : i32
      %dma_wait3A_239 = tpu.memref_slice %arg12[%run_scoped3A_15, %dma_wait3A_238] : memref<40x128xf32, #tpu.memory_space<vmem>> -> memref<1x128xf32, #tpu.memory_space<vmem>>
      %dma_wait3A_240 = tpu.memref_squeeze %dma_wait3A_239 : memref<1x128xf32, #tpu.memory_space<vmem>> -> memref<128xf32, #tpu.memory_space<vmem>>
      %dma_wait3A_241 = tpu.memref_slice %arg7[%mul3A_14] : memref<10112xf32, #tpu.memory_space<hbm>> -> memref<128xf32, #tpu.memory_space<hbm>>
      tpu.wait_dma2 semaphore(%run_scoped3A_225 : memref<!tpu.dma_semaphore, #tpu.memory_space<semaphore_mem>>) src(%dma_wait3A_241 : memref<128xf32, #tpu.memory_space<hbm>>) dst(%dma_wait3A_240 : memref<128xf32, #tpu.memory_space<vmem>>)
      tpu.yield
    }) : () -> ()
    %scan3A_16 = arith.constant 0 : i32
    %scan3A_17 = arith.constant 0 : i32
    %scan3A_18 = arith.constant 4 : i32
    %scan3A_19 = arith.addi %scan3A_17, %scan3A_18 : i32
    %scan3A_20 = arith.constant 1 : i32
    scf.for %scan3A_225 = %scan3A_17 to %scan3A_19 step %scan3A_20  : i32 {
      %mul3A_226 = arith.constant 632 : i32
      %mul3A_227 = arith.muli %arg1, %mul3A_226 : i32
      %mul3A_228 = arith.constant 128 : i32
      %mul3A_229 = arith.muli %scan3A_225, %mul3A_228 : i32
      %add3A_230 = arith.addi %mul3A_227, %mul3A_229 : i32
      %run_scoped3A_231 = arith.constant 0 : i32
      "tpu.region"() ({
        %run_scoped3A_232 = tpu.sem_alloc : memref<!tpu.dma_semaphore, #tpu.memory_space<semaphore_mem>>
        %dma_start3A_233 = arith.constant 0 : i32
        %dma_start3A_234 = tpu.memref_slice %arg12[%run_scoped3A_231, %dma_start3A_233] : memref<40x128xf32, #tpu.memory_space<vmem>> -> memref<1x128xf32, #tpu.memory_space<vmem>>
        %dma_start3A_235 = tpu.memref_squeeze %dma_start3A_234 : memref<1x128xf32, #tpu.memory_space<vmem>> -> memref<128xf32, #tpu.memory_space<vmem>>
        %dma_start3A_236 = tpu.memref_slice %arg15[%add3A_230] : memref<10112xf32, #tpu.memory_space<vmem_shared>> -> memref<128xf32, #tpu.memory_space<vmem_shared>>
        %dma_start3A_237 = tpu.memref_slice %arg15[%add3A_230] : memref<10112xf32, #tpu.memory_space<vmem_shared>> -> memref<128xf32, #tpu.memory_space<vmem_shared>>
        %dma_start3A_238 = arith.constant 0 : i32
        %dma_start3A_239 = tpu.memref_slice %arg12[%run_scoped3A_231, %dma_start3A_238] : memref<40x128xf32, #tpu.memory_space<vmem>> -> memref<1x128xf32, #tpu.memory_space<vmem>>
        %dma_start3A_240 = tpu.memref_squeeze %dma_start3A_239 : memref<1x128xf32, #tpu.memory_space<vmem>> -> memref<128xf32, #tpu.memory_space<vmem>>
        tpu.enqueue_dma source(%dma_start3A_240 : memref<128xf32, #tpu.memory_space<vmem>>) target(%dma_start3A_237 : memref<128xf32, #tpu.memory_space<vmem_shared>>) target_semaphore(%run_scoped3A_232 : memref<!tpu.dma_semaphore, #tpu.memory_space<semaphore_mem>>)
        %dma_wait3A_241 = arith.constant 0 : i32
        %dma_wait3A_242 = tpu.memref_slice %arg12[%run_scoped3A_231, %dma_wait3A_241] : memref<40x128xf32, #tpu.memory_space<vmem>> -> memref<1x128xf32, #tpu.memory_space<vmem>>
        %dma_wait3A_243 = tpu.memref_squeeze %dma_wait3A_242 : memref<1x128xf32, #tpu.memory_space<vmem>> -> memref<128xf32, #tpu.memory_space<vmem>>
        %dma_wait3A_244 = tpu.memref_slice %arg15[%add3A_230] : memref<10112xf32, #tpu.memory_space<vmem_shared>> -> memref<128xf32, #tpu.memory_space<vmem_shared>>
        %dma_wait3A_245 = tpu.memref_slice %arg15[%add3A_230] : memref<10112xf32, #tpu.memory_space<vmem_shared>> -> memref<128xf32, #tpu.memory_space<vmem_shared>>
        %dma_wait3A_246 = arith.constant 0 : i32
        %dma_wait3A_247 = tpu.memref_slice %arg12[%run_scoped3A_231, %dma_wait3A_246] : memref<40x128xf32, #tpu.memory_space<vmem>> -> memref<1x128xf32, #tpu.memory_space<vmem>>
        %dma_wait3A_248 = tpu.memref_squeeze %dma_wait3A_247 : memref<1x128xf32, #tpu.memory_space<vmem>> -> memref<128xf32, #tpu.memory_space<vmem>>
        tpu.wait_dma2 semaphore(%run_scoped3A_232 : memref<!tpu.dma_semaphore, #tpu.memory_space<semaphore_mem>>) src(%dma_wait3A_248 : memref<128xf32, #tpu.memory_space<vmem>>) dst(%dma_wait3A_245 : memref<128xf32, #tpu.memory_space<vmem_shared>>)
        tpu.yield
      }) : () -> ()
    }
    %scan3A_21 = arith.constant 4 : i32
    %mul3A_22 = arith.constant 632 : i32
    %mul3A_23 = arith.muli %arg1, %mul3A_22 : i32
    %add3A_24 = arith.constant 512 : i32
    %add3A_25 = arith.addi %mul3A_23, %add3A_24 : i32
    %run_scoped3A_26 = arith.constant 0 : i32
    "tpu.region"() ({
      %run_scoped3A_225 = tpu.sem_alloc : memref<!tpu.dma_semaphore, #tpu.memory_space<semaphore_mem>>
      %dma_start3A_226 = arith.constant 0 : i32
      %dma_start3A_227 = tpu.memref_slice %arg12[%run_scoped3A_26, %dma_start3A_226] : memref<40x128xf32, #tpu.memory_space<vmem>> -> memref<1x120xf32, #tpu.memory_space<vmem>>
      %dma_start3A_228 = tpu.memref_squeeze %dma_start3A_227 : memref<1x120xf32, #tpu.memory_space<vmem>> -> memref<120xf32, #tpu.memory_space<vmem>>
      %dma_start3A_229 = tpu.memref_slice %arg15[%add3A_25] : memref<10112xf32, #tpu.memory_space<vmem_shared>> -> memref<120xf32, #tpu.memory_space<vmem_shared>>
      %dma_start3A_230 = tpu.memref_slice %arg15[%add3A_25] : memref<10112xf32, #tpu.memory_space<vmem_shared>> -> memref<120xf32, #tpu.memory_space<vmem_shared>>
      %dma_start3A_231 = arith.constant 0 : i32
      %dma_start3A_232 = tpu.memref_slice %arg12[%run_scoped3A_26, %dma_start3A_231] : memref<40x128xf32, #tpu.memory_space<vmem>> -> memref<1x120xf32, #tpu.memory_space<vmem>>
      %dma_start3A_233 = tpu.memref_squeeze %dma_start3A_232 : memref<1x120xf32, #tpu.memory_space<vmem>> -> memref<120xf32, #tpu.memory_space<vmem>>
      tpu.enqueue_dma source(%dma_start3A_233 : memref<120xf32, #tpu.memory_space<vmem>>) target(%dma_start3A_230 : memref<120xf32, #tpu.memory_space<vmem_shared>>) target_semaphore(%run_scoped3A_225 : memref<!tpu.dma_semaphore, #tpu.memory_space<semaphore_mem>>)
      %dma_wait3A_234 = arith.constant 0 : i32
      %dma_wait3A_235 = tpu.memref_slice %arg12[%run_scoped3A_26, %dma_wait3A_234] : memref<40x128xf32, #tpu.memory_space<vmem>> -> memref<1x120xf32, #tpu.memory_space<vmem>>
      %dma_wait3A_236 = tpu.memref_squeeze %dma_wait3A_235 : memref<1x120xf32, #tpu.memory_space<vmem>> -> memref<120xf32, #tpu.memory_space<vmem>>
      %dma_wait3A_237 = tpu.memref_slice %arg15[%add3A_25] : memref<10112xf32, #tpu.memory_space<vmem_shared>> -> memref<120xf32, #tpu.memory_space<vmem_shared>>
      %dma_wait3A_238 = tpu.memref_slice %arg15[%add3A_25] : memref<10112xf32, #tpu.memory_space<vmem_shared>> -> memref<120xf32, #tpu.memory_space<vmem_shared>>
      %dma_wait3A_239 = arith.constant 0 : i32
      %dma_wait3A_240 = tpu.memref_slice %arg12[%run_scoped3A_26, %dma_wait3A_239] : memref<40x128xf32, #tpu.memory_space<vmem>> -> memref<1x120xf32, #tpu.memory_space<vmem>>
      %dma_wait3A_241 = tpu.memref_squeeze %dma_wait3A_240 : memref<1x120xf32, #tpu.memory_space<vmem>> -> memref<120xf32, #tpu.memory_space<vmem>>
      tpu.wait_dma2 semaphore(%run_scoped3A_225 : memref<!tpu.dma_semaphore, #tpu.memory_space<semaphore_mem>>) src(%dma_wait3A_241 : memref<120xf32, #tpu.memory_space<vmem>>) dst(%dma_wait3A_238 : memref<120xf32, #tpu.memory_space<vmem_shared>>)
      tpu.yield
    }) : () -> ()
    %barrier3A = arith.constant 0 : index
    tpu.barrier barrier_id(%barrier3A)
    "tpu.region"() ({
      %run_scoped3A_225 = tpu.sem_alloc : memref<!tpu.dma_semaphore, #tpu.memory_space<semaphore_mem>>
      %dma_start3A_226 = arith.constant 0 : i32
      %dma_start3A_227 = arith.constant 0 : i32
      %dma_start3A_228 = tpu.memref_slice %arg10[%dma_start3A_226, %dma_start3A_227] : memref<40x128xi32, #tpu.memory_space<vmem>> -> memref<40x128xi32, #tpu.memory_space<vmem>>
      %dma_start3A_229 = arith.constant 0 : i32
      %dma_start3A_230 = arith.constant 0 : i32
      %dma_start3A_231 = tpu.memref_slice %arg4[%add3A, %dma_start3A_229, %dma_start3A_230] : memref<32x80x128xi32, #tpu.memory_space<hbm>> -> memref<1x40x128xi32, #tpu.memory_space<hbm>>
      %dma_start3A_232 = tpu.memref_squeeze %dma_start3A_231 : memref<1x40x128xi32, #tpu.memory_space<hbm>> -> memref<40x128xi32, #tpu.memory_space<hbm>>
      %dma_start3A_233 = arith.constant 0 : i32
      %dma_start3A_234 = arith.constant 0 : i32
      %dma_start3A_235 = tpu.memref_slice %arg10[%dma_start3A_233, %dma_start3A_234] : memref<40x128xi32, #tpu.memory_space<vmem>> -> memref<40x128xi32, #tpu.memory_space<vmem>>
      %dma_start3A_236 = arith.constant 0 : i32
      %dma_start3A_237 = arith.constant 0 : i32
      %dma_start3A_238 = tpu.memref_slice %arg4[%add3A, %dma_start3A_236, %dma_start3A_237] : memref<32x80x128xi32, #tpu.memory_space<hbm>> -> memref<1x40x128xi32, #tpu.memory_space<hbm>>
      %dma_start3A_239 = tpu.memref_squeeze %dma_start3A_238 : memref<1x40x128xi32, #tpu.memory_space<hbm>> -> memref<40x128xi32, #tpu.memory_space<hbm>>
      tpu.enqueue_dma source(%dma_start3A_239 : memref<40x128xi32, #tpu.memory_space<hbm>>) target(%dma_start3A_235 : memref<40x128xi32, #tpu.memory_space<vmem>>) target_semaphore(%run_scoped3A_225 : memref<!tpu.dma_semaphore, #tpu.memory_space<semaphore_mem>>)
      %dma_wait3A_240 = arith.constant 0 : i32
      %dma_wait3A_241 = arith.constant 0 : i32
      %dma_wait3A_242 = tpu.memref_slice %arg10[%dma_wait3A_240, %dma_wait3A_241] : memref<40x128xi32, #tpu.memory_space<vmem>> -> memref<40x128xi32, #tpu.memory_space<vmem>>
      %dma_wait3A_243 = arith.constant 0 : i32
      %dma_wait3A_244 = arith.constant 0 : i32
      %dma_wait3A_245 = tpu.memref_slice %arg4[%add3A, %dma_wait3A_243, %dma_wait3A_244] : memref<32x80x128xi32, #tpu.memory_space<hbm>> -> memref<1x40x128xi32, #tpu.memory_space<hbm>>
      %dma_wait3A_246 = tpu.memref_squeeze %dma_wait3A_245 : memref<1x40x128xi32, #tpu.memory_space<hbm>> -> memref<40x128xi32, #tpu.memory_space<hbm>>
      %dma_wait3A_247 = arith.constant 0 : i32
      %dma_wait3A_248 = arith.constant 0 : i32
      %dma_wait3A_249 = tpu.memref_slice %arg10[%dma_wait3A_247, %dma_wait3A_248] : memref<40x128xi32, #tpu.memory_space<vmem>> -> memref<40x128xi32, #tpu.memory_space<vmem>>
      %dma_wait3A_250 = arith.constant 0 : i32
      %dma_wait3A_251 = arith.constant 0 : i32
      %dma_wait3A_252 = tpu.memref_slice %arg4[%add3A, %dma_wait3A_250, %dma_wait3A_251] : memref<32x80x128xi32, #tpu.memory_space<hbm>> -> memref<1x40x128xi32, #tpu.memory_space<hbm>>
      %dma_wait3A_253 = tpu.memref_squeeze %dma_wait3A_252 : memref<1x40x128xi32, #tpu.memory_space<hbm>> -> memref<40x128xi32, #tpu.memory_space<hbm>>
      tpu.wait_dma2 semaphore(%run_scoped3A_225 : memref<!tpu.dma_semaphore, #tpu.memory_space<semaphore_mem>>) src(%dma_wait3A_253 : memref<40x128xi32, #tpu.memory_space<hbm>>) dst(%dma_wait3A_249 : memref<40x128xi32, #tpu.memory_space<vmem>>)
      tpu.yield
    }) : () -> ()
    "tpu.region"() ({
      %run_scoped3A_225 = tpu.sem_alloc : memref<!tpu.dma_semaphore, #tpu.memory_space<semaphore_mem>>
      %dma_start3A_226 = arith.constant 0 : i32
      %dma_start3A_227 = arith.constant 0 : i32
      %dma_start3A_228 = tpu.memref_slice %arg11[%dma_start3A_226, %dma_start3A_227] : memref<40x128xi32, #tpu.memory_space<vmem>> -> memref<40x128xi32, #tpu.memory_space<vmem>>
      %dma_start3A_229 = arith.constant 0 : i32
      %dma_start3A_230 = arith.constant 0 : i32
      %dma_start3A_231 = tpu.memref_slice %arg5[%add3A, %dma_start3A_229, %dma_start3A_230] : memref<32x80x128xi32, #tpu.memory_space<hbm>> -> memref<1x40x128xi32, #tpu.memory_space<hbm>>
      %dma_start3A_232 = tpu.memref_squeeze %dma_start3A_231 : memref<1x40x128xi32, #tpu.memory_space<hbm>> -> memref<40x128xi32, #tpu.memory_space<hbm>>
      %dma_start3A_233 = arith.constant 0 : i32
      %dma_start3A_234 = arith.constant 0 : i32
      %dma_start3A_235 = tpu.memref_slice %arg11[%dma_start3A_233, %dma_start3A_234] : memref<40x128xi32, #tpu.memory_space<vmem>> -> memref<40x128xi32, #tpu.memory_space<vmem>>
      %dma_start3A_236 = arith.constant 0 : i32
      %dma_start3A_237 = arith.constant 0 : i32
      %dma_start3A_238 = tpu.memref_slice %arg5[%add3A, %dma_start3A_236, %dma_start3A_237] : memref<32x80x128xi32, #tpu.memory_space<hbm>> -> memref<1x40x128xi32, #tpu.memory_space<hbm>>
      %dma_start3A_239 = tpu.memref_squeeze %dma_start3A_238 : memref<1x40x128xi32, #tpu.memory_space<hbm>> -> memref<40x128xi32, #tpu.memory_space<hbm>>
      tpu.enqueue_dma source(%dma_start3A_239 : memref<40x128xi32, #tpu.memory_space<hbm>>) target(%dma_start3A_235 : memref<40x128xi32, #tpu.memory_space<vmem>>) target_semaphore(%run_scoped3A_225 : memref<!tpu.dma_semaphore, #tpu.memory_space<semaphore_mem>>)
      %dma_wait3A_240 = arith.constant 0 : i32
      %dma_wait3A_241 = arith.constant 0 : i32
      %dma_wait3A_242 = tpu.memref_slice %arg11[%dma_wait3A_240, %dma_wait3A_241] : memref<40x128xi32, #tpu.memory_space<vmem>> -> memref<40x128xi32, #tpu.memory_space<vmem>>
      %dma_wait3A_243 = arith.constant 0 : i32
      %dma_wait3A_244 = arith.constant 0 : i32
      %dma_wait3A_245 = tpu.memref_slice %arg5[%add3A, %dma_wait3A_243, %dma_wait3A_244] : memref<32x80x128xi32, #tpu.memory_space<hbm>> -> memref<1x40x128xi32, #tpu.memory_space<hbm>>
      %dma_wait3A_246 = tpu.memref_squeeze %dma_wait3A_245 : memref<1x40x128xi32, #tpu.memory_space<hbm>> -> memref<40x128xi32, #tpu.memory_space<hbm>>
      %dma_wait3A_247 = arith.constant 0 : i32
      %dma_wait3A_248 = arith.constant 0 : i32
      %dma_wait3A_249 = tpu.memref_slice %arg11[%dma_wait3A_247, %dma_wait3A_248] : memref<40x128xi32, #tpu.memory_space<vmem>> -> memref<40x128xi32, #tpu.memory_space<vmem>>
      %dma_wait3A_250 = arith.constant 0 : i32
      %dma_wait3A_251 = arith.constant 0 : i32
      %dma_wait3A_252 = tpu.memref_slice %arg5[%add3A, %dma_wait3A_250, %dma_wait3A_251] : memref<32x80x128xi32, #tpu.memory_space<hbm>> -> memref<1x40x128xi32, #tpu.memory_space<hbm>>
      %dma_wait3A_253 = tpu.memref_squeeze %dma_wait3A_252 : memref<1x40x128xi32, #tpu.memory_space<hbm>> -> memref<40x128xi32, #tpu.memory_space<hbm>>
      tpu.wait_dma2 semaphore(%run_scoped3A_225 : memref<!tpu.dma_semaphore, #tpu.memory_space<semaphore_mem>>) src(%dma_wait3A_253 : memref<40x128xi32, #tpu.memory_space<hbm>>) dst(%dma_wait3A_249 : memref<40x128xi32, #tpu.memory_space<vmem>>)
      tpu.yield
    }) : () -> ()
    %dma_start3A = arith.constant 0 : i32
    %dma_start3A_27 = arith.constant 0 : i32
    %dma_start3A_28 = arith.constant 0 : i32
    %dma_start3A_29 = arith.constant 0 : i32
    %dma_start3A_30 = arith.constant 0 : i32
    %dma_start3A_31 = tpu.memref_slice %arg13[%dma_start3A_27, %dma_start3A_29, %dma_start3A_30] : memref<2x128x128xf32, #tpu.memory_space<vmem>> -> memref<1x128x128xf32, #tpu.memory_space<vmem>>
    %dma_start3A_32 = tpu.memref_squeeze %dma_start3A_31 : memref<1x128x128xf32, #tpu.memory_space<vmem>> -> memref<128x128xf32, #tpu.memory_space<vmem>>
    %dma_start3A_33 = arith.constant 0 : i32
    %dma_start3A_34 = tpu.memref_slice %arg10[%dma_start3A, %dma_start3A_33] : memref<40x128xi32, #tpu.memory_space<vmem>> -> memref<1x128xi32, #tpu.memory_space<vmem>>
    %dma_start3A_35 = tpu.memref_squeeze %dma_start3A_34 : memref<1x128xi32, #tpu.memory_space<vmem>> -> memref<128xi32, #tpu.memory_space<vmem>>
    %dma_start3A_36 = arith.constant 0 : i32
    %dma_start3A_37 = arith.constant 0 : i32
    %dma_start3A_38 = tpu.memref_slice %arg2[%dma_start3A_36, %dma_start3A_37] : memref<10112x128xf32, #tpu.memory_space<hbm>> -> memref<10112x128xf32, #tpu.memory_space<hbm>>
    %dma_start3A_39 = tpu.memref_slice %arg16[%dma_start3A_28] : memref<2x!tpu.dma_semaphore, #tpu.memory_space<semaphore_mem>> -> memref<1x!tpu.dma_semaphore, #tpu.memory_space<semaphore_mem>>
    %dma_start3A_40 = tpu.memref_squeeze %dma_start3A_39 : memref<1x!tpu.dma_semaphore, #tpu.memory_space<semaphore_mem>> -> memref<!tpu.dma_semaphore, #tpu.memory_space<semaphore_mem>>
    tpu.enqueue_indirect_dma source(%dma_start3A_38 : memref<10112x128xf32, #tpu.memory_space<hbm>>) target(%dma_start3A_32 : memref<128x128xf32, #tpu.memory_space<vmem>>) offsets(%dma_start3A_35 : memref<128xi32, #tpu.memory_space<vmem>>) semaphore(%dma_start3A_40 : memref<!tpu.dma_semaphore, #tpu.memory_space<semaphore_mem>>)
    %dma_start3A_41 = arith.constant 1 : i32
    %dma_start3A_42 = arith.constant 1 : i32
    %dma_start3A_43 = arith.constant 1 : i32
    %dma_start3A_44 = arith.constant 0 : i32
    %dma_start3A_45 = arith.constant 0 : i32
    %dma_start3A_46 = tpu.memref_slice %arg13[%dma_start3A_42, %dma_start3A_44, %dma_start3A_45] : memref<2x128x128xf32, #tpu.memory_space<vmem>> -> memref<1x128x128xf32, #tpu.memory_space<vmem>>
    %dma_start3A_47 = tpu.memref_squeeze %dma_start3A_46 : memref<1x128x128xf32, #tpu.memory_space<vmem>> -> memref<128x128xf32, #tpu.memory_space<vmem>>
    %dma_start3A_48 = arith.constant 0 : i32
    %dma_start3A_49 = tpu.memref_slice %arg10[%dma_start3A_41, %dma_start3A_48] : memref<40x128xi32, #tpu.memory_space<vmem>> -> memref<1x128xi32, #tpu.memory_space<vmem>>
    %dma_start3A_50 = tpu.memref_squeeze %dma_start3A_49 : memref<1x128xi32, #tpu.memory_space<vmem>> -> memref<128xi32, #tpu.memory_space<vmem>>
    %dma_start3A_51 = arith.constant 0 : i32
    %dma_start3A_52 = arith.constant 0 : i32
    %dma_start3A_53 = tpu.memref_slice %arg2[%dma_start3A_51, %dma_start3A_52] : memref<10112x128xf32, #tpu.memory_space<hbm>> -> memref<10112x128xf32, #tpu.memory_space<hbm>>
    %dma_start3A_54 = tpu.memref_slice %arg16[%dma_start3A_43] : memref<2x!tpu.dma_semaphore, #tpu.memory_space<semaphore_mem>> -> memref<1x!tpu.dma_semaphore, #tpu.memory_space<semaphore_mem>>
    %dma_start3A_55 = tpu.memref_squeeze %dma_start3A_54 : memref<1x!tpu.dma_semaphore, #tpu.memory_space<semaphore_mem>> -> memref<!tpu.dma_semaphore, #tpu.memory_space<semaphore_mem>>
    tpu.enqueue_indirect_dma source(%dma_start3A_53 : memref<10112x128xf32, #tpu.memory_space<hbm>>) target(%dma_start3A_47 : memref<128x128xf32, #tpu.memory_space<vmem>>) offsets(%dma_start3A_50 : memref<128xi32, #tpu.memory_space<vmem>>) semaphore(%dma_start3A_55 : memref<!tpu.dma_semaphore, #tpu.memory_space<semaphore_mem>>)
    %scan3A_56 = arith.constant 0 : i32
    %scan3A_57 = arith.constant 0 : i32
    %scan3A_58 = arith.constant 20 : i32
    %scan3A_59 = arith.addi %scan3A_57, %scan3A_58 : i32
    %scan3A_60 = arith.constant 1 : i32
    scf.for %scan3A_225 = %scan3A_57 to %scan3A_59 step %scan3A_60  : i32 {
      %mul3A_226 = arith.constant 2 : i32
      %mul3A_227 = arith.muli %mul3A_226, %scan3A_225 : i32
      %add3A_228 = arith.constant 0 : i32
      %add3A_229 = arith.addi %mul3A_227, %add3A_228 : i32
      %dma_start3A_230 = arith.constant 0 : i32
      %dma_start3A_231 = tpu.memref_slice %arg12[%add3A_229, %dma_start3A_230] : memref<40x128xf32, #tpu.memory_space<vmem>> -> memref<1x128xf32, #tpu.memory_space<vmem>>
      %dma_start3A_232 = tpu.memref_squeeze %dma_start3A_231 : memref<1x128xf32, #tpu.memory_space<vmem>> -> memref<128xf32, #tpu.memory_space<vmem>>
      %dma_start3A_233 = arith.constant 0 : i32
      %dma_start3A_234 = tpu.memref_slice %arg11[%add3A_229, %dma_start3A_233] : memref<40x128xi32, #tpu.memory_space<vmem>> -> memref<1x128xi32, #tpu.memory_space<vmem>>
      %dma_start3A_235 = tpu.memref_squeeze %dma_start3A_234 : memref<1x128xi32, #tpu.memory_space<vmem>> -> memref<128xi32, #tpu.memory_space<vmem>>
      %dma_start3A_236 = arith.constant 0 : i32
      %dma_start3A_237 = tpu.memref_slice %arg3[%dma_start3A_236] : memref<10112xf32, #tpu.memory_space<hbm>> -> memref<10112xf32, #tpu.memory_space<hbm>>
      tpu.enqueue_indirect_dma source(%dma_start3A_237 : memref<10112xf32, #tpu.memory_space<hbm>>) target(%dma_start3A_232 : memref<128xf32, #tpu.memory_space<vmem>>) offsets(%dma_start3A_235 : memref<128xi32, #tpu.memory_space<vmem>>) semaphore(%arg18 : memref<!tpu.dma_semaphore, #tpu.memory_space<semaphore_mem>>)
      %dma_wait3A_238 = arith.constant 0 : i32
      %dma_wait3A_239 = arith.constant 0 : i32
      %dma_wait3A_240 = arith.constant 0 : i32
      %dma_wait3A_241 = arith.constant 0 : i32
      %dma_wait3A_242 = tpu.memref_slice %arg13[%dma_wait3A_238, %dma_wait3A_240, %dma_wait3A_241] : memref<2x128x128xf32, #tpu.memory_space<vmem>> -> memref<1x128x128xf32, #tpu.memory_space<vmem>>
      %dma_wait3A_243 = tpu.memref_squeeze %dma_wait3A_242 : memref<1x128x128xf32, #tpu.memory_space<vmem>> -> memref<128x128xf32, #tpu.memory_space<vmem>>
      %dma_wait3A_244 = arith.constant 0 : i32
      %dma_wait3A_245 = tpu.memref_slice %arg10[%add3A_229, %dma_wait3A_244] : memref<40x128xi32, #tpu.memory_space<vmem>> -> memref<1x128xi32, #tpu.memory_space<vmem>>
      %dma_wait3A_246 = tpu.memref_squeeze %dma_wait3A_245 : memref<1x128xi32, #tpu.memory_space<vmem>> -> memref<128xi32, #tpu.memory_space<vmem>>
      %dma_wait3A_247 = arith.constant 0 : i32
      %dma_wait3A_248 = arith.constant 0 : i32
      %dma_wait3A_249 = tpu.memref_slice %arg2[%dma_wait3A_247, %dma_wait3A_248] : memref<10112x128xf32, #tpu.memory_space<hbm>> -> memref<10112x128xf32, #tpu.memory_space<hbm>>
      %dma_wait3A_250 = tpu.memref_slice %arg16[%dma_wait3A_239] : memref<2x!tpu.dma_semaphore, #tpu.memory_space<semaphore_mem>> -> memref<1x!tpu.dma_semaphore, #tpu.memory_space<semaphore_mem>>
      %dma_wait3A_251 = tpu.memref_squeeze %dma_wait3A_250 : memref<1x!tpu.dma_semaphore, #tpu.memory_space<semaphore_mem>> -> memref<!tpu.dma_semaphore, #tpu.memory_space<semaphore_mem>>
      tpu.wait_indirect_dma semaphore(%dma_wait3A_251 : memref<!tpu.dma_semaphore, #tpu.memory_space<semaphore_mem>>) src(%dma_wait3A_249 : memref<10112x128xf32, #tpu.memory_space<hbm>>) dst(%dma_wait3A_243 : memref<128x128xf32, #tpu.memory_space<vmem>>)
      %dma_start3A_252 = arith.constant 0 : i32
      %dma_start3A_253 = arith.constant 0 : i32
      %dma_start3A_254 = arith.constant 0 : i32
      %dma_start3A_255 = arith.constant 0 : i32
      %dma_start3A_256 = tpu.memref_slice %arg13[%dma_start3A_252, %dma_start3A_254, %dma_start3A_255] : memref<2x128x128xf32, #tpu.memory_space<vmem>> -> memref<1x128x128xf32, #tpu.memory_space<vmem>>
      %dma_start3A_257 = tpu.memref_squeeze %dma_start3A_256 : memref<1x128x128xf32, #tpu.memory_space<vmem>> -> memref<128x128xf32, #tpu.memory_space<vmem>>
      %dma_start3A_258 = arith.constant 0 : i32
      %dma_start3A_259 = tpu.memref_slice %arg11[%add3A_229, %dma_start3A_258] : memref<40x128xi32, #tpu.memory_space<vmem>> -> memref<1x128xi32, #tpu.memory_space<vmem>>
      %dma_start3A_260 = tpu.memref_squeeze %dma_start3A_259 : memref<1x128xi32, #tpu.memory_space<vmem>> -> memref<128xi32, #tpu.memory_space<vmem>>
      %dma_start3A_261 = arith.constant 0 : i32
      %dma_start3A_262 = arith.constant 0 : i32
      %dma_start3A_263 = tpu.memref_slice %arg14[%dma_start3A_261, %dma_start3A_262] : memref<10112x128xf32, #tpu.memory_space<vmem_shared>> -> memref<10112x128xf32, #tpu.memory_space<vmem_shared>>
      %dma_start3A_264 = tpu.memref_slice %arg17[%dma_start3A_253] : memref<2x!tpu.dma_semaphore, #tpu.memory_space<semaphore_mem>> -> memref<1x!tpu.dma_semaphore, #tpu.memory_space<semaphore_mem>>
      %dma_start3A_265 = tpu.memref_squeeze %dma_start3A_264 : memref<1x!tpu.dma_semaphore, #tpu.memory_space<semaphore_mem>> -> memref<!tpu.dma_semaphore, #tpu.memory_space<semaphore_mem>>
      tpu.enqueue_indirect_dma source(%dma_start3A_257 : memref<128x128xf32, #tpu.memory_space<vmem>>) target(%dma_start3A_263 : memref<10112x128xf32, #tpu.memory_space<vmem_shared>>) offsets(%dma_start3A_260 : memref<128xi32, #tpu.memory_space<vmem>>) semaphore(%dma_start3A_265 : memref<!tpu.dma_semaphore, #tpu.memory_space<semaphore_mem>>) {add = true}
      %ge3A = arith.constant 2 : i32
      %ge3A_266 = arith.cmpi sge, %add3A_229, %ge3A : i32
      %convert_element_type3A = arith.extui %ge3A_266 : i1 to i32
      %cond3A = arith.constant 0 : i32
      %cond3A_267 = arith.cmpi ne, %convert_element_type3A, %cond3A : i32
      scf.if %cond3A_267 {
        %sub3A = arith.constant 2 : i32
        %sub3A_354 = arith.subi %add3A_229, %sub3A : i32
        %sub3A_355 = arith.constant 2 : i32
        %sub3A_356 = arith.subi %add3A_229, %sub3A_355 : i32
        %dma_wait3A_357 = arith.constant 0 : i32
        %dma_wait3A_358 = tpu.memref_slice %arg12[%sub3A_356, %dma_wait3A_357] : memref<40x128xf32, #tpu.memory_space<vmem>> -> memref<1x128xf32, #tpu.memory_space<vmem>>
        %dma_wait3A_359 = tpu.memref_squeeze %dma_wait3A_358 : memref<1x128xf32, #tpu.memory_space<vmem>> -> memref<128xf32, #tpu.memory_space<vmem>>
        %dma_wait3A_360 = arith.constant 0 : i32
        %dma_wait3A_361 = tpu.memref_slice %arg11[%sub3A_354, %dma_wait3A_360] : memref<40x128xi32, #tpu.memory_space<vmem>> -> memref<1x128xi32, #tpu.memory_space<vmem>>
        %dma_wait3A_362 = tpu.memref_squeeze %dma_wait3A_361 : memref<1x128xi32, #tpu.memory_space<vmem>> -> memref<128xi32, #tpu.memory_space<vmem>>
        %dma_wait3A_363 = arith.constant 0 : i32
        %dma_wait3A_364 = tpu.memref_slice %arg3[%dma_wait3A_363] : memref<10112xf32, #tpu.memory_space<hbm>> -> memref<10112xf32, #tpu.memory_space<hbm>>
        tpu.wait_indirect_dma semaphore(%arg18 : memref<!tpu.dma_semaphore, #tpu.memory_space<semaphore_mem>>) src(%dma_wait3A_364 : memref<10112xf32, #tpu.memory_space<hbm>>) dst(%dma_wait3A_359 : memref<128xf32, #tpu.memory_space<vmem>>)
        %sub3A_365 = arith.constant 2 : i32
        %sub3A_366 = arith.subi %add3A_229, %sub3A_365 : i32
        %sub3A_367 = arith.constant 2 : i32
        %sub3A_368 = arith.subi %add3A_229, %sub3A_367 : i32
        %dma_start3A_369 = arith.constant 0 : i32
        %dma_start3A_370 = tpu.memref_slice %arg12[%sub3A_366, %dma_start3A_369] : memref<40x128xf32, #tpu.memory_space<vmem>> -> memref<1x128xf32, #tpu.memory_space<vmem>>
        %dma_start3A_371 = tpu.memref_squeeze %dma_start3A_370 : memref<1x128xf32, #tpu.memory_space<vmem>> -> memref<128xf32, #tpu.memory_space<vmem>>
        %dma_start3A_372 = arith.constant 0 : i32
        %dma_start3A_373 = tpu.memref_slice %arg10[%sub3A_368, %dma_start3A_372] : memref<40x128xi32, #tpu.memory_space<vmem>> -> memref<1x128xi32, #tpu.memory_space<vmem>>
        %dma_start3A_374 = tpu.memref_squeeze %dma_start3A_373 : memref<1x128xi32, #tpu.memory_space<vmem>> -> memref<128xi32, #tpu.memory_space<vmem>>
        %dma_start3A_375 = arith.constant 0 : i32
        %dma_start3A_376 = tpu.memref_slice %arg15[%dma_start3A_375] : memref<10112xf32, #tpu.memory_space<vmem_shared>> -> memref<10112xf32, #tpu.memory_space<vmem_shared>>
        tpu.enqueue_indirect_dma source(%dma_start3A_371 : memref<128xf32, #tpu.memory_space<vmem>>) target(%dma_start3A_376 : memref<10112xf32, #tpu.memory_space<vmem_shared>>) offsets(%dma_start3A_374 : memref<128xi32, #tpu.memory_space<vmem>>) semaphore(%arg19 : memref<!tpu.dma_semaphore, #tpu.memory_space<semaphore_mem>>) {add = true}
      } else {
      }
      %dma_wait3A_268 = arith.constant 0 : i32
      %dma_wait3A_269 = arith.constant 0 : i32
      %dma_wait3A_270 = arith.constant 0 : i32
      %dma_wait3A_271 = arith.constant 0 : i32
      %dma_wait3A_272 = tpu.memref_slice %arg13[%dma_wait3A_268, %dma_wait3A_270, %dma_wait3A_271] : memref<2x128x128xf32, #tpu.memory_space<vmem>> -> memref<1x128x128xf32, #tpu.memory_space<vmem>>
      %dma_wait3A_273 = tpu.memref_squeeze %dma_wait3A_272 : memref<1x128x128xf32, #tpu.memory_space<vmem>> -> memref<128x128xf32, #tpu.memory_space<vmem>>
      %dma_wait3A_274 = arith.constant 0 : i32
      %dma_wait3A_275 = tpu.memref_slice %arg11[%add3A_229, %dma_wait3A_274] : memref<40x128xi32, #tpu.memory_space<vmem>> -> memref<1x128xi32, #tpu.memory_space<vmem>>
      %dma_wait3A_276 = tpu.memref_squeeze %dma_wait3A_275 : memref<1x128xi32, #tpu.memory_space<vmem>> -> memref<128xi32, #tpu.memory_space<vmem>>
      %dma_wait3A_277 = arith.constant 0 : i32
      %dma_wait3A_278 = arith.constant 0 : i32
      %dma_wait3A_279 = tpu.memref_slice %arg14[%dma_wait3A_277, %dma_wait3A_278] : memref<10112x128xf32, #tpu.memory_space<vmem_shared>> -> memref<10112x128xf32, #tpu.memory_space<vmem_shared>>
      %dma_wait3A_280 = tpu.memref_slice %arg17[%dma_wait3A_269] : memref<2x!tpu.dma_semaphore, #tpu.memory_space<semaphore_mem>> -> memref<1x!tpu.dma_semaphore, #tpu.memory_space<semaphore_mem>>
      %dma_wait3A_281 = tpu.memref_squeeze %dma_wait3A_280 : memref<1x!tpu.dma_semaphore, #tpu.memory_space<semaphore_mem>> -> memref<!tpu.dma_semaphore, #tpu.memory_space<semaphore_mem>>
      tpu.wait_indirect_dma semaphore(%dma_wait3A_281 : memref<!tpu.dma_semaphore, #tpu.memory_space<semaphore_mem>>) src(%dma_wait3A_273 : memref<128x128xf32, #tpu.memory_space<vmem>>) dst(%dma_wait3A_279 : memref<10112x128xf32, #tpu.memory_space<vmem_shared>>)
      %add3A_282 = arith.constant 2 : i32
      %add3A_283 = arith.addi %add3A_229, %add3A_282 : i32
      %lt3A = arith.constant 40 : i32
      %lt3A_284 = arith.cmpi slt, %add3A_283, %lt3A : i32
      %convert_element_type3A_285 = arith.extui %lt3A_284 : i1 to i32
      %cond3A_286 = arith.constant 0 : i32
      %cond3A_287 = arith.cmpi ne, %convert_element_type3A_285, %cond3A_286 : i32
      scf.if %cond3A_287 {
        %add3A_354 = arith.constant 2 : i32
        %add3A_355 = arith.addi %add3A_229, %add3A_354 : i32
        %dma_start3A_356 = arith.constant 0 : i32
        %dma_start3A_357 = arith.constant 0 : i32
        %dma_start3A_358 = arith.constant 0 : i32
        %dma_start3A_359 = arith.constant 0 : i32
        %dma_start3A_360 = tpu.memref_slice %arg13[%dma_start3A_356, %dma_start3A_358, %dma_start3A_359] : memref<2x128x128xf32, #tpu.memory_space<vmem>> -> memref<1x128x128xf32, #tpu.memory_space<vmem>>
        %dma_start3A_361 = tpu.memref_squeeze %dma_start3A_360 : memref<1x128x128xf32, #tpu.memory_space<vmem>> -> memref<128x128xf32, #tpu.memory_space<vmem>>
        %dma_start3A_362 = arith.constant 0 : i32
        %dma_start3A_363 = tpu.memref_slice %arg10[%add3A_355, %dma_start3A_362] : memref<40x128xi32, #tpu.memory_space<vmem>> -> memref<1x128xi32, #tpu.memory_space<vmem>>
        %dma_start3A_364 = tpu.memref_squeeze %dma_start3A_363 : memref<1x128xi32, #tpu.memory_space<vmem>> -> memref<128xi32, #tpu.memory_space<vmem>>
        %dma_start3A_365 = arith.constant 0 : i32
        %dma_start3A_366 = arith.constant 0 : i32
        %dma_start3A_367 = tpu.memref_slice %arg2[%dma_start3A_365, %dma_start3A_366] : memref<10112x128xf32, #tpu.memory_space<hbm>> -> memref<10112x128xf32, #tpu.memory_space<hbm>>
        %dma_start3A_368 = tpu.memref_slice %arg16[%dma_start3A_357] : memref<2x!tpu.dma_semaphore, #tpu.memory_space<semaphore_mem>> -> memref<1x!tpu.dma_semaphore, #tpu.memory_space<semaphore_mem>>
        %dma_start3A_369 = tpu.memref_squeeze %dma_start3A_368 : memref<1x!tpu.dma_semaphore, #tpu.memory_space<semaphore_mem>> -> memref<!tpu.dma_semaphore, #tpu.memory_space<semaphore_mem>>
        tpu.enqueue_indirect_dma source(%dma_start3A_367 : memref<10112x128xf32, #tpu.memory_space<hbm>>) target(%dma_start3A_361 : memref<128x128xf32, #tpu.memory_space<vmem>>) offsets(%dma_start3A_364 : memref<128xi32, #tpu.memory_space<vmem>>) semaphore(%dma_start3A_369 : memref<!tpu.dma_semaphore, #tpu.memory_space<semaphore_mem>>)
      } else {
      }
      %mul3A_288 = arith.constant 2 : i32
      %mul3A_289 = arith.muli %mul3A_288, %scan3A_225 : i32
      %add3A_290 = arith.constant 1 : i32
      %add3A_291 = arith.addi %mul3A_289, %add3A_290 : i32
      %dma_start3A_292 = arith.constant 0 : i32
      %dma_start3A_293 = tpu.memref_slice %arg12[%add3A_291, %dma_start3A_292] : memref<40x128xf32, #tpu.memory_space<vmem>> -> memref<1x128xf32, #tpu.memory_space<vmem>>
      %dma_start3A_294 = tpu.memref_squeeze %dma_start3A_293 : memref<1x128xf32, #tpu.memory_space<vmem>> -> memref<128xf32, #tpu.memory_space<vmem>>
      %dma_start3A_295 = arith.constant 0 : i32
      %dma_start3A_296 = tpu.memref_slice %arg11[%add3A_291, %dma_start3A_295] : memref<40x128xi32, #tpu.memory_space<vmem>> -> memref<1x128xi32, #tpu.memory_space<vmem>>
      %dma_start3A_297 = tpu.memref_squeeze %dma_start3A_296 : memref<1x128xi32, #tpu.memory_space<vmem>> -> memref<128xi32, #tpu.memory_space<vmem>>
      %dma_start3A_298 = arith.constant 0 : i32
      %dma_start3A_299 = tpu.memref_slice %arg3[%dma_start3A_298] : memref<10112xf32, #tpu.memory_space<hbm>> -> memref<10112xf32, #tpu.memory_space<hbm>>
      tpu.enqueue_indirect_dma source(%dma_start3A_299 : memref<10112xf32, #tpu.memory_space<hbm>>) target(%dma_start3A_294 : memref<128xf32, #tpu.memory_space<vmem>>) offsets(%dma_start3A_297 : memref<128xi32, #tpu.memory_space<vmem>>) semaphore(%arg18 : memref<!tpu.dma_semaphore, #tpu.memory_space<semaphore_mem>>)
      %dma_wait3A_300 = arith.constant 1 : i32
      %dma_wait3A_301 = arith.constant 1 : i32
      %dma_wait3A_302 = arith.constant 0 : i32
      %dma_wait3A_303 = arith.constant 0 : i32
      %dma_wait3A_304 = tpu.memref_slice %arg13[%dma_wait3A_300, %dma_wait3A_302, %dma_wait3A_303] : memref<2x128x128xf32, #tpu.memory_space<vmem>> -> memref<1x128x128xf32, #tpu.memory_space<vmem>>
      %dma_wait3A_305 = tpu.memref_squeeze %dma_wait3A_304 : memref<1x128x128xf32, #tpu.memory_space<vmem>> -> memref<128x128xf32, #tpu.memory_space<vmem>>
      %dma_wait3A_306 = arith.constant 0 : i32
      %dma_wait3A_307 = tpu.memref_slice %arg10[%add3A_291, %dma_wait3A_306] : memref<40x128xi32, #tpu.memory_space<vmem>> -> memref<1x128xi32, #tpu.memory_space<vmem>>
      %dma_wait3A_308 = tpu.memref_squeeze %dma_wait3A_307 : memref<1x128xi32, #tpu.memory_space<vmem>> -> memref<128xi32, #tpu.memory_space<vmem>>
      %dma_wait3A_309 = arith.constant 0 : i32
      %dma_wait3A_310 = arith.constant 0 : i32
      %dma_wait3A_311 = tpu.memref_slice %arg2[%dma_wait3A_309, %dma_wait3A_310] : memref<10112x128xf32, #tpu.memory_space<hbm>> -> memref<10112x128xf32, #tpu.memory_space<hbm>>
      %dma_wait3A_312 = tpu.memref_slice %arg16[%dma_wait3A_301] : memref<2x!tpu.dma_semaphore, #tpu.memory_space<semaphore_mem>> -> memref<1x!tpu.dma_semaphore, #tpu.memory_space<semaphore_mem>>
      %dma_wait3A_313 = tpu.memref_squeeze %dma_wait3A_312 : memref<1x!tpu.dma_semaphore, #tpu.memory_space<semaphore_mem>> -> memref<!tpu.dma_semaphore, #tpu.memory_space<semaphore_mem>>
      tpu.wait_indirect_dma semaphore(%dma_wait3A_313 : memref<!tpu.dma_semaphore, #tpu.memory_space<semaphore_mem>>) src(%dma_wait3A_311 : memref<10112x128xf32, #tpu.memory_space<hbm>>) dst(%dma_wait3A_305 : memref<128x128xf32, #tpu.memory_space<vmem>>)
      %dma_start3A_314 = arith.constant 1 : i32
      %dma_start3A_315 = arith.constant 1 : i32
      %dma_start3A_316 = arith.constant 0 : i32
      %dma_start3A_317 = arith.constant 0 : i32
      %dma_start3A_318 = tpu.memref_slice %arg13[%dma_start3A_314, %dma_start3A_316, %dma_start3A_317] : memref<2x128x128xf32, #tpu.memory_space<vmem>> -> memref<1x128x128xf32, #tpu.memory_space<vmem>>
      %dma_start3A_319 = tpu.memref_squeeze %dma_start3A_318 : memref<1x128x128xf32, #tpu.memory_space<vmem>> -> memref<128x128xf32, #tpu.memory_space<vmem>>
      %dma_start3A_320 = arith.constant 0 : i32
      %dma_start3A_321 = tpu.memref_slice %arg11[%add3A_291, %dma_start3A_320] : memref<40x128xi32, #tpu.memory_space<vmem>> -> memref<1x128xi32, #tpu.memory_space<vmem>>
      %dma_start3A_322 = tpu.memref_squeeze %dma_start3A_321 : memref<1x128xi32, #tpu.memory_space<vmem>> -> memref<128xi32, #tpu.memory_space<vmem>>
      %dma_start3A_323 = arith.constant 0 : i32
      %dma_start3A_324 = arith.constant 0 : i32
      %dma_start3A_325 = tpu.memref_slice %arg14[%dma_start3A_323, %dma_start3A_324] : memref<10112x128xf32, #tpu.memory_space<vmem_shared>> -> memref<10112x128xf32, #tpu.memory_space<vmem_shared>>
      %dma_start3A_326 = tpu.memref_slice %arg17[%dma_start3A_315] : memref<2x!tpu.dma_semaphore, #tpu.memory_space<semaphore_mem>> -> memref<1x!tpu.dma_semaphore, #tpu.memory_space<semaphore_mem>>
      %dma_start3A_327 = tpu.memref_squeeze %dma_start3A_326 : memref<1x!tpu.dma_semaphore, #tpu.memory_space<semaphore_mem>> -> memref<!tpu.dma_semaphore, #tpu.memory_space<semaphore_mem>>
      tpu.enqueue_indirect_dma source(%dma_start3A_319 : memref<128x128xf32, #tpu.memory_space<vmem>>) target(%dma_start3A_325 : memref<10112x128xf32, #tpu.memory_space<vmem_shared>>) offsets(%dma_start3A_322 : memref<128xi32, #tpu.memory_space<vmem>>) semaphore(%dma_start3A_327 : memref<!tpu.dma_semaphore, #tpu.memory_space<semaphore_mem>>) {add = true}
      %ge3A_328 = arith.constant 2 : i32
      %ge3A_329 = arith.cmpi sge, %add3A_291, %ge3A_328 : i32
      %convert_element_type3A_330 = arith.extui %ge3A_329 : i1 to i32
      %cond3A_331 = arith.constant 0 : i32
      %cond3A_332 = arith.cmpi ne, %convert_element_type3A_330, %cond3A_331 : i32
      scf.if %cond3A_332 {
        %sub3A = arith.constant 2 : i32
        %sub3A_354 = arith.subi %add3A_291, %sub3A : i32
        %sub3A_355 = arith.constant 2 : i32
        %sub3A_356 = arith.subi %add3A_291, %sub3A_355 : i32
        %dma_wait3A_357 = arith.constant 0 : i32
        %dma_wait3A_358 = tpu.memref_slice %arg12[%sub3A_356, %dma_wait3A_357] : memref<40x128xf32, #tpu.memory_space<vmem>> -> memref<1x128xf32, #tpu.memory_space<vmem>>
        %dma_wait3A_359 = tpu.memref_squeeze %dma_wait3A_358 : memref<1x128xf32, #tpu.memory_space<vmem>> -> memref<128xf32, #tpu.memory_space<vmem>>
        %dma_wait3A_360 = arith.constant 0 : i32
        %dma_wait3A_361 = tpu.memref_slice %arg11[%sub3A_354, %dma_wait3A_360] : memref<40x128xi32, #tpu.memory_space<vmem>> -> memref<1x128xi32, #tpu.memory_space<vmem>>
        %dma_wait3A_362 = tpu.memref_squeeze %dma_wait3A_361 : memref<1x128xi32, #tpu.memory_space<vmem>> -> memref<128xi32, #tpu.memory_space<vmem>>
        %dma_wait3A_363 = arith.constant 0 : i32
        %dma_wait3A_364 = tpu.memref_slice %arg3[%dma_wait3A_363] : memref<10112xf32, #tpu.memory_space<hbm>> -> memref<10112xf32, #tpu.memory_space<hbm>>
        tpu.wait_indirect_dma semaphore(%arg18 : memref<!tpu.dma_semaphore, #tpu.memory_space<semaphore_mem>>) src(%dma_wait3A_364 : memref<10112xf32, #tpu.memory_space<hbm>>) dst(%dma_wait3A_359 : memref<128xf32, #tpu.memory_space<vmem>>)
        %sub3A_365 = arith.constant 2 : i32
        %sub3A_366 = arith.subi %add3A_291, %sub3A_365 : i32
        %sub3A_367 = arith.constant 2 : i32
        %sub3A_368 = arith.subi %add3A_291, %sub3A_367 : i32
        %dma_start3A_369 = arith.constant 0 : i32
        %dma_start3A_370 = tpu.memref_slice %arg12[%sub3A_366, %dma_start3A_369] : memref<40x128xf32, #tpu.memory_space<vmem>> -> memref<1x128xf32, #tpu.memory_space<vmem>>
        %dma_start3A_371 = tpu.memref_squeeze %dma_start3A_370 : memref<1x128xf32, #tpu.memory_space<vmem>> -> memref<128xf32, #tpu.memory_space<vmem>>
        %dma_start3A_372 = arith.constant 0 : i32
        %dma_start3A_373 = tpu.memref_slice %arg10[%sub3A_368, %dma_start3A_372] : memref<40x128xi32, #tpu.memory_space<vmem>> -> memref<1x128xi32, #tpu.memory_space<vmem>>
        %dma_start3A_374 = tpu.memref_squeeze %dma_start3A_373 : memref<1x128xi32, #tpu.memory_space<vmem>> -> memref<128xi32, #tpu.memory_space<vmem>>
        %dma_start3A_375 = arith.constant 0 : i32
        %dma_start3A_376 = tpu.memref_slice %arg15[%dma_start3A_375] : memref<10112xf32, #tpu.memory_space<vmem_shared>> -> memref<10112xf32, #tpu.memory_space<vmem_shared>>
        tpu.enqueue_indirect_dma source(%dma_start3A_371 : memref<128xf32, #tpu.memory_space<vmem>>) target(%dma_start3A_376 : memref<10112xf32, #tpu.memory_space<vmem_shared>>) offsets(%dma_start3A_374 : memref<128xi32, #tpu.memory_space<vmem>>) semaphore(%arg19 : memref<!tpu.dma_semaphore, #tpu.memory_space<semaphore_mem>>) {add = true}
      } else {
      }
      %dma_wait3A_333 = arith.constant 1 : i32
      %dma_wait3A_334 = arith.constant 1 : i32
      %dma_wait3A_335 = arith.constant 0 : i32
      %dma_wait3A_336 = arith.constant 0 : i32
      %dma_wait3A_337 = tpu.memref_slice %arg13[%dma_wait3A_333, %dma_wait3A_335, %dma_wait3A_336] : memref<2x128x128xf32, #tpu.memory_space<vmem>> -> memref<1x128x128xf32, #tpu.memory_space<vmem>>
      %dma_wait3A_338 = tpu.memref_squeeze %dma_wait3A_337 : memref<1x128x128xf32, #tpu.memory_space<vmem>> -> memref<128x128xf32, #tpu.memory_space<vmem>>
      %dma_wait3A_339 = arith.constant 0 : i32
      %dma_wait3A_340 = tpu.memref_slice %arg11[%add3A_291, %dma_wait3A_339] : memref<40x128xi32, #tpu.memory_space<vmem>> -> memref<1x128xi32, #tpu.memory_space<vmem>>
      %dma_wait3A_341 = tpu.memref_squeeze %dma_wait3A_340 : memref<1x128xi32, #tpu.memory_space<vmem>> -> memref<128xi32, #tpu.memory_space<vmem>>
      %dma_wait3A_342 = arith.constant 0 : i32
      %dma_wait3A_343 = arith.constant 0 : i32
      %dma_wait3A_344 = tpu.memref_slice %arg14[%dma_wait3A_342, %dma_wait3A_343] : memref<10112x128xf32, #tpu.memory_space<vmem_shared>> -> memref<10112x128xf32, #tpu.memory_space<vmem_shared>>
      %dma_wait3A_345 = tpu.memref_slice %arg17[%dma_wait3A_334] : memref<2x!tpu.dma_semaphore, #tpu.memory_space<semaphore_mem>> -> memref<1x!tpu.dma_semaphore, #tpu.memory_space<semaphore_mem>>
      %dma_wait3A_346 = tpu.memref_squeeze %dma_wait3A_345 : memref<1x!tpu.dma_semaphore, #tpu.memory_space<semaphore_mem>> -> memref<!tpu.dma_semaphore, #tpu.memory_space<semaphore_mem>>
      tpu.wait_indirect_dma semaphore(%dma_wait3A_346 : memref<!tpu.dma_semaphore, #tpu.memory_space<semaphore_mem>>) src(%dma_wait3A_338 : memref<128x128xf32, #tpu.memory_space<vmem>>) dst(%dma_wait3A_344 : memref<10112x128xf32, #tpu.memory_space<vmem_shared>>)
      %add3A_347 = arith.constant 2 : i32
      %add3A_348 = arith.addi %add3A_291, %add3A_347 : i32
      %lt3A_349 = arith.constant 40 : i32
      %lt3A_350 = arith.cmpi slt, %add3A_348, %lt3A_349 : i32
      %convert_element_type3A_351 = arith.extui %lt3A_350 : i1 to i32
      %cond3A_352 = arith.constant 0 : i32
      %cond3A_353 = arith.cmpi ne, %convert_element_type3A_351, %cond3A_352 : i32
      scf.if %cond3A_353 {
        %add3A_354 = arith.constant 2 : i32
        %add3A_355 = arith.addi %add3A_291, %add3A_354 : i32
        %dma_start3A_356 = arith.constant 1 : i32
        %dma_start3A_357 = arith.constant 1 : i32
        %dma_start3A_358 = arith.constant 0 : i32
        %dma_start3A_359 = arith.constant 0 : i32
        %dma_start3A_360 = tpu.memref_slice %arg13[%dma_start3A_356, %dma_start3A_358, %dma_start3A_359] : memref<2x128x128xf32, #tpu.memory_space<vmem>> -> memref<1x128x128xf32, #tpu.memory_space<vmem>>
        %dma_start3A_361 = tpu.memref_squeeze %dma_start3A_360 : memref<1x128x128xf32, #tpu.memory_space<vmem>> -> memref<128x128xf32, #tpu.memory_space<vmem>>
        %dma_start3A_362 = arith.constant 0 : i32
        %dma_start3A_363 = tpu.memref_slice %arg10[%add3A_355, %dma_start3A_362] : memref<40x128xi32, #tpu.memory_space<vmem>> -> memref<1x128xi32, #tpu.memory_space<vmem>>
        %dma_start3A_364 = tpu.memref_squeeze %dma_start3A_363 : memref<1x128xi32, #tpu.memory_space<vmem>> -> memref<128xi32, #tpu.memory_space<vmem>>
        %dma_start3A_365 = arith.constant 0 : i32
        %dma_start3A_366 = arith.constant 0 : i32
        %dma_start3A_367 = tpu.memref_slice %arg2[%dma_start3A_365, %dma_start3A_366] : memref<10112x128xf32, #tpu.memory_space<hbm>> -> memref<10112x128xf32, #tpu.memory_space<hbm>>
        %dma_start3A_368 = tpu.memref_slice %arg16[%dma_start3A_357] : memref<2x!tpu.dma_semaphore, #tpu.memory_space<semaphore_mem>> -> memref<1x!tpu.dma_semaphore, #tpu.memory_space<semaphore_mem>>
        %dma_start3A_369 = tpu.memref_squeeze %dma_start3A_368 : memref<1x!tpu.dma_semaphore, #tpu.memory_space<semaphore_mem>> -> memref<!tpu.dma_semaphore, #tpu.memory_space<semaphore_mem>>
        tpu.enqueue_indirect_dma source(%dma_start3A_367 : memref<10112x128xf32, #tpu.memory_space<hbm>>) target(%dma_start3A_361 : memref<128x128xf32, #tpu.memory_space<vmem>>) offsets(%dma_start3A_364 : memref<128xi32, #tpu.memory_space<vmem>>) semaphore(%dma_start3A_369 : memref<!tpu.dma_semaphore, #tpu.memory_space<semaphore_mem>>)
      } else {
      }
    }
    %scan3A_61 = arith.constant 20 : i32
    %dma_wait3A = arith.constant 38 : i32
    %dma_wait3A_62 = arith.constant 38 : i32
    %dma_wait3A_63 = arith.constant 0 : i32
    %dma_wait3A_64 = tpu.memref_slice %arg12[%dma_wait3A_62, %dma_wait3A_63] : memref<40x128xf32, #tpu.memory_space<vmem>> -> memref<1x128xf32, #tpu.memory_space<vmem>>
    %dma_wait3A_65 = tpu.memref_squeeze %dma_wait3A_64 : memref<1x128xf32, #tpu.memory_space<vmem>> -> memref<128xf32, #tpu.memory_space<vmem>>
    %dma_wait3A_66 = arith.constant 0 : i32
    %dma_wait3A_67 = tpu.memref_slice %arg11[%dma_wait3A, %dma_wait3A_66] : memref<40x128xi32, #tpu.memory_space<vmem>> -> memref<1x128xi32, #tpu.memory_space<vmem>>
    %dma_wait3A_68 = tpu.memref_squeeze %dma_wait3A_67 : memref<1x128xi32, #tpu.memory_space<vmem>> -> memref<128xi32, #tpu.memory_space<vmem>>
    %dma_wait3A_69 = arith.constant 0 : i32
    %dma_wait3A_70 = tpu.memref_slice %arg3[%dma_wait3A_69] : memref<10112xf32, #tpu.memory_space<hbm>> -> memref<10112xf32, #tpu.memory_space<hbm>>
    tpu.wait_indirect_dma semaphore(%arg18 : memref<!tpu.dma_semaphore, #tpu.memory_space<semaphore_mem>>) src(%dma_wait3A_70 : memref<10112xf32, #tpu.memory_space<hbm>>) dst(%dma_wait3A_65 : memref<128xf32, #tpu.memory_space<vmem>>)
    %dma_start3A_71 = arith.constant 38 : i32
    %dma_start3A_72 = arith.constant 38 : i32
    %dma_start3A_73 = arith.constant 0 : i32
    %dma_start3A_74 = tpu.memref_slice %arg12[%dma_start3A_71, %dma_start3A_73] : memref<40x128xf32, #tpu.memory_space<vmem>> -> memref<1x128xf32, #tpu.memory_space<vmem>>
    %dma_start3A_75 = tpu.memref_squeeze %dma_start3A_74 : memref<1x128xf32, #tpu.memory_space<vmem>> -> memref<128xf32, #tpu.memory_space<vmem>>
    %dma_start3A_76 = arith.constant 0 : i32
    %dma_start3A_77 = tpu.memref_slice %arg10[%dma_start3A_72, %dma_start3A_76] : memref<40x128xi32, #tpu.memory_space<vmem>> -> memref<1x128xi32, #tpu.memory_space<vmem>>
    %dma_start3A_78 = tpu.memref_squeeze %dma_start3A_77 : memref<1x128xi32, #tpu.memory_space<vmem>> -> memref<128xi32, #tpu.memory_space<vmem>>
    %dma_start3A_79 = arith.constant 0 : i32
    %dma_start3A_80 = tpu.memref_slice %arg15[%dma_start3A_79] : memref<10112xf32, #tpu.memory_space<vmem_shared>> -> memref<10112xf32, #tpu.memory_space<vmem_shared>>
    tpu.enqueue_indirect_dma source(%dma_start3A_75 : memref<128xf32, #tpu.memory_space<vmem>>) target(%dma_start3A_80 : memref<10112xf32, #tpu.memory_space<vmem_shared>>) offsets(%dma_start3A_78 : memref<128xi32, #tpu.memory_space<vmem>>) semaphore(%arg19 : memref<!tpu.dma_semaphore, #tpu.memory_space<semaphore_mem>>) {add = true}
    %dma_wait3A_81 = arith.constant 39 : i32
    %dma_wait3A_82 = arith.constant 39 : i32
    %dma_wait3A_83 = arith.constant 0 : i32
    %dma_wait3A_84 = tpu.memref_slice %arg12[%dma_wait3A_82, %dma_wait3A_83] : memref<40x128xf32, #tpu.memory_space<vmem>> -> memref<1x128xf32, #tpu.memory_space<vmem>>
    %dma_wait3A_85 = tpu.memref_squeeze %dma_wait3A_84 : memref<1x128xf32, #tpu.memory_space<vmem>> -> memref<128xf32, #tpu.memory_space<vmem>>
    %dma_wait3A_86 = arith.constant 0 : i32
    %dma_wait3A_87 = tpu.memref_slice %arg11[%dma_wait3A_81, %dma_wait3A_86] : memref<40x128xi32, #tpu.memory_space<vmem>> -> memref<1x128xi32, #tpu.memory_space<vmem>>
    %dma_wait3A_88 = tpu.memref_squeeze %dma_wait3A_87 : memref<1x128xi32, #tpu.memory_space<vmem>> -> memref<128xi32, #tpu.memory_space<vmem>>
    %dma_wait3A_89 = arith.constant 0 : i32
    %dma_wait3A_90 = tpu.memref_slice %arg3[%dma_wait3A_89] : memref<10112xf32, #tpu.memory_space<hbm>> -> memref<10112xf32, #tpu.memory_space<hbm>>
    tpu.wait_indirect_dma semaphore(%arg18 : memref<!tpu.dma_semaphore, #tpu.memory_space<semaphore_mem>>) src(%dma_wait3A_90 : memref<10112xf32, #tpu.memory_space<hbm>>) dst(%dma_wait3A_85 : memref<128xf32, #tpu.memory_space<vmem>>)
    %dma_start3A_91 = arith.constant 39 : i32
    %dma_start3A_92 = arith.constant 39 : i32
    %dma_start3A_93 = arith.constant 0 : i32
    %dma_start3A_94 = tpu.memref_slice %arg12[%dma_start3A_91, %dma_start3A_93] : memref<40x128xf32, #tpu.memory_space<vmem>> -> memref<1x128xf32, #tpu.memory_space<vmem>>
    %dma_start3A_95 = tpu.memref_squeeze %dma_start3A_94 : memref<1x128xf32, #tpu.memory_space<vmem>> -> memref<128xf32, #tpu.memory_space<vmem>>
    %dma_start3A_96 = arith.constant 0 : i32
    %dma_start3A_97 = tpu.memref_slice %arg10[%dma_start3A_92, %dma_start3A_96] : memref<40x128xi32, #tpu.memory_space<vmem>> -> memref<1x128xi32, #tpu.memory_space<vmem>>
    %dma_start3A_98 = tpu.memref_squeeze %dma_start3A_97 : memref<1x128xi32, #tpu.memory_space<vmem>> -> memref<128xi32, #tpu.memory_space<vmem>>
    %dma_start3A_99 = arith.constant 0 : i32
    %dma_start3A_100 = tpu.memref_slice %arg15[%dma_start3A_99] : memref<10112xf32, #tpu.memory_space<vmem_shared>> -> memref<10112xf32, #tpu.memory_space<vmem_shared>>
    tpu.enqueue_indirect_dma source(%dma_start3A_95 : memref<128xf32, #tpu.memory_space<vmem>>) target(%dma_start3A_100 : memref<10112xf32, #tpu.memory_space<vmem_shared>>) offsets(%dma_start3A_98 : memref<128xi32, #tpu.memory_space<vmem>>) semaphore(%arg19 : memref<!tpu.dma_semaphore, #tpu.memory_space<semaphore_mem>>) {add = true}
    %scan3A_101 = arith.constant 0 : i32
    %scan3A_102 = arith.constant 0 : i32
    %scan3A_103 = arith.constant 40 : i32
    %scan3A_104 = arith.addi %scan3A_102, %scan3A_103 : i32
    %scan3A_105 = arith.constant 1 : i32
    scf.for %scan3A_225 = %scan3A_102 to %scan3A_104 step %scan3A_105  : i32 {
      %dma_wait3A_226 = arith.constant 0 : i32
      %dma_wait3A_227 = tpu.memref_slice %arg12[%scan3A_225, %dma_wait3A_226] : memref<40x128xf32, #tpu.memory_space<vmem>> -> memref<1x128xf32, #tpu.memory_space<vmem>>
      %dma_wait3A_228 = tpu.memref_squeeze %dma_wait3A_227 : memref<1x128xf32, #tpu.memory_space<vmem>> -> memref<128xf32, #tpu.memory_space<vmem>>
      %dma_wait3A_229 = arith.constant 0 : i32
      %dma_wait3A_230 = tpu.memref_slice %arg10[%scan3A_225, %dma_wait3A_229] : memref<40x128xi32, #tpu.memory_space<vmem>> -> memref<1x128xi32, #tpu.memory_space<vmem>>
      %dma_wait3A_231 = tpu.memref_squeeze %dma_wait3A_230 : memref<1x128xi32, #tpu.memory_space<vmem>> -> memref<128xi32, #tpu.memory_space<vmem>>
      %dma_wait3A_232 = arith.constant 0 : i32
      %dma_wait3A_233 = tpu.memref_slice %arg15[%dma_wait3A_232] : memref<10112xf32, #tpu.memory_space<vmem_shared>> -> memref<10112xf32, #tpu.memory_space<vmem_shared>>
      tpu.wait_indirect_dma semaphore(%arg19 : memref<!tpu.dma_semaphore, #tpu.memory_space<semaphore_mem>>) src(%dma_wait3A_228 : memref<128xf32, #tpu.memory_space<vmem>>) dst(%dma_wait3A_233 : memref<10112xf32, #tpu.memory_space<vmem_shared>>)
    }
    %scan3A_106 = arith.constant 40 : i32
    "tpu.region"() ({
      %run_scoped3A_225 = tpu.sem_alloc : memref<!tpu.dma_semaphore, #tpu.memory_space<semaphore_mem>>
      %dma_start3A_226 = arith.constant 0 : i32
      %dma_start3A_227 = arith.constant 0 : i32
      %dma_start3A_228 = tpu.memref_slice %arg10[%dma_start3A_226, %dma_start3A_227] : memref<40x128xi32, #tpu.memory_space<vmem>> -> memref<40x128xi32, #tpu.memory_space<vmem>>
      %dma_start3A_229 = arith.constant 40 : i32
      %dma_start3A_230 = arith.constant 0 : i32
      %dma_start3A_231 = tpu.memref_slice %arg4[%add3A, %dma_start3A_229, %dma_start3A_230] : memref<32x80x128xi32, #tpu.memory_space<hbm>> -> memref<1x40x128xi32, #tpu.memory_space<hbm>>
      %dma_start3A_232 = tpu.memref_squeeze %dma_start3A_231 : memref<1x40x128xi32, #tpu.memory_space<hbm>> -> memref<40x128xi32, #tpu.memory_space<hbm>>
      %dma_start3A_233 = arith.constant 0 : i32
      %dma_start3A_234 = arith.constant 0 : i32
      %dma_start3A_235 = tpu.memref_slice %arg10[%dma_start3A_233, %dma_start3A_234] : memref<40x128xi32, #tpu.memory_space<vmem>> -> memref<40x128xi32, #tpu.memory_space<vmem>>
      %dma_start3A_236 = arith.constant 40 : i32
      %dma_start3A_237 = arith.constant 0 : i32
      %dma_start3A_238 = tpu.memref_slice %arg4[%add3A, %dma_start3A_236, %dma_start3A_237] : memref<32x80x128xi32, #tpu.memory_space<hbm>> -> memref<1x40x128xi32, #tpu.memory_space<hbm>>
      %dma_start3A_239 = tpu.memref_squeeze %dma_start3A_238 : memref<1x40x128xi32, #tpu.memory_space<hbm>> -> memref<40x128xi32, #tpu.memory_space<hbm>>
      tpu.enqueue_dma source(%dma_start3A_239 : memref<40x128xi32, #tpu.memory_space<hbm>>) target(%dma_start3A_235 : memref<40x128xi32, #tpu.memory_space<vmem>>) target_semaphore(%run_scoped3A_225 : memref<!tpu.dma_semaphore, #tpu.memory_space<semaphore_mem>>)
      %dma_wait3A_240 = arith.constant 0 : i32
      %dma_wait3A_241 = arith.constant 0 : i32
      %dma_wait3A_242 = tpu.memref_slice %arg10[%dma_wait3A_240, %dma_wait3A_241] : memref<40x128xi32, #tpu.memory_space<vmem>> -> memref<40x128xi32, #tpu.memory_space<vmem>>
      %dma_wait3A_243 = arith.constant 40 : i32
      %dma_wait3A_244 = arith.constant 0 : i32
      %dma_wait3A_245 = tpu.memref_slice %arg4[%add3A, %dma_wait3A_243, %dma_wait3A_244] : memref<32x80x128xi32, #tpu.memory_space<hbm>> -> memref<1x40x128xi32, #tpu.memory_space<hbm>>
      %dma_wait3A_246 = tpu.memref_squeeze %dma_wait3A_245 : memref<1x40x128xi32, #tpu.memory_space<hbm>> -> memref<40x128xi32, #tpu.memory_space<hbm>>
      %dma_wait3A_247 = arith.constant 0 : i32
      %dma_wait3A_248 = arith.constant 0 : i32
      %dma_wait3A_249 = tpu.memref_slice %arg10[%dma_wait3A_247, %dma_wait3A_248] : memref<40x128xi32, #tpu.memory_space<vmem>> -> memref<40x128xi32, #tpu.memory_space<vmem>>
      %dma_wait3A_250 = arith.constant 40 : i32
      %dma_wait3A_251 = arith.constant 0 : i32
      %dma_wait3A_252 = tpu.memref_slice %arg4[%add3A, %dma_wait3A_250, %dma_wait3A_251] : memref<32x80x128xi32, #tpu.memory_space<hbm>> -> memref<1x40x128xi32, #tpu.memory_space<hbm>>
      %dma_wait3A_253 = tpu.memref_squeeze %dma_wait3A_252 : memref<1x40x128xi32, #tpu.memory_space<hbm>> -> memref<40x128xi32, #tpu.memory_space<hbm>>
      tpu.wait_dma2 semaphore(%run_scoped3A_225 : memref<!tpu.dma_semaphore, #tpu.memory_space<semaphore_mem>>) src(%dma_wait3A_253 : memref<40x128xi32, #tpu.memory_space<hbm>>) dst(%dma_wait3A_249 : memref<40x128xi32, #tpu.memory_space<vmem>>)
      tpu.yield
    }) : () -> ()
    "tpu.region"() ({
      %run_scoped3A_225 = tpu.sem_alloc : memref<!tpu.dma_semaphore, #tpu.memory_space<semaphore_mem>>
      %dma_start3A_226 = arith.constant 0 : i32
      %dma_start3A_227 = arith.constant 0 : i32
      %dma_start3A_228 = tpu.memref_slice %arg11[%dma_start3A_226, %dma_start3A_227] : memref<40x128xi32, #tpu.memory_space<vmem>> -> memref<40x128xi32, #tpu.memory_space<vmem>>
      %dma_start3A_229 = arith.constant 40 : i32
      %dma_start3A_230 = arith.constant 0 : i32
      %dma_start3A_231 = tpu.memref_slice %arg5[%add3A, %dma_start3A_229, %dma_start3A_230] : memref<32x80x128xi32, #tpu.memory_space<hbm>> -> memref<1x40x128xi32, #tpu.memory_space<hbm>>
      %dma_start3A_232 = tpu.memref_squeeze %dma_start3A_231 : memref<1x40x128xi32, #tpu.memory_space<hbm>> -> memref<40x128xi32, #tpu.memory_space<hbm>>
      %dma_start3A_233 = arith.constant 0 : i32
      %dma_start3A_234 = arith.constant 0 : i32
      %dma_start3A_235 = tpu.memref_slice %arg11[%dma_start3A_233, %dma_start3A_234] : memref<40x128xi32, #tpu.memory_space<vmem>> -> memref<40x128xi32, #tpu.memory_space<vmem>>
      %dma_start3A_236 = arith.constant 40 : i32
      %dma_start3A_237 = arith.constant 0 : i32
      %dma_start3A_238 = tpu.memref_slice %arg5[%add3A, %dma_start3A_236, %dma_start3A_237] : memref<32x80x128xi32, #tpu.memory_space<hbm>> -> memref<1x40x128xi32, #tpu.memory_space<hbm>>
      %dma_start3A_239 = tpu.memref_squeeze %dma_start3A_238 : memref<1x40x128xi32, #tpu.memory_space<hbm>> -> memref<40x128xi32, #tpu.memory_space<hbm>>
      tpu.enqueue_dma source(%dma_start3A_239 : memref<40x128xi32, #tpu.memory_space<hbm>>) target(%dma_start3A_235 : memref<40x128xi32, #tpu.memory_space<vmem>>) target_semaphore(%run_scoped3A_225 : memref<!tpu.dma_semaphore, #tpu.memory_space<semaphore_mem>>)
      %dma_wait3A_240 = arith.constant 0 : i32
      %dma_wait3A_241 = arith.constant 0 : i32
      %dma_wait3A_242 = tpu.memref_slice %arg11[%dma_wait3A_240, %dma_wait3A_241] : memref<40x128xi32, #tpu.memory_space<vmem>> -> memref<40x128xi32, #tpu.memory_space<vmem>>
      %dma_wait3A_243 = arith.constant 40 : i32
      %dma_wait3A_244 = arith.constant 0 : i32
      %dma_wait3A_245 = tpu.memref_slice %arg5[%add3A, %dma_wait3A_243, %dma_wait3A_244] : memref<32x80x128xi32, #tpu.memory_space<hbm>> -> memref<1x40x128xi32, #tpu.memory_space<hbm>>
      %dma_wait3A_246 = tpu.memref_squeeze %dma_wait3A_245 : memref<1x40x128xi32, #tpu.memory_space<hbm>> -> memref<40x128xi32, #tpu.memory_space<hbm>>
      %dma_wait3A_247 = arith.constant 0 : i32
      %dma_wait3A_248 = arith.constant 0 : i32
      %dma_wait3A_249 = tpu.memref_slice %arg11[%dma_wait3A_247, %dma_wait3A_248] : memref<40x128xi32, #tpu.memory_space<vmem>> -> memref<40x128xi32, #tpu.memory_space<vmem>>
      %dma_wait3A_250 = arith.constant 40 : i32
      %dma_wait3A_251 = arith.constant 0 : i32
      %dma_wait3A_252 = tpu.memref_slice %arg5[%add3A, %dma_wait3A_250, %dma_wait3A_251] : memref<32x80x128xi32, #tpu.memory_space<hbm>> -> memref<1x40x128xi32, #tpu.memory_space<hbm>>
      %dma_wait3A_253 = tpu.memref_squeeze %dma_wait3A_252 : memref<1x40x128xi32, #tpu.memory_space<hbm>> -> memref<40x128xi32, #tpu.memory_space<hbm>>
      tpu.wait_dma2 semaphore(%run_scoped3A_225 : memref<!tpu.dma_semaphore, #tpu.memory_space<semaphore_mem>>) src(%dma_wait3A_253 : memref<40x128xi32, #tpu.memory_space<hbm>>) dst(%dma_wait3A_249 : memref<40x128xi32, #tpu.memory_space<vmem>>)
      tpu.yield
    }) : () -> ()
    %dma_start3A_107 = arith.constant 0 : i32
    %dma_start3A_108 = arith.constant 0 : i32
    %dma_start3A_109 = arith.constant 0 : i32
    %dma_start3A_110 = arith.constant 0 : i32
    %dma_start3A_111 = arith.constant 0 : i32
    %dma_start3A_112 = tpu.memref_slice %arg13[%dma_start3A_108, %dma_start3A_110, %dma_start3A_111] : memref<2x128x128xf32, #tpu.memory_space<vmem>> -> memref<1x128x128xf32, #tpu.memory_space<vmem>>
    %dma_start3A_113 = tpu.memref_squeeze %dma_start3A_112 : memref<1x128x128xf32, #tpu.memory_space<vmem>> -> memref<128x128xf32, #tpu.memory_space<vmem>>
    %dma_start3A_114 = arith.constant 0 : i32
    %dma_start3A_115 = tpu.memref_slice %arg10[%dma_start3A_107, %dma_start3A_114] : memref<40x128xi32, #tpu.memory_space<vmem>> -> memref<1x128xi32, #tpu.memory_space<vmem>>
    %dma_start3A_116 = tpu.memref_squeeze %dma_start3A_115 : memref<1x128xi32, #tpu.memory_space<vmem>> -> memref<128xi32, #tpu.memory_space<vmem>>
    %dma_start3A_117 = arith.constant 0 : i32
    %dma_start3A_118 = arith.constant 0 : i32
    %dma_start3A_119 = tpu.memref_slice %arg2[%dma_start3A_117, %dma_start3A_118] : memref<10112x128xf32, #tpu.memory_space<hbm>> -> memref<10112x128xf32, #tpu.memory_space<hbm>>
    %dma_start3A_120 = tpu.memref_slice %arg16[%dma_start3A_109] : memref<2x!tpu.dma_semaphore, #tpu.memory_space<semaphore_mem>> -> memref<1x!tpu.dma_semaphore, #tpu.memory_space<semaphore_mem>>
    %dma_start3A_121 = tpu.memref_squeeze %dma_start3A_120 : memref<1x!tpu.dma_semaphore, #tpu.memory_space<semaphore_mem>> -> memref<!tpu.dma_semaphore, #tpu.memory_space<semaphore_mem>>
    tpu.enqueue_indirect_dma source(%dma_start3A_119 : memref<10112x128xf32, #tpu.memory_space<hbm>>) target(%dma_start3A_113 : memref<128x128xf32, #tpu.memory_space<vmem>>) offsets(%dma_start3A_116 : memref<128xi32, #tpu.memory_space<vmem>>) semaphore(%dma_start3A_121 : memref<!tpu.dma_semaphore, #tpu.memory_space<semaphore_mem>>)
    %dma_start3A_122 = arith.constant 1 : i32
    %dma_start3A_123 = arith.constant 1 : i32
    %dma_start3A_124 = arith.constant 1 : i32
    %dma_start3A_125 = arith.constant 0 : i32
    %dma_start3A_126 = arith.constant 0 : i32
    %dma_start3A_127 = tpu.memref_slice %arg13[%dma_start3A_123, %dma_start3A_125, %dma_start3A_126] : memref<2x128x128xf32, #tpu.memory_space<vmem>> -> memref<1x128x128xf32, #tpu.memory_space<vmem>>
    %dma_start3A_128 = tpu.memref_squeeze %dma_start3A_127 : memref<1x128x128xf32, #tpu.memory_space<vmem>> -> memref<128x128xf32, #tpu.memory_space<vmem>>
    %dma_start3A_129 = arith.constant 0 : i32
    %dma_start3A_130 = tpu.memref_slice %arg10[%dma_start3A_122, %dma_start3A_129] : memref<40x128xi32, #tpu.memory_space<vmem>> -> memref<1x128xi32, #tpu.memory_space<vmem>>
    %dma_start3A_131 = tpu.memref_squeeze %dma_start3A_130 : memref<1x128xi32, #tpu.memory_space<vmem>> -> memref<128xi32, #tpu.memory_space<vmem>>
    %dma_start3A_132 = arith.constant 0 : i32
    %dma_start3A_133 = arith.constant 0 : i32
    %dma_start3A_134 = tpu.memref_slice %arg2[%dma_start3A_132, %dma_start3A_133] : memref<10112x128xf32, #tpu.memory_space<hbm>> -> memref<10112x128xf32, #tpu.memory_space<hbm>>
    %dma_start3A_135 = tpu.memref_slice %arg16[%dma_start3A_124] : memref<2x!tpu.dma_semaphore, #tpu.memory_space<semaphore_mem>> -> memref<1x!tpu.dma_semaphore, #tpu.memory_space<semaphore_mem>>
    %dma_start3A_136 = tpu.memref_squeeze %dma_start3A_135 : memref<1x!tpu.dma_semaphore, #tpu.memory_space<semaphore_mem>> -> memref<!tpu.dma_semaphore, #tpu.memory_space<semaphore_mem>>
    tpu.enqueue_indirect_dma source(%dma_start3A_134 : memref<10112x128xf32, #tpu.memory_space<hbm>>) target(%dma_start3A_128 : memref<128x128xf32, #tpu.memory_space<vmem>>) offsets(%dma_start3A_131 : memref<128xi32, #tpu.memory_space<vmem>>) semaphore(%dma_start3A_136 : memref<!tpu.dma_semaphore, #tpu.memory_space<semaphore_mem>>)
    %scan3A_137 = arith.constant 0 : i32
    %scan3A_138 = arith.constant 0 : i32
    %scan3A_139 = arith.constant 20 : i32
    %scan3A_140 = arith.addi %scan3A_138, %scan3A_139 : i32
    %scan3A_141 = arith.constant 1 : i32
    scf.for %scan3A_225 = %scan3A_138 to %scan3A_140 step %scan3A_141  : i32 {
      %mul3A_226 = arith.constant 2 : i32
      %mul3A_227 = arith.muli %mul3A_226, %scan3A_225 : i32
      %add3A_228 = arith.constant 0 : i32
      %add3A_229 = arith.addi %mul3A_227, %add3A_228 : i32
      %dma_start3A_230 = arith.constant 0 : i32
      %dma_start3A_231 = tpu.memref_slice %arg12[%add3A_229, %dma_start3A_230] : memref<40x128xf32, #tpu.memory_space<vmem>> -> memref<1x128xf32, #tpu.memory_space<vmem>>
      %dma_start3A_232 = tpu.memref_squeeze %dma_start3A_231 : memref<1x128xf32, #tpu.memory_space<vmem>> -> memref<128xf32, #tpu.memory_space<vmem>>
      %dma_start3A_233 = arith.constant 0 : i32
      %dma_start3A_234 = tpu.memref_slice %arg11[%add3A_229, %dma_start3A_233] : memref<40x128xi32, #tpu.memory_space<vmem>> -> memref<1x128xi32, #tpu.memory_space<vmem>>
      %dma_start3A_235 = tpu.memref_squeeze %dma_start3A_234 : memref<1x128xi32, #tpu.memory_space<vmem>> -> memref<128xi32, #tpu.memory_space<vmem>>
      %dma_start3A_236 = arith.constant 0 : i32
      %dma_start3A_237 = tpu.memref_slice %arg3[%dma_start3A_236] : memref<10112xf32, #tpu.memory_space<hbm>> -> memref<10112xf32, #tpu.memory_space<hbm>>
      tpu.enqueue_indirect_dma source(%dma_start3A_237 : memref<10112xf32, #tpu.memory_space<hbm>>) target(%dma_start3A_232 : memref<128xf32, #tpu.memory_space<vmem>>) offsets(%dma_start3A_235 : memref<128xi32, #tpu.memory_space<vmem>>) semaphore(%arg18 : memref<!tpu.dma_semaphore, #tpu.memory_space<semaphore_mem>>)
      %dma_wait3A_238 = arith.constant 0 : i32
      %dma_wait3A_239 = arith.constant 0 : i32
      %dma_wait3A_240 = arith.constant 0 : i32
      %dma_wait3A_241 = arith.constant 0 : i32
      %dma_wait3A_242 = tpu.memref_slice %arg13[%dma_wait3A_238, %dma_wait3A_240, %dma_wait3A_241] : memref<2x128x128xf32, #tpu.memory_space<vmem>> -> memref<1x128x128xf32, #tpu.memory_space<vmem>>
      %dma_wait3A_243 = tpu.memref_squeeze %dma_wait3A_242 : memref<1x128x128xf32, #tpu.memory_space<vmem>> -> memref<128x128xf32, #tpu.memory_space<vmem>>
      %dma_wait3A_244 = arith.constant 0 : i32
      %dma_wait3A_245 = tpu.memref_slice %arg10[%add3A_229, %dma_wait3A_244] : memref<40x128xi32, #tpu.memory_space<vmem>> -> memref<1x128xi32, #tpu.memory_space<vmem>>
      %dma_wait3A_246 = tpu.memref_squeeze %dma_wait3A_245 : memref<1x128xi32, #tpu.memory_space<vmem>> -> memref<128xi32, #tpu.memory_space<vmem>>
      %dma_wait3A_247 = arith.constant 0 : i32
      %dma_wait3A_248 = arith.constant 0 : i32
      %dma_wait3A_249 = tpu.memref_slice %arg2[%dma_wait3A_247, %dma_wait3A_248] : memref<10112x128xf32, #tpu.memory_space<hbm>> -> memref<10112x128xf32, #tpu.memory_space<hbm>>
      %dma_wait3A_250 = tpu.memref_slice %arg16[%dma_wait3A_239] : memref<2x!tpu.dma_semaphore, #tpu.memory_space<semaphore_mem>> -> memref<1x!tpu.dma_semaphore, #tpu.memory_space<semaphore_mem>>
      %dma_wait3A_251 = tpu.memref_squeeze %dma_wait3A_250 : memref<1x!tpu.dma_semaphore, #tpu.memory_space<semaphore_mem>> -> memref<!tpu.dma_semaphore, #tpu.memory_space<semaphore_mem>>
      tpu.wait_indirect_dma semaphore(%dma_wait3A_251 : memref<!tpu.dma_semaphore, #tpu.memory_space<semaphore_mem>>) src(%dma_wait3A_249 : memref<10112x128xf32, #tpu.memory_space<hbm>>) dst(%dma_wait3A_243 : memref<128x128xf32, #tpu.memory_space<vmem>>)
      %dma_start3A_252 = arith.constant 0 : i32
      %dma_start3A_253 = arith.constant 0 : i32
      %dma_start3A_254 = arith.constant 0 : i32
      %dma_start3A_255 = arith.constant 0 : i32
      %dma_start3A_256 = tpu.memref_slice %arg13[%dma_start3A_252, %dma_start3A_254, %dma_start3A_255] : memref<2x128x128xf32, #tpu.memory_space<vmem>> -> memref<1x128x128xf32, #tpu.memory_space<vmem>>
      %dma_start3A_257 = tpu.memref_squeeze %dma_start3A_256 : memref<1x128x128xf32, #tpu.memory_space<vmem>> -> memref<128x128xf32, #tpu.memory_space<vmem>>
      %dma_start3A_258 = arith.constant 0 : i32
      %dma_start3A_259 = tpu.memref_slice %arg11[%add3A_229, %dma_start3A_258] : memref<40x128xi32, #tpu.memory_space<vmem>> -> memref<1x128xi32, #tpu.memory_space<vmem>>
      %dma_start3A_260 = tpu.memref_squeeze %dma_start3A_259 : memref<1x128xi32, #tpu.memory_space<vmem>> -> memref<128xi32, #tpu.memory_space<vmem>>
      %dma_start3A_261 = arith.constant 0 : i32
      %dma_start3A_262 = arith.constant 0 : i32
      %dma_start3A_263 = tpu.memref_slice %arg14[%dma_start3A_261, %dma_start3A_262] : memref<10112x128xf32, #tpu.memory_space<vmem_shared>> -> memref<10112x128xf32, #tpu.memory_space<vmem_shared>>
      %dma_start3A_264 = tpu.memref_slice %arg17[%dma_start3A_253] : memref<2x!tpu.dma_semaphore, #tpu.memory_space<semaphore_mem>> -> memref<1x!tpu.dma_semaphore, #tpu.memory_space<semaphore_mem>>
      %dma_start3A_265 = tpu.memref_squeeze %dma_start3A_264 : memref<1x!tpu.dma_semaphore, #tpu.memory_space<semaphore_mem>> -> memref<!tpu.dma_semaphore, #tpu.memory_space<semaphore_mem>>
      tpu.enqueue_indirect_dma source(%dma_start3A_257 : memref<128x128xf32, #tpu.memory_space<vmem>>) target(%dma_start3A_263 : memref<10112x128xf32, #tpu.memory_space<vmem_shared>>) offsets(%dma_start3A_260 : memref<128xi32, #tpu.memory_space<vmem>>) semaphore(%dma_start3A_265 : memref<!tpu.dma_semaphore, #tpu.memory_space<semaphore_mem>>) {add = true}
      %ge3A = arith.constant 2 : i32
      %ge3A_266 = arith.cmpi sge, %add3A_229, %ge3A : i32
      %convert_element_type3A = arith.extui %ge3A_266 : i1 to i32
      %cond3A = arith.constant 0 : i32
      %cond3A_267 = arith.cmpi ne, %convert_element_type3A, %cond3A : i32
      scf.if %cond3A_267 {
        %sub3A = arith.constant 2 : i32
        %sub3A_354 = arith.subi %add3A_229, %sub3A : i32
        %sub3A_355 = arith.constant 2 : i32
        %sub3A_356 = arith.subi %add3A_229, %sub3A_355 : i32
        %dma_wait3A_357 = arith.constant 0 : i32
        %dma_wait3A_358 = tpu.memref_slice %arg12[%sub3A_356, %dma_wait3A_357] : memref<40x128xf32, #tpu.memory_space<vmem>> -> memref<1x128xf32, #tpu.memory_space<vmem>>
        %dma_wait3A_359 = tpu.memref_squeeze %dma_wait3A_358 : memref<1x128xf32, #tpu.memory_space<vmem>> -> memref<128xf32, #tpu.memory_space<vmem>>
        %dma_wait3A_360 = arith.constant 0 : i32
        %dma_wait3A_361 = tpu.memref_slice %arg11[%sub3A_354, %dma_wait3A_360] : memref<40x128xi32, #tpu.memory_space<vmem>> -> memref<1x128xi32, #tpu.memory_space<vmem>>
        %dma_wait3A_362 = tpu.memref_squeeze %dma_wait3A_361 : memref<1x128xi32, #tpu.memory_space<vmem>> -> memref<128xi32, #tpu.memory_space<vmem>>
        %dma_wait3A_363 = arith.constant 0 : i32
        %dma_wait3A_364 = tpu.memref_slice %arg3[%dma_wait3A_363] : memref<10112xf32, #tpu.memory_space<hbm>> -> memref<10112xf32, #tpu.memory_space<hbm>>
        tpu.wait_indirect_dma semaphore(%arg18 : memref<!tpu.dma_semaphore, #tpu.memory_space<semaphore_mem>>) src(%dma_wait3A_364 : memref<10112xf32, #tpu.memory_space<hbm>>) dst(%dma_wait3A_359 : memref<128xf32, #tpu.memory_space<vmem>>)
        %sub3A_365 = arith.constant 2 : i32
        %sub3A_366 = arith.subi %add3A_229, %sub3A_365 : i32
        %sub3A_367 = arith.constant 2 : i32
        %sub3A_368 = arith.subi %add3A_229, %sub3A_367 : i32
        %dma_start3A_369 = arith.constant 0 : i32
        %dma_start3A_370 = tpu.memref_slice %arg12[%sub3A_366, %dma_start3A_369] : memref<40x128xf32, #tpu.memory_space<vmem>> -> memref<1x128xf32, #tpu.memory_space<vmem>>
        %dma_start3A_371 = tpu.memref_squeeze %dma_start3A_370 : memref<1x128xf32, #tpu.memory_space<vmem>> -> memref<128xf32, #tpu.memory_space<vmem>>
        %dma_start3A_372 = arith.constant 0 : i32
        %dma_start3A_373 = tpu.memref_slice %arg10[%sub3A_368, %dma_start3A_372] : memref<40x128xi32, #tpu.memory_space<vmem>> -> memref<1x128xi32, #tpu.memory_space<vmem>>
        %dma_start3A_374 = tpu.memref_squeeze %dma_start3A_373 : memref<1x128xi32, #tpu.memory_space<vmem>> -> memref<128xi32, #tpu.memory_space<vmem>>
        %dma_start3A_375 = arith.constant 0 : i32
        %dma_start3A_376 = tpu.memref_slice %arg15[%dma_start3A_375] : memref<10112xf32, #tpu.memory_space<vmem_shared>> -> memref<10112xf32, #tpu.memory_space<vmem_shared>>
        tpu.enqueue_indirect_dma source(%dma_start3A_371 : memref<128xf32, #tpu.memory_space<vmem>>) target(%dma_start3A_376 : memref<10112xf32, #tpu.memory_space<vmem_shared>>) offsets(%dma_start3A_374 : memref<128xi32, #tpu.memory_space<vmem>>) semaphore(%arg19 : memref<!tpu.dma_semaphore, #tpu.memory_space<semaphore_mem>>) {add = true}
      } else {
      }
      %dma_wait3A_268 = arith.constant 0 : i32
      %dma_wait3A_269 = arith.constant 0 : i32
      %dma_wait3A_270 = arith.constant 0 : i32
      %dma_wait3A_271 = arith.constant 0 : i32
      %dma_wait3A_272 = tpu.memref_slice %arg13[%dma_wait3A_268, %dma_wait3A_270, %dma_wait3A_271] : memref<2x128x128xf32, #tpu.memory_space<vmem>> -> memref<1x128x128xf32, #tpu.memory_space<vmem>>
      %dma_wait3A_273 = tpu.memref_squeeze %dma_wait3A_272 : memref<1x128x128xf32, #tpu.memory_space<vmem>> -> memref<128x128xf32, #tpu.memory_space<vmem>>
      %dma_wait3A_274 = arith.constant 0 : i32
      %dma_wait3A_275 = tpu.memref_slice %arg11[%add3A_229, %dma_wait3A_274] : memref<40x128xi32, #tpu.memory_space<vmem>> -> memref<1x128xi32, #tpu.memory_space<vmem>>
      %dma_wait3A_276 = tpu.memref_squeeze %dma_wait3A_275 : memref<1x128xi32, #tpu.memory_space<vmem>> -> memref<128xi32, #tpu.memory_space<vmem>>
      %dma_wait3A_277 = arith.constant 0 : i32
      %dma_wait3A_278 = arith.constant 0 : i32
      %dma_wait3A_279 = tpu.memref_slice %arg14[%dma_wait3A_277, %dma_wait3A_278] : memref<10112x128xf32, #tpu.memory_space<vmem_shared>> -> memref<10112x128xf32, #tpu.memory_space<vmem_shared>>
      %dma_wait3A_280 = tpu.memref_slice %arg17[%dma_wait3A_269] : memref<2x!tpu.dma_semaphore, #tpu.memory_space<semaphore_mem>> -> memref<1x!tpu.dma_semaphore, #tpu.memory_space<semaphore_mem>>
      %dma_wait3A_281 = tpu.memref_squeeze %dma_wait3A_280 : memref<1x!tpu.dma_semaphore, #tpu.memory_space<semaphore_mem>> -> memref<!tpu.dma_semaphore, #tpu.memory_space<semaphore_mem>>
      tpu.wait_indirect_dma semaphore(%dma_wait3A_281 : memref<!tpu.dma_semaphore, #tpu.memory_space<semaphore_mem>>) src(%dma_wait3A_273 : memref<128x128xf32, #tpu.memory_space<vmem>>) dst(%dma_wait3A_279 : memref<10112x128xf32, #tpu.memory_space<vmem_shared>>)
      %add3A_282 = arith.constant 2 : i32
      %add3A_283 = arith.addi %add3A_229, %add3A_282 : i32
      %lt3A = arith.constant 40 : i32
      %lt3A_284 = arith.cmpi slt, %add3A_283, %lt3A : i32
      %convert_element_type3A_285 = arith.extui %lt3A_284 : i1 to i32
      %cond3A_286 = arith.constant 0 : i32
      %cond3A_287 = arith.cmpi ne, %convert_element_type3A_285, %cond3A_286 : i32
      scf.if %cond3A_287 {
        %add3A_354 = arith.constant 2 : i32
        %add3A_355 = arith.addi %add3A_229, %add3A_354 : i32
        %dma_start3A_356 = arith.constant 0 : i32
        %dma_start3A_357 = arith.constant 0 : i32
        %dma_start3A_358 = arith.constant 0 : i32
        %dma_start3A_359 = arith.constant 0 : i32
        %dma_start3A_360 = tpu.memref_slice %arg13[%dma_start3A_356, %dma_start3A_358, %dma_start3A_359] : memref<2x128x128xf32, #tpu.memory_space<vmem>> -> memref<1x128x128xf32, #tpu.memory_space<vmem>>
        %dma_start3A_361 = tpu.memref_squeeze %dma_start3A_360 : memref<1x128x128xf32, #tpu.memory_space<vmem>> -> memref<128x128xf32, #tpu.memory_space<vmem>>
        %dma_start3A_362 = arith.constant 0 : i32
        %dma_start3A_363 = tpu.memref_slice %arg10[%add3A_355, %dma_start3A_362] : memref<40x128xi32, #tpu.memory_space<vmem>> -> memref<1x128xi32, #tpu.memory_space<vmem>>
        %dma_start3A_364 = tpu.memref_squeeze %dma_start3A_363 : memref<1x128xi32, #tpu.memory_space<vmem>> -> memref<128xi32, #tpu.memory_space<vmem>>
        %dma_start3A_365 = arith.constant 0 : i32
        %dma_start3A_366 = arith.constant 0 : i32
        %dma_start3A_367 = tpu.memref_slice %arg2[%dma_start3A_365, %dma_start3A_366] : memref<10112x128xf32, #tpu.memory_space<hbm>> -> memref<10112x128xf32, #tpu.memory_space<hbm>>
        %dma_start3A_368 = tpu.memref_slice %arg16[%dma_start3A_357] : memref<2x!tpu.dma_semaphore, #tpu.memory_space<semaphore_mem>> -> memref<1x!tpu.dma_semaphore, #tpu.memory_space<semaphore_mem>>
        %dma_start3A_369 = tpu.memref_squeeze %dma_start3A_368 : memref<1x!tpu.dma_semaphore, #tpu.memory_space<semaphore_mem>> -> memref<!tpu.dma_semaphore, #tpu.memory_space<semaphore_mem>>
        tpu.enqueue_indirect_dma source(%dma_start3A_367 : memref<10112x128xf32, #tpu.memory_space<hbm>>) target(%dma_start3A_361 : memref<128x128xf32, #tpu.memory_space<vmem>>) offsets(%dma_start3A_364 : memref<128xi32, #tpu.memory_space<vmem>>) semaphore(%dma_start3A_369 : memref<!tpu.dma_semaphore, #tpu.memory_space<semaphore_mem>>)
      } else {
      }
      %mul3A_288 = arith.constant 2 : i32
      %mul3A_289 = arith.muli %mul3A_288, %scan3A_225 : i32
      %add3A_290 = arith.constant 1 : i32
      %add3A_291 = arith.addi %mul3A_289, %add3A_290 : i32
      %dma_start3A_292 = arith.constant 0 : i32
      %dma_start3A_293 = tpu.memref_slice %arg12[%add3A_291, %dma_start3A_292] : memref<40x128xf32, #tpu.memory_space<vmem>> -> memref<1x128xf32, #tpu.memory_space<vmem>>
      %dma_start3A_294 = tpu.memref_squeeze %dma_start3A_293 : memref<1x128xf32, #tpu.memory_space<vmem>> -> memref<128xf32, #tpu.memory_space<vmem>>
      %dma_start3A_295 = arith.constant 0 : i32
      %dma_start3A_296 = tpu.memref_slice %arg11[%add3A_291, %dma_start3A_295] : memref<40x128xi32, #tpu.memory_space<vmem>> -> memref<1x128xi32, #tpu.memory_space<vmem>>
      %dma_start3A_297 = tpu.memref_squeeze %dma_start3A_296 : memref<1x128xi32, #tpu.memory_space<vmem>> -> memref<128xi32, #tpu.memory_space<vmem>>
      %dma_start3A_298 = arith.constant 0 : i32
      %dma_start3A_299 = tpu.memref_slice %arg3[%dma_start3A_298] : memref<10112xf32, #tpu.memory_space<hbm>> -> memref<10112xf32, #tpu.memory_space<hbm>>
      tpu.enqueue_indirect_dma source(%dma_start3A_299 : memref<10112xf32, #tpu.memory_space<hbm>>) target(%dma_start3A_294 : memref<128xf32, #tpu.memory_space<vmem>>) offsets(%dma_start3A_297 : memref<128xi32, #tpu.memory_space<vmem>>) semaphore(%arg18 : memref<!tpu.dma_semaphore, #tpu.memory_space<semaphore_mem>>)
      %dma_wait3A_300 = arith.constant 1 : i32
      %dma_wait3A_301 = arith.constant 1 : i32
      %dma_wait3A_302 = arith.constant 0 : i32
      %dma_wait3A_303 = arith.constant 0 : i32
      %dma_wait3A_304 = tpu.memref_slice %arg13[%dma_wait3A_300, %dma_wait3A_302, %dma_wait3A_303] : memref<2x128x128xf32, #tpu.memory_space<vmem>> -> memref<1x128x128xf32, #tpu.memory_space<vmem>>
      %dma_wait3A_305 = tpu.memref_squeeze %dma_wait3A_304 : memref<1x128x128xf32, #tpu.memory_space<vmem>> -> memref<128x128xf32, #tpu.memory_space<vmem>>
      %dma_wait3A_306 = arith.constant 0 : i32
      %dma_wait3A_307 = tpu.memref_slice %arg10[%add3A_291, %dma_wait3A_306] : memref<40x128xi32, #tpu.memory_space<vmem>> -> memref<1x128xi32, #tpu.memory_space<vmem>>
      %dma_wait3A_308 = tpu.memref_squeeze %dma_wait3A_307 : memref<1x128xi32, #tpu.memory_space<vmem>> -> memref<128xi32, #tpu.memory_space<vmem>>
      %dma_wait3A_309 = arith.constant 0 : i32
      %dma_wait3A_310 = arith.constant 0 : i32
      %dma_wait3A_311 = tpu.memref_slice %arg2[%dma_wait3A_309, %dma_wait3A_310] : memref<10112x128xf32, #tpu.memory_space<hbm>> -> memref<10112x128xf32, #tpu.memory_space<hbm>>
      %dma_wait3A_312 = tpu.memref_slice %arg16[%dma_wait3A_301] : memref<2x!tpu.dma_semaphore, #tpu.memory_space<semaphore_mem>> -> memref<1x!tpu.dma_semaphore, #tpu.memory_space<semaphore_mem>>
      %dma_wait3A_313 = tpu.memref_squeeze %dma_wait3A_312 : memref<1x!tpu.dma_semaphore, #tpu.memory_space<semaphore_mem>> -> memref<!tpu.dma_semaphore, #tpu.memory_space<semaphore_mem>>
      tpu.wait_indirect_dma semaphore(%dma_wait3A_313 : memref<!tpu.dma_semaphore, #tpu.memory_space<semaphore_mem>>) src(%dma_wait3A_311 : memref<10112x128xf32, #tpu.memory_space<hbm>>) dst(%dma_wait3A_305 : memref<128x128xf32, #tpu.memory_space<vmem>>)
      %dma_start3A_314 = arith.constant 1 : i32
      %dma_start3A_315 = arith.constant 1 : i32
      %dma_start3A_316 = arith.constant 0 : i32
      %dma_start3A_317 = arith.constant 0 : i32
      %dma_start3A_318 = tpu.memref_slice %arg13[%dma_start3A_314, %dma_start3A_316, %dma_start3A_317] : memref<2x128x128xf32, #tpu.memory_space<vmem>> -> memref<1x128x128xf32, #tpu.memory_space<vmem>>
      %dma_start3A_319 = tpu.memref_squeeze %dma_start3A_318 : memref<1x128x128xf32, #tpu.memory_space<vmem>> -> memref<128x128xf32, #tpu.memory_space<vmem>>
      %dma_start3A_320 = arith.constant 0 : i32
      %dma_start3A_321 = tpu.memref_slice %arg11[%add3A_291, %dma_start3A_320] : memref<40x128xi32, #tpu.memory_space<vmem>> -> memref<1x128xi32, #tpu.memory_space<vmem>>
      %dma_start3A_322 = tpu.memref_squeeze %dma_start3A_321 : memref<1x128xi32, #tpu.memory_space<vmem>> -> memref<128xi32, #tpu.memory_space<vmem>>
      %dma_start3A_323 = arith.constant 0 : i32
      %dma_start3A_324 = arith.constant 0 : i32
      %dma_start3A_325 = tpu.memref_slice %arg14[%dma_start3A_323, %dma_start3A_324] : memref<10112x128xf32, #tpu.memory_space<vmem_shared>> -> memref<10112x128xf32, #tpu.memory_space<vmem_shared>>
      %dma_start3A_326 = tpu.memref_slice %arg17[%dma_start3A_315] : memref<2x!tpu.dma_semaphore, #tpu.memory_space<semaphore_mem>> -> memref<1x!tpu.dma_semaphore, #tpu.memory_space<semaphore_mem>>
      %dma_start3A_327 = tpu.memref_squeeze %dma_start3A_326 : memref<1x!tpu.dma_semaphore, #tpu.memory_space<semaphore_mem>> -> memref<!tpu.dma_semaphore, #tpu.memory_space<semaphore_mem>>
      tpu.enqueue_indirect_dma source(%dma_start3A_319 : memref<128x128xf32, #tpu.memory_space<vmem>>) target(%dma_start3A_325 : memref<10112x128xf32, #tpu.memory_space<vmem_shared>>) offsets(%dma_start3A_322 : memref<128xi32, #tpu.memory_space<vmem>>) semaphore(%dma_start3A_327 : memref<!tpu.dma_semaphore, #tpu.memory_space<semaphore_mem>>) {add = true}
      %ge3A_328 = arith.constant 2 : i32
      %ge3A_329 = arith.cmpi sge, %add3A_291, %ge3A_328 : i32
      %convert_element_type3A_330 = arith.extui %ge3A_329 : i1 to i32
      %cond3A_331 = arith.constant 0 : i32
      %cond3A_332 = arith.cmpi ne, %convert_element_type3A_330, %cond3A_331 : i32
      scf.if %cond3A_332 {
        %sub3A = arith.constant 2 : i32
        %sub3A_354 = arith.subi %add3A_291, %sub3A : i32
        %sub3A_355 = arith.constant 2 : i32
        %sub3A_356 = arith.subi %add3A_291, %sub3A_355 : i32
        %dma_wait3A_357 = arith.constant 0 : i32
        %dma_wait3A_358 = tpu.memref_slice %arg12[%sub3A_356, %dma_wait3A_357] : memref<40x128xf32, #tpu.memory_space<vmem>> -> memref<1x128xf32, #tpu.memory_space<vmem>>
        %dma_wait3A_359 = tpu.memref_squeeze %dma_wait3A_358 : memref<1x128xf32, #tpu.memory_space<vmem>> -> memref<128xf32, #tpu.memory_space<vmem>>
        %dma_wait3A_360 = arith.constant 0 : i32
        %dma_wait3A_361 = tpu.memref_slice %arg11[%sub3A_354, %dma_wait3A_360] : memref<40x128xi32, #tpu.memory_space<vmem>> -> memref<1x128xi32, #tpu.memory_space<vmem>>
        %dma_wait3A_362 = tpu.memref_squeeze %dma_wait3A_361 : memref<1x128xi32, #tpu.memory_space<vmem>> -> memref<128xi32, #tpu.memory_space<vmem>>
        %dma_wait3A_363 = arith.constant 0 : i32
        %dma_wait3A_364 = tpu.memref_slice %arg3[%dma_wait3A_363] : memref<10112xf32, #tpu.memory_space<hbm>> -> memref<10112xf32, #tpu.memory_space<hbm>>
        tpu.wait_indirect_dma semaphore(%arg18 : memref<!tpu.dma_semaphore, #tpu.memory_space<semaphore_mem>>) src(%dma_wait3A_364 : memref<10112xf32, #tpu.memory_space<hbm>>) dst(%dma_wait3A_359 : memref<128xf32, #tpu.memory_space<vmem>>)
        %sub3A_365 = arith.constant 2 : i32
        %sub3A_366 = arith.subi %add3A_291, %sub3A_365 : i32
        %sub3A_367 = arith.constant 2 : i32
        %sub3A_368 = arith.subi %add3A_291, %sub3A_367 : i32
        %dma_start3A_369 = arith.constant 0 : i32
        %dma_start3A_370 = tpu.memref_slice %arg12[%sub3A_366, %dma_start3A_369] : memref<40x128xf32, #tpu.memory_space<vmem>> -> memref<1x128xf32, #tpu.memory_space<vmem>>
        %dma_start3A_371 = tpu.memref_squeeze %dma_start3A_370 : memref<1x128xf32, #tpu.memory_space<vmem>> -> memref<128xf32, #tpu.memory_space<vmem>>
        %dma_start3A_372 = arith.constant 0 : i32
        %dma_start3A_373 = tpu.memref_slice %arg10[%sub3A_368, %dma_start3A_372] : memref<40x128xi32, #tpu.memory_space<vmem>> -> memref<1x128xi32, #tpu.memory_space<vmem>>
        %dma_start3A_374 = tpu.memref_squeeze %dma_start3A_373 : memref<1x128xi32, #tpu.memory_space<vmem>> -> memref<128xi32, #tpu.memory_space<vmem>>
        %dma_start3A_375 = arith.constant 0 : i32
        %dma_start3A_376 = tpu.memref_slice %arg15[%dma_start3A_375] : memref<10112xf32, #tpu.memory_space<vmem_shared>> -> memref<10112xf32, #tpu.memory_space<vmem_shared>>
        tpu.enqueue_indirect_dma source(%dma_start3A_371 : memref<128xf32, #tpu.memory_space<vmem>>) target(%dma_start3A_376 : memref<10112xf32, #tpu.memory_space<vmem_shared>>) offsets(%dma_start3A_374 : memref<128xi32, #tpu.memory_space<vmem>>) semaphore(%arg19 : memref<!tpu.dma_semaphore, #tpu.memory_space<semaphore_mem>>) {add = true}
      } else {
      }
      %dma_wait3A_333 = arith.constant 1 : i32
      %dma_wait3A_334 = arith.constant 1 : i32
      %dma_wait3A_335 = arith.constant 0 : i32
      %dma_wait3A_336 = arith.constant 0 : i32
      %dma_wait3A_337 = tpu.memref_slice %arg13[%dma_wait3A_333, %dma_wait3A_335, %dma_wait3A_336] : memref<2x128x128xf32, #tpu.memory_space<vmem>> -> memref<1x128x128xf32, #tpu.memory_space<vmem>>
      %dma_wait3A_338 = tpu.memref_squeeze %dma_wait3A_337 : memref<1x128x128xf32, #tpu.memory_space<vmem>> -> memref<128x128xf32, #tpu.memory_space<vmem>>
      %dma_wait3A_339 = arith.constant 0 : i32
      %dma_wait3A_340 = tpu.memref_slice %arg11[%add3A_291, %dma_wait3A_339] : memref<40x128xi32, #tpu.memory_space<vmem>> -> memref<1x128xi32, #tpu.memory_space<vmem>>
      %dma_wait3A_341 = tpu.memref_squeeze %dma_wait3A_340 : memref<1x128xi32, #tpu.memory_space<vmem>> -> memref<128xi32, #tpu.memory_space<vmem>>
      %dma_wait3A_342 = arith.constant 0 : i32
      %dma_wait3A_343 = arith.constant 0 : i32
      %dma_wait3A_344 = tpu.memref_slice %arg14[%dma_wait3A_342, %dma_wait3A_343] : memref<10112x128xf32, #tpu.memory_space<vmem_shared>> -> memref<10112x128xf32, #tpu.memory_space<vmem_shared>>
      %dma_wait3A_345 = tpu.memref_slice %arg17[%dma_wait3A_334] : memref<2x!tpu.dma_semaphore, #tpu.memory_space<semaphore_mem>> -> memref<1x!tpu.dma_semaphore, #tpu.memory_space<semaphore_mem>>
      %dma_wait3A_346 = tpu.memref_squeeze %dma_wait3A_345 : memref<1x!tpu.dma_semaphore, #tpu.memory_space<semaphore_mem>> -> memref<!tpu.dma_semaphore, #tpu.memory_space<semaphore_mem>>
      tpu.wait_indirect_dma semaphore(%dma_wait3A_346 : memref<!tpu.dma_semaphore, #tpu.memory_space<semaphore_mem>>) src(%dma_wait3A_338 : memref<128x128xf32, #tpu.memory_space<vmem>>) dst(%dma_wait3A_344 : memref<10112x128xf32, #tpu.memory_space<vmem_shared>>)
      %add3A_347 = arith.constant 2 : i32
      %add3A_348 = arith.addi %add3A_291, %add3A_347 : i32
      %lt3A_349 = arith.constant 40 : i32
      %lt3A_350 = arith.cmpi slt, %add3A_348, %lt3A_349 : i32
      %convert_element_type3A_351 = arith.extui %lt3A_350 : i1 to i32
      %cond3A_352 = arith.constant 0 : i32
      %cond3A_353 = arith.cmpi ne, %convert_element_type3A_351, %cond3A_352 : i32
      scf.if %cond3A_353 {
        %add3A_354 = arith.constant 2 : i32
        %add3A_355 = arith.addi %add3A_291, %add3A_354 : i32
        %dma_start3A_356 = arith.constant 1 : i32
        %dma_start3A_357 = arith.constant 1 : i32
        %dma_start3A_358 = arith.constant 0 : i32
        %dma_start3A_359 = arith.constant 0 : i32
        %dma_start3A_360 = tpu.memref_slice %arg13[%dma_start3A_356, %dma_start3A_358, %dma_start3A_359] : memref<2x128x128xf32, #tpu.memory_space<vmem>> -> memref<1x128x128xf32, #tpu.memory_space<vmem>>
        %dma_start3A_361 = tpu.memref_squeeze %dma_start3A_360 : memref<1x128x128xf32, #tpu.memory_space<vmem>> -> memref<128x128xf32, #tpu.memory_space<vmem>>
        %dma_start3A_362 = arith.constant 0 : i32
        %dma_start3A_363 = tpu.memref_slice %arg10[%add3A_355, %dma_start3A_362] : memref<40x128xi32, #tpu.memory_space<vmem>> -> memref<1x128xi32, #tpu.memory_space<vmem>>
        %dma_start3A_364 = tpu.memref_squeeze %dma_start3A_363 : memref<1x128xi32, #tpu.memory_space<vmem>> -> memref<128xi32, #tpu.memory_space<vmem>>
        %dma_start3A_365 = arith.constant 0 : i32
        %dma_start3A_366 = arith.constant 0 : i32
        %dma_start3A_367 = tpu.memref_slice %arg2[%dma_start3A_365, %dma_start3A_366] : memref<10112x128xf32, #tpu.memory_space<hbm>> -> memref<10112x128xf32, #tpu.memory_space<hbm>>
        %dma_start3A_368 = tpu.memref_slice %arg16[%dma_start3A_357] : memref<2x!tpu.dma_semaphore, #tpu.memory_space<semaphore_mem>> -> memref<1x!tpu.dma_semaphore, #tpu.memory_space<semaphore_mem>>
        %dma_start3A_369 = tpu.memref_squeeze %dma_start3A_368 : memref<1x!tpu.dma_semaphore, #tpu.memory_space<semaphore_mem>> -> memref<!tpu.dma_semaphore, #tpu.memory_space<semaphore_mem>>
        tpu.enqueue_indirect_dma source(%dma_start3A_367 : memref<10112x128xf32, #tpu.memory_space<hbm>>) target(%dma_start3A_361 : memref<128x128xf32, #tpu.memory_space<vmem>>) offsets(%dma_start3A_364 : memref<128xi32, #tpu.memory_space<vmem>>) semaphore(%dma_start3A_369 : memref<!tpu.dma_semaphore, #tpu.memory_space<semaphore_mem>>)
      } else {
      }
    }
    %scan3A_142 = arith.constant 20 : i32
    %dma_wait3A_143 = arith.constant 38 : i32
    %dma_wait3A_144 = arith.constant 38 : i32
    %dma_wait3A_145 = arith.constant 0 : i32
    %dma_wait3A_146 = tpu.memref_slice %arg12[%dma_wait3A_144, %dma_wait3A_145] : memref<40x128xf32, #tpu.memory_space<vmem>> -> memref<1x128xf32, #tpu.memory_space<vmem>>
    %dma_wait3A_147 = tpu.memref_squeeze %dma_wait3A_146 : memref<1x128xf32, #tpu.memory_space<vmem>> -> memref<128xf32, #tpu.memory_space<vmem>>
    %dma_wait3A_148 = arith.constant 0 : i32
    %dma_wait3A_149 = tpu.memref_slice %arg11[%dma_wait3A_143, %dma_wait3A_148] : memref<40x128xi32, #tpu.memory_space<vmem>> -> memref<1x128xi32, #tpu.memory_space<vmem>>
    %dma_wait3A_150 = tpu.memref_squeeze %dma_wait3A_149 : memref<1x128xi32, #tpu.memory_space<vmem>> -> memref<128xi32, #tpu.memory_space<vmem>>
    %dma_wait3A_151 = arith.constant 0 : i32
    %dma_wait3A_152 = tpu.memref_slice %arg3[%dma_wait3A_151] : memref<10112xf32, #tpu.memory_space<hbm>> -> memref<10112xf32, #tpu.memory_space<hbm>>
    tpu.wait_indirect_dma semaphore(%arg18 : memref<!tpu.dma_semaphore, #tpu.memory_space<semaphore_mem>>) src(%dma_wait3A_152 : memref<10112xf32, #tpu.memory_space<hbm>>) dst(%dma_wait3A_147 : memref<128xf32, #tpu.memory_space<vmem>>)
    %dma_start3A_153 = arith.constant 38 : i32
    %dma_start3A_154 = arith.constant 38 : i32
    %dma_start3A_155 = arith.constant 0 : i32
    %dma_start3A_156 = tpu.memref_slice %arg12[%dma_start3A_153, %dma_start3A_155] : memref<40x128xf32, #tpu.memory_space<vmem>> -> memref<1x128xf32, #tpu.memory_space<vmem>>
    %dma_start3A_157 = tpu.memref_squeeze %dma_start3A_156 : memref<1x128xf32, #tpu.memory_space<vmem>> -> memref<128xf32, #tpu.memory_space<vmem>>
    %dma_start3A_158 = arith.constant 0 : i32
    %dma_start3A_159 = tpu.memref_slice %arg10[%dma_start3A_154, %dma_start3A_158] : memref<40x128xi32, #tpu.memory_space<vmem>> -> memref<1x128xi32, #tpu.memory_space<vmem>>
    %dma_start3A_160 = tpu.memref_squeeze %dma_start3A_159 : memref<1x128xi32, #tpu.memory_space<vmem>> -> memref<128xi32, #tpu.memory_space<vmem>>
    %dma_start3A_161 = arith.constant 0 : i32
    %dma_start3A_162 = tpu.memref_slice %arg15[%dma_start3A_161] : memref<10112xf32, #tpu.memory_space<vmem_shared>> -> memref<10112xf32, #tpu.memory_space<vmem_shared>>
    tpu.enqueue_indirect_dma source(%dma_start3A_157 : memref<128xf32, #tpu.memory_space<vmem>>) target(%dma_start3A_162 : memref<10112xf32, #tpu.memory_space<vmem_shared>>) offsets(%dma_start3A_160 : memref<128xi32, #tpu.memory_space<vmem>>) semaphore(%arg19 : memref<!tpu.dma_semaphore, #tpu.memory_space<semaphore_mem>>) {add = true}
    %dma_wait3A_163 = arith.constant 39 : i32
    %dma_wait3A_164 = arith.constant 39 : i32
    %dma_wait3A_165 = arith.constant 0 : i32
    %dma_wait3A_166 = tpu.memref_slice %arg12[%dma_wait3A_164, %dma_wait3A_165] : memref<40x128xf32, #tpu.memory_space<vmem>> -> memref<1x128xf32, #tpu.memory_space<vmem>>
    %dma_wait3A_167 = tpu.memref_squeeze %dma_wait3A_166 : memref<1x128xf32, #tpu.memory_space<vmem>> -> memref<128xf32, #tpu.memory_space<vmem>>
    %dma_wait3A_168 = arith.constant 0 : i32
    %dma_wait3A_169 = tpu.memref_slice %arg11[%dma_wait3A_163, %dma_wait3A_168] : memref<40x128xi32, #tpu.memory_space<vmem>> -> memref<1x128xi32, #tpu.memory_space<vmem>>
    %dma_wait3A_170 = tpu.memref_squeeze %dma_wait3A_169 : memref<1x128xi32, #tpu.memory_space<vmem>> -> memref<128xi32, #tpu.memory_space<vmem>>
    %dma_wait3A_171 = arith.constant 0 : i32
    %dma_wait3A_172 = tpu.memref_slice %arg3[%dma_wait3A_171] : memref<10112xf32, #tpu.memory_space<hbm>> -> memref<10112xf32, #tpu.memory_space<hbm>>
    tpu.wait_indirect_dma semaphore(%arg18 : memref<!tpu.dma_semaphore, #tpu.memory_space<semaphore_mem>>) src(%dma_wait3A_172 : memref<10112xf32, #tpu.memory_space<hbm>>) dst(%dma_wait3A_167 : memref<128xf32, #tpu.memory_space<vmem>>)
    %dma_start3A_173 = arith.constant 39 : i32
    %dma_start3A_174 = arith.constant 39 : i32
    %dma_start3A_175 = arith.constant 0 : i32
    %dma_start3A_176 = tpu.memref_slice %arg12[%dma_start3A_173, %dma_start3A_175] : memref<40x128xf32, #tpu.memory_space<vmem>> -> memref<1x128xf32, #tpu.memory_space<vmem>>
    %dma_start3A_177 = tpu.memref_squeeze %dma_start3A_176 : memref<1x128xf32, #tpu.memory_space<vmem>> -> memref<128xf32, #tpu.memory_space<vmem>>
    %dma_start3A_178 = arith.constant 0 : i32
    %dma_start3A_179 = tpu.memref_slice %arg10[%dma_start3A_174, %dma_start3A_178] : memref<40x128xi32, #tpu.memory_space<vmem>> -> memref<1x128xi32, #tpu.memory_space<vmem>>
    %dma_start3A_180 = tpu.memref_squeeze %dma_start3A_179 : memref<1x128xi32, #tpu.memory_space<vmem>> -> memref<128xi32, #tpu.memory_space<vmem>>
    %dma_start3A_181 = arith.constant 0 : i32
    %dma_start3A_182 = tpu.memref_slice %arg15[%dma_start3A_181] : memref<10112xf32, #tpu.memory_space<vmem_shared>> -> memref<10112xf32, #tpu.memory_space<vmem_shared>>
    tpu.enqueue_indirect_dma source(%dma_start3A_177 : memref<128xf32, #tpu.memory_space<vmem>>) target(%dma_start3A_182 : memref<10112xf32, #tpu.memory_space<vmem_shared>>) offsets(%dma_start3A_180 : memref<128xi32, #tpu.memory_space<vmem>>) semaphore(%arg19 : memref<!tpu.dma_semaphore, #tpu.memory_space<semaphore_mem>>) {add = true}
    %scan3A_183 = arith.constant 0 : i32
    %scan3A_184 = arith.constant 0 : i32
    %scan3A_185 = arith.constant 40 : i32
    %scan3A_186 = arith.addi %scan3A_184, %scan3A_185 : i32
    %scan3A_187 = arith.constant 1 : i32
    scf.for %scan3A_225 = %scan3A_184 to %scan3A_186 step %scan3A_187  : i32 {
      %dma_wait3A_226 = arith.constant 0 : i32
      %dma_wait3A_227 = tpu.memref_slice %arg12[%scan3A_225, %dma_wait3A_226] : memref<40x128xf32, #tpu.memory_space<vmem>> -> memref<1x128xf32, #tpu.memory_space<vmem>>
      %dma_wait3A_228 = tpu.memref_squeeze %dma_wait3A_227 : memref<1x128xf32, #tpu.memory_space<vmem>> -> memref<128xf32, #tpu.memory_space<vmem>>
      %dma_wait3A_229 = arith.constant 0 : i32
      %dma_wait3A_230 = tpu.memref_slice %arg10[%scan3A_225, %dma_wait3A_229] : memref<40x128xi32, #tpu.memory_space<vmem>> -> memref<1x128xi32, #tpu.memory_space<vmem>>
      %dma_wait3A_231 = tpu.memref_squeeze %dma_wait3A_230 : memref<1x128xi32, #tpu.memory_space<vmem>> -> memref<128xi32, #tpu.memory_space<vmem>>
      %dma_wait3A_232 = arith.constant 0 : i32
      %dma_wait3A_233 = tpu.memref_slice %arg15[%dma_wait3A_232] : memref<10112xf32, #tpu.memory_space<vmem_shared>> -> memref<10112xf32, #tpu.memory_space<vmem_shared>>
      tpu.wait_indirect_dma semaphore(%arg19 : memref<!tpu.dma_semaphore, #tpu.memory_space<semaphore_mem>>) src(%dma_wait3A_228 : memref<128xf32, #tpu.memory_space<vmem>>) dst(%dma_wait3A_233 : memref<10112xf32, #tpu.memory_space<vmem_shared>>)
    }
    %scan3A_188 = arith.constant 40 : i32
    %barrier3A_189 = arith.constant 0 : index
    tpu.barrier barrier_id(%barrier3A_189)
    %scan3A_190 = arith.constant 0 : i32
    %scan3A_191 = arith.constant 0 : i32
    %scan3A_192 = arith.constant 4 : i32
    %scan3A_193 = arith.addi %scan3A_191, %scan3A_192 : i32
    %scan3A_194 = arith.constant 1 : i32
    scf.for %scan3A_225 = %scan3A_191 to %scan3A_193 step %scan3A_194  : i32 {
      %mul3A_226 = arith.constant 632 : i32
      %mul3A_227 = arith.muli %arg1, %mul3A_226 : i32
      %mul3A_228 = arith.constant 128 : i32
      %mul3A_229 = arith.muli %scan3A_225, %mul3A_228 : i32
      %add3A_230 = arith.addi %mul3A_227, %mul3A_229 : i32
      %run_scoped3A_231 = arith.constant 0 : i32
      "tpu.region"() ({
        %run_scoped3A_238 = tpu.sem_alloc : memref<!tpu.dma_semaphore, #tpu.memory_space<semaphore_mem>>
        %dma_start3A_239 = arith.constant 0 : i32
        %dma_start3A_240 = arith.constant 0 : i32
        %dma_start3A_241 = tpu.memref_slice %arg13[%run_scoped3A_231, %dma_start3A_239, %dma_start3A_240] : memref<2x128x128xf32, #tpu.memory_space<vmem>> -> memref<1x128x128xf32, #tpu.memory_space<vmem>>
        %dma_start3A_242 = tpu.memref_squeeze %dma_start3A_241 : memref<1x128x128xf32, #tpu.memory_space<vmem>> -> memref<128x128xf32, #tpu.memory_space<vmem>>
        %dma_start3A_243 = arith.constant 0 : i32
        %dma_start3A_244 = tpu.memref_slice %arg14[%add3A_230, %dma_start3A_243] : memref<10112x128xf32, #tpu.memory_space<vmem_shared>> -> memref<128x128xf32, #tpu.memory_space<vmem_shared>>
        %dma_start3A_245 = arith.constant 0 : i32
        %dma_start3A_246 = arith.constant 0 : i32
        %dma_start3A_247 = tpu.memref_slice %arg13[%run_scoped3A_231, %dma_start3A_245, %dma_start3A_246] : memref<2x128x128xf32, #tpu.memory_space<vmem>> -> memref<1x128x128xf32, #tpu.memory_space<vmem>>
        %dma_start3A_248 = tpu.memref_squeeze %dma_start3A_247 : memref<1x128x128xf32, #tpu.memory_space<vmem>> -> memref<128x128xf32, #tpu.memory_space<vmem>>
        %dma_start3A_249 = arith.constant 0 : i32
        %dma_start3A_250 = tpu.memref_slice %arg14[%add3A_230, %dma_start3A_249] : memref<10112x128xf32, #tpu.memory_space<vmem_shared>> -> memref<128x128xf32, #tpu.memory_space<vmem_shared>>
        tpu.enqueue_dma source(%dma_start3A_250 : memref<128x128xf32, #tpu.memory_space<vmem_shared>>) target(%dma_start3A_248 : memref<128x128xf32, #tpu.memory_space<vmem>>) target_semaphore(%run_scoped3A_238 : memref<!tpu.dma_semaphore, #tpu.memory_space<semaphore_mem>>)
        %dma_wait3A_251 = arith.constant 0 : i32
        %dma_wait3A_252 = arith.constant 0 : i32
        %dma_wait3A_253 = tpu.memref_slice %arg13[%run_scoped3A_231, %dma_wait3A_251, %dma_wait3A_252] : memref<2x128x128xf32, #tpu.memory_space<vmem>> -> memref<1x128x128xf32, #tpu.memory_space<vmem>>
        %dma_wait3A_254 = tpu.memref_squeeze %dma_wait3A_253 : memref<1x128x128xf32, #tpu.memory_space<vmem>> -> memref<128x128xf32, #tpu.memory_space<vmem>>
        %dma_wait3A_255 = arith.constant 0 : i32
        %dma_wait3A_256 = tpu.memref_slice %arg14[%add3A_230, %dma_wait3A_255] : memref<10112x128xf32, #tpu.memory_space<vmem_shared>> -> memref<128x128xf32, #tpu.memory_space<vmem_shared>>
        %dma_wait3A_257 = arith.constant 0 : i32
        %dma_wait3A_258 = arith.constant 0 : i32
        %dma_wait3A_259 = tpu.memref_slice %arg13[%run_scoped3A_231, %dma_wait3A_257, %dma_wait3A_258] : memref<2x128x128xf32, #tpu.memory_space<vmem>> -> memref<1x128x128xf32, #tpu.memory_space<vmem>>
        %dma_wait3A_260 = tpu.memref_squeeze %dma_wait3A_259 : memref<1x128x128xf32, #tpu.memory_space<vmem>> -> memref<128x128xf32, #tpu.memory_space<vmem>>
        %dma_wait3A_261 = arith.constant 0 : i32
        %dma_wait3A_262 = tpu.memref_slice %arg14[%add3A_230, %dma_wait3A_261] : memref<10112x128xf32, #tpu.memory_space<vmem_shared>> -> memref<128x128xf32, #tpu.memory_space<vmem_shared>>
        tpu.wait_dma2 semaphore(%run_scoped3A_238 : memref<!tpu.dma_semaphore, #tpu.memory_space<semaphore_mem>>) src(%dma_wait3A_262 : memref<128x128xf32, #tpu.memory_space<vmem_shared>>) dst(%dma_wait3A_260 : memref<128x128xf32, #tpu.memory_space<vmem>>)
        tpu.yield
      }) : () -> ()
      %mul3A_232 = arith.constant 632 : i32
      %mul3A_233 = arith.muli %arg1, %mul3A_232 : i32
      %mul3A_234 = arith.constant 128 : i32
      %mul3A_235 = arith.muli %scan3A_225, %mul3A_234 : i32
      %add3A_236 = arith.addi %mul3A_233, %mul3A_235 : i32
      %run_scoped3A_237 = arith.constant 0 : i32
      "tpu.region"() ({
        %run_scoped3A_238 = tpu.sem_alloc : memref<!tpu.dma_semaphore, #tpu.memory_space<semaphore_mem>>
        %dma_start3A_239 = arith.constant 0 : i32
        %dma_start3A_240 = arith.constant 0 : i32
        %dma_start3A_241 = tpu.memref_slice %arg13[%run_scoped3A_237, %dma_start3A_239, %dma_start3A_240] : memref<2x128x128xf32, #tpu.memory_space<vmem>> -> memref<1x128x128xf32, #tpu.memory_space<vmem>>
        %dma_start3A_242 = tpu.memref_squeeze %dma_start3A_241 : memref<1x128x128xf32, #tpu.memory_space<vmem>> -> memref<128x128xf32, #tpu.memory_space<vmem>>
        %dma_start3A_243 = arith.constant 0 : i32
        %dma_start3A_244 = tpu.memref_slice %arg8[%arg0, %add3A_236, %dma_start3A_243] : memref<2x10112x128xf32, #tpu.memory_space<hbm>> -> memref<1x128x128xf32, #tpu.memory_space<hbm>>
        %dma_start3A_245 = tpu.memref_squeeze %dma_start3A_244 : memref<1x128x128xf32, #tpu.memory_space<hbm>> -> memref<128x128xf32, #tpu.memory_space<hbm>>
        %dma_start3A_246 = arith.constant 0 : i32
        %dma_start3A_247 = tpu.memref_slice %arg8[%arg0, %add3A_236, %dma_start3A_246] : memref<2x10112x128xf32, #tpu.memory_space<hbm>> -> memref<1x128x128xf32, #tpu.memory_space<hbm>>
        %dma_start3A_248 = tpu.memref_squeeze %dma_start3A_247 : memref<1x128x128xf32, #tpu.memory_space<hbm>> -> memref<128x128xf32, #tpu.memory_space<hbm>>
        %dma_start3A_249 = arith.constant 0 : i32
        %dma_start3A_250 = arith.constant 0 : i32
        %dma_start3A_251 = tpu.memref_slice %arg13[%run_scoped3A_237, %dma_start3A_249, %dma_start3A_250] : memref<2x128x128xf32, #tpu.memory_space<vmem>> -> memref<1x128x128xf32, #tpu.memory_space<vmem>>
        %dma_start3A_252 = tpu.memref_squeeze %dma_start3A_251 : memref<1x128x128xf32, #tpu.memory_space<vmem>> -> memref<128x128xf32, #tpu.memory_space<vmem>>
        tpu.enqueue_dma source(%dma_start3A_252 : memref<128x128xf32, #tpu.memory_space<vmem>>) target(%dma_start3A_248 : memref<128x128xf32, #tpu.memory_space<hbm>>) target_semaphore(%run_scoped3A_238 : memref<!tpu.dma_semaphore, #tpu.memory_space<semaphore_mem>>)
        %dma_wait3A_253 = arith.constant 0 : i32
        %dma_wait3A_254 = arith.constant 0 : i32
        %dma_wait3A_255 = tpu.memref_slice %arg13[%run_scoped3A_237, %dma_wait3A_253, %dma_wait3A_254] : memref<2x128x128xf32, #tpu.memory_space<vmem>> -> memref<1x128x128xf32, #tpu.memory_space<vmem>>
        %dma_wait3A_256 = tpu.memref_squeeze %dma_wait3A_255 : memref<1x128x128xf32, #tpu.memory_space<vmem>> -> memref<128x128xf32, #tpu.memory_space<vmem>>
        %dma_wait3A_257 = arith.constant 0 : i32
        %dma_wait3A_258 = tpu.memref_slice %arg8[%arg0, %add3A_236, %dma_wait3A_257] : memref<2x10112x128xf32, #tpu.memory_space<hbm>> -> memref<1x128x128xf32, #tpu.memory_space<hbm>>
        %dma_wait3A_259 = tpu.memref_squeeze %dma_wait3A_258 : memref<1x128x128xf32, #tpu.memory_space<hbm>> -> memref<128x128xf32, #tpu.memory_space<hbm>>
        %dma_wait3A_260 = arith.constant 0 : i32
        %dma_wait3A_261 = tpu.memref_slice %arg8[%arg0, %add3A_236, %dma_wait3A_260] : memref<2x10112x128xf32, #tpu.memory_space<hbm>> -> memref<1x128x128xf32, #tpu.memory_space<hbm>>
        %dma_wait3A_262 = tpu.memref_squeeze %dma_wait3A_261 : memref<1x128x128xf32, #tpu.memory_space<hbm>> -> memref<128x128xf32, #tpu.memory_space<hbm>>
        %dma_wait3A_263 = arith.constant 0 : i32
        %dma_wait3A_264 = arith.constant 0 : i32
        %dma_wait3A_265 = tpu.memref_slice %arg13[%run_scoped3A_237, %dma_wait3A_263, %dma_wait3A_264] : memref<2x128x128xf32, #tpu.memory_space<vmem>> -> memref<1x128x128xf32, #tpu.memory_space<vmem>>
        %dma_wait3A_266 = tpu.memref_squeeze %dma_wait3A_265 : memref<1x128x128xf32, #tpu.memory_space<vmem>> -> memref<128x128xf32, #tpu.memory_space<vmem>>
        tpu.wait_dma2 semaphore(%run_scoped3A_238 : memref<!tpu.dma_semaphore, #tpu.memory_space<semaphore_mem>>) src(%dma_wait3A_266 : memref<128x128xf32, #tpu.memory_space<vmem>>) dst(%dma_wait3A_262 : memref<128x128xf32, #tpu.memory_space<hbm>>)
        tpu.yield
      }) : () -> ()
    }
    %scan3A_195 = arith.constant 4 : i32
    %mul3A_196 = arith.constant 632 : i32
    %mul3A_197 = arith.muli %arg1, %mul3A_196 : i32
    %add3A_198 = arith.constant 512 : i32
    %add3A_199 = arith.addi %mul3A_197, %add3A_198 : i32
    %run_scoped3A_200 = arith.constant 0 : i32
    "tpu.region"() ({
      %run_scoped3A_225 = tpu.sem_alloc : memref<!tpu.dma_semaphore, #tpu.memory_space<semaphore_mem>>
      %dma_start3A_226 = arith.constant 0 : i32
      %dma_start3A_227 = arith.constant 0 : i32
      %dma_start3A_228 = tpu.memref_slice %arg13[%run_scoped3A_200, %dma_start3A_226, %dma_start3A_227] : memref<2x128x128xf32, #tpu.memory_space<vmem>> -> memref<1x120x128xf32, #tpu.memory_space<vmem>>
      %dma_start3A_229 = tpu.memref_squeeze %dma_start3A_228 : memref<1x120x128xf32, #tpu.memory_space<vmem>> -> memref<120x128xf32, #tpu.memory_space<vmem>>
      %dma_start3A_230 = arith.constant 0 : i32
      %dma_start3A_231 = tpu.memref_slice %arg14[%add3A_199, %dma_start3A_230] : memref<10112x128xf32, #tpu.memory_space<vmem_shared>> -> memref<120x128xf32, #tpu.memory_space<vmem_shared>>
      %dma_start3A_232 = arith.constant 0 : i32
      %dma_start3A_233 = arith.constant 0 : i32
      %dma_start3A_234 = tpu.memref_slice %arg13[%run_scoped3A_200, %dma_start3A_232, %dma_start3A_233] : memref<2x128x128xf32, #tpu.memory_space<vmem>> -> memref<1x120x128xf32, #tpu.memory_space<vmem>>
      %dma_start3A_235 = tpu.memref_squeeze %dma_start3A_234 : memref<1x120x128xf32, #tpu.memory_space<vmem>> -> memref<120x128xf32, #tpu.memory_space<vmem>>
      %dma_start3A_236 = arith.constant 0 : i32
      %dma_start3A_237 = tpu.memref_slice %arg14[%add3A_199, %dma_start3A_236] : memref<10112x128xf32, #tpu.memory_space<vmem_shared>> -> memref<120x128xf32, #tpu.memory_space<vmem_shared>>
      tpu.enqueue_dma source(%dma_start3A_237 : memref<120x128xf32, #tpu.memory_space<vmem_shared>>) target(%dma_start3A_235 : memref<120x128xf32, #tpu.memory_space<vmem>>) target_semaphore(%run_scoped3A_225 : memref<!tpu.dma_semaphore, #tpu.memory_space<semaphore_mem>>)
      %dma_wait3A_238 = arith.constant 0 : i32
      %dma_wait3A_239 = arith.constant 0 : i32
      %dma_wait3A_240 = tpu.memref_slice %arg13[%run_scoped3A_200, %dma_wait3A_238, %dma_wait3A_239] : memref<2x128x128xf32, #tpu.memory_space<vmem>> -> memref<1x120x128xf32, #tpu.memory_space<vmem>>
      %dma_wait3A_241 = tpu.memref_squeeze %dma_wait3A_240 : memref<1x120x128xf32, #tpu.memory_space<vmem>> -> memref<120x128xf32, #tpu.memory_space<vmem>>
      %dma_wait3A_242 = arith.constant 0 : i32
      %dma_wait3A_243 = tpu.memref_slice %arg14[%add3A_199, %dma_wait3A_242] : memref<10112x128xf32, #tpu.memory_space<vmem_shared>> -> memref<120x128xf32, #tpu.memory_space<vmem_shared>>
      %dma_wait3A_244 = arith.constant 0 : i32
      %dma_wait3A_245 = arith.constant 0 : i32
      %dma_wait3A_246 = tpu.memref_slice %arg13[%run_scoped3A_200, %dma_wait3A_244, %dma_wait3A_245] : memref<2x128x128xf32, #tpu.memory_space<vmem>> -> memref<1x120x128xf32, #tpu.memory_space<vmem>>
      %dma_wait3A_247 = tpu.memref_squeeze %dma_wait3A_246 : memref<1x120x128xf32, #tpu.memory_space<vmem>> -> memref<120x128xf32, #tpu.memory_space<vmem>>
      %dma_wait3A_248 = arith.constant 0 : i32
      %dma_wait3A_249 = tpu.memref_slice %arg14[%add3A_199, %dma_wait3A_248] : memref<10112x128xf32, #tpu.memory_space<vmem_shared>> -> memref<120x128xf32, #tpu.memory_space<vmem_shared>>
      tpu.wait_dma2 semaphore(%run_scoped3A_225 : memref<!tpu.dma_semaphore, #tpu.memory_space<semaphore_mem>>) src(%dma_wait3A_249 : memref<120x128xf32, #tpu.memory_space<vmem_shared>>) dst(%dma_wait3A_247 : memref<120x128xf32, #tpu.memory_space<vmem>>)
      tpu.yield
    }) : () -> ()
    %mul3A_201 = arith.constant 632 : i32
    %mul3A_202 = arith.muli %arg1, %mul3A_201 : i32
    %add3A_203 = arith.constant 512 : i32
    %add3A_204 = arith.addi %mul3A_202, %add3A_203 : i32
    %run_scoped3A_205 = arith.constant 0 : i32
    "tpu.region"() ({
      %run_scoped3A_225 = tpu.sem_alloc : memref<!tpu.dma_semaphore, #tpu.memory_space<semaphore_mem>>
      %dma_start3A_226 = arith.constant 0 : i32
      %dma_start3A_227 = arith.constant 0 : i32
      %dma_start3A_228 = tpu.memref_slice %arg13[%run_scoped3A_205, %dma_start3A_226, %dma_start3A_227] : memref<2x128x128xf32, #tpu.memory_space<vmem>> -> memref<1x120x128xf32, #tpu.memory_space<vmem>>
      %dma_start3A_229 = tpu.memref_squeeze %dma_start3A_228 : memref<1x120x128xf32, #tpu.memory_space<vmem>> -> memref<120x128xf32, #tpu.memory_space<vmem>>
      %dma_start3A_230 = arith.constant 0 : i32
      %dma_start3A_231 = tpu.memref_slice %arg8[%arg0, %add3A_204, %dma_start3A_230] : memref<2x10112x128xf32, #tpu.memory_space<hbm>> -> memref<1x120x128xf32, #tpu.memory_space<hbm>>
      %dma_start3A_232 = tpu.memref_squeeze %dma_start3A_231 : memref<1x120x128xf32, #tpu.memory_space<hbm>> -> memref<120x128xf32, #tpu.memory_space<hbm>>
      %dma_start3A_233 = arith.constant 0 : i32
      %dma_start3A_234 = tpu.memref_slice %arg8[%arg0, %add3A_204, %dma_start3A_233] : memref<2x10112x128xf32, #tpu.memory_space<hbm>> -> memref<1x120x128xf32, #tpu.memory_space<hbm>>
      %dma_start3A_235 = tpu.memref_squeeze %dma_start3A_234 : memref<1x120x128xf32, #tpu.memory_space<hbm>> -> memref<120x128xf32, #tpu.memory_space<hbm>>
      %dma_start3A_236 = arith.constant 0 : i32
      %dma_start3A_237 = arith.constant 0 : i32
      %dma_start3A_238 = tpu.memref_slice %arg13[%run_scoped3A_205, %dma_start3A_236, %dma_start3A_237] : memref<2x128x128xf32, #tpu.memory_space<vmem>> -> memref<1x120x128xf32, #tpu.memory_space<vmem>>
      %dma_start3A_239 = tpu.memref_squeeze %dma_start3A_238 : memref<1x120x128xf32, #tpu.memory_space<vmem>> -> memref<120x128xf32, #tpu.memory_space<vmem>>
      tpu.enqueue_dma source(%dma_start3A_239 : memref<120x128xf32, #tpu.memory_space<vmem>>) target(%dma_start3A_235 : memref<120x128xf32, #tpu.memory_space<hbm>>) target_semaphore(%run_scoped3A_225 : memref<!tpu.dma_semaphore, #tpu.memory_space<semaphore_mem>>)
      %dma_wait3A_240 = arith.constant 0 : i32
      %dma_wait3A_241 = arith.constant 0 : i32
      %dma_wait3A_242 = tpu.memref_slice %arg13[%run_scoped3A_205, %dma_wait3A_240, %dma_wait3A_241] : memref<2x128x128xf32, #tpu.memory_space<vmem>> -> memref<1x120x128xf32, #tpu.memory_space<vmem>>
      %dma_wait3A_243 = tpu.memref_squeeze %dma_wait3A_242 : memref<1x120x128xf32, #tpu.memory_space<vmem>> -> memref<120x128xf32, #tpu.memory_space<vmem>>
      %dma_wait3A_244 = arith.constant 0 : i32
      %dma_wait3A_245 = tpu.memref_slice %arg8[%arg0, %add3A_204, %dma_wait3A_244] : memref<2x10112x128xf32, #tpu.memory_space<hbm>> -> memref<1x120x128xf32, #tpu.memory_space<hbm>>
      %dma_wait3A_246 = tpu.memref_squeeze %dma_wait3A_245 : memref<1x120x128xf32, #tpu.memory_space<hbm>> -> memref<120x128xf32, #tpu.memory_space<hbm>>
      %dma_wait3A_247 = arith.constant 0 : i32
      %dma_wait3A_248 = tpu.memref_slice %arg8[%arg0, %add3A_204, %dma_wait3A_247] : memref<2x10112x128xf32, #tpu.memory_space<hbm>> -> memref<1x120x128xf32, #tpu.memory_space<hbm>>
      %dma_wait3A_249 = tpu.memref_squeeze %dma_wait3A_248 : memref<1x120x128xf32, #tpu.memory_space<hbm>> -> memref<120x128xf32, #tpu.memory_space<hbm>>
      %dma_wait3A_250 = arith.constant 0 : i32
      %dma_wait3A_251 = arith.constant 0 : i32
      %dma_wait3A_252 = tpu.memref_slice %arg13[%run_scoped3A_205, %dma_wait3A_250, %dma_wait3A_251] : memref<2x128x128xf32, #tpu.memory_space<vmem>> -> memref<1x120x128xf32, #tpu.memory_space<vmem>>
      %dma_wait3A_253 = tpu.memref_squeeze %dma_wait3A_252 : memref<1x120x128xf32, #tpu.memory_space<vmem>> -> memref<120x128xf32, #tpu.memory_space<vmem>>
      tpu.wait_dma2 semaphore(%run_scoped3A_225 : memref<!tpu.dma_semaphore, #tpu.memory_space<semaphore_mem>>) src(%dma_wait3A_253 : memref<120x128xf32, #tpu.memory_space<vmem>>) dst(%dma_wait3A_249 : memref<120x128xf32, #tpu.memory_space<hbm>>)
      tpu.yield
    }) : () -> ()
    %scan3A_206 = arith.constant 0 : i32
    %scan3A_207 = arith.constant 0 : i32
    %scan3A_208 = arith.constant 4 : i32
    %scan3A_209 = arith.addi %scan3A_207, %scan3A_208 : i32
    %scan3A_210 = arith.constant 1 : i32
    scf.for %scan3A_225 = %scan3A_207 to %scan3A_209 step %scan3A_210  : i32 {
      %mul3A_226 = arith.constant 632 : i32
      %mul3A_227 = arith.muli %arg1, %mul3A_226 : i32
      %mul3A_228 = arith.constant 128 : i32
      %mul3A_229 = arith.muli %scan3A_225, %mul3A_228 : i32
      %add3A_230 = arith.addi %mul3A_227, %mul3A_229 : i32
      %run_scoped3A_231 = arith.constant 0 : i32
      "tpu.region"() ({
        %run_scoped3A_241 = tpu.sem_alloc : memref<!tpu.dma_semaphore, #tpu.memory_space<semaphore_mem>>
        %dma_start3A_242 = arith.constant 0 : i32
        %dma_start3A_243 = tpu.memref_slice %arg12[%run_scoped3A_231, %dma_start3A_242] : memref<40x128xf32, #tpu.memory_space<vmem>> -> memref<1x128xf32, #tpu.memory_space<vmem>>
        %dma_start3A_244 = tpu.memref_squeeze %dma_start3A_243 : memref<1x128xf32, #tpu.memory_space<vmem>> -> memref<128xf32, #tpu.memory_space<vmem>>
        %dma_start3A_245 = tpu.memref_slice %arg15[%add3A_230] : memref<10112xf32, #tpu.memory_space<vmem_shared>> -> memref<128xf32, #tpu.memory_space<vmem_shared>>
        %dma_start3A_246 = arith.constant 0 : i32
        %dma_start3A_247 = tpu.memref_slice %arg12[%run_scoped3A_231, %dma_start3A_246] : memref<40x128xf32, #tpu.memory_space<vmem>> -> memref<1x128xf32, #tpu.memory_space<vmem>>
        %dma_start3A_248 = tpu.memref_squeeze %dma_start3A_247 : memref<1x128xf32, #tpu.memory_space<vmem>> -> memref<128xf32, #tpu.memory_space<vmem>>
        %dma_start3A_249 = tpu.memref_slice %arg15[%add3A_230] : memref<10112xf32, #tpu.memory_space<vmem_shared>> -> memref<128xf32, #tpu.memory_space<vmem_shared>>
        tpu.enqueue_dma source(%dma_start3A_249 : memref<128xf32, #tpu.memory_space<vmem_shared>>) target(%dma_start3A_248 : memref<128xf32, #tpu.memory_space<vmem>>) target_semaphore(%run_scoped3A_241 : memref<!tpu.dma_semaphore, #tpu.memory_space<semaphore_mem>>)
        %dma_wait3A_250 = arith.constant 0 : i32
        %dma_wait3A_251 = tpu.memref_slice %arg12[%run_scoped3A_231, %dma_wait3A_250] : memref<40x128xf32, #tpu.memory_space<vmem>> -> memref<1x128xf32, #tpu.memory_space<vmem>>
        %dma_wait3A_252 = tpu.memref_squeeze %dma_wait3A_251 : memref<1x128xf32, #tpu.memory_space<vmem>> -> memref<128xf32, #tpu.memory_space<vmem>>
        %dma_wait3A_253 = tpu.memref_slice %arg15[%add3A_230] : memref<10112xf32, #tpu.memory_space<vmem_shared>> -> memref<128xf32, #tpu.memory_space<vmem_shared>>
        %dma_wait3A_254 = arith.constant 0 : i32
        %dma_wait3A_255 = tpu.memref_slice %arg12[%run_scoped3A_231, %dma_wait3A_254] : memref<40x128xf32, #tpu.memory_space<vmem>> -> memref<1x128xf32, #tpu.memory_space<vmem>>
        %dma_wait3A_256 = tpu.memref_squeeze %dma_wait3A_255 : memref<1x128xf32, #tpu.memory_space<vmem>> -> memref<128xf32, #tpu.memory_space<vmem>>
        %dma_wait3A_257 = tpu.memref_slice %arg15[%add3A_230] : memref<10112xf32, #tpu.memory_space<vmem_shared>> -> memref<128xf32, #tpu.memory_space<vmem_shared>>
        tpu.wait_dma2 semaphore(%run_scoped3A_241 : memref<!tpu.dma_semaphore, #tpu.memory_space<semaphore_mem>>) src(%dma_wait3A_257 : memref<128xf32, #tpu.memory_space<vmem_shared>>) dst(%dma_wait3A_256 : memref<128xf32, #tpu.memory_space<vmem>>)
        tpu.yield
      }) : () -> ()
      %mul3A_232 = arith.constant 10112 : i32
      %mul3A_233 = arith.muli %arg0, %mul3A_232 : i32
      %mul3A_234 = arith.constant 632 : i32
      %mul3A_235 = arith.muli %arg1, %mul3A_234 : i32
      %add3A_236 = arith.addi %mul3A_233, %mul3A_235 : i32
      %mul3A_237 = arith.constant 128 : i32
      %mul3A_238 = arith.muli %scan3A_225, %mul3A_237 : i32
      %add3A_239 = arith.addi %add3A_236, %mul3A_238 : i32
      %run_scoped3A_240 = arith.constant 0 : i32
      "tpu.region"() ({
        %run_scoped3A_241 = tpu.sem_alloc : memref<!tpu.dma_semaphore, #tpu.memory_space<semaphore_mem>>
        %dma_start3A_242 = arith.constant 0 : i32
        %dma_start3A_243 = tpu.memref_slice %arg12[%run_scoped3A_240, %dma_start3A_242] : memref<40x128xf32, #tpu.memory_space<vmem>> -> memref<1x128xf32, #tpu.memory_space<vmem>>
        %dma_start3A_244 = tpu.memref_squeeze %dma_start3A_243 : memref<1x128xf32, #tpu.memory_space<vmem>> -> memref<128xf32, #tpu.memory_space<vmem>>
        %dma_start3A_245 = tpu.memref_slice %arg9[%add3A_239] : memref<20224xf32, #tpu.memory_space<hbm>> -> memref<128xf32, #tpu.memory_space<hbm>>
        %dma_start3A_246 = tpu.memref_slice %arg9[%add3A_239] : memref<20224xf32, #tpu.memory_space<hbm>> -> memref<128xf32, #tpu.memory_space<hbm>>
        %dma_start3A_247 = arith.constant 0 : i32
        %dma_start3A_248 = tpu.memref_slice %arg12[%run_scoped3A_240, %dma_start3A_247] : memref<40x128xf32, #tpu.memory_space<vmem>> -> memref<1x128xf32, #tpu.memory_space<vmem>>
        %dma_start3A_249 = tpu.memref_squeeze %dma_start3A_248 : memref<1x128xf32, #tpu.memory_space<vmem>> -> memref<128xf32, #tpu.memory_space<vmem>>
        tpu.enqueue_dma source(%dma_start3A_249 : memref<128xf32, #tpu.memory_space<vmem>>) target(%dma_start3A_246 : memref<128xf32, #tpu.memory_space<hbm>>) target_semaphore(%run_scoped3A_241 : memref<!tpu.dma_semaphore, #tpu.memory_space<semaphore_mem>>)
        %dma_wait3A_250 = arith.constant 0 : i32
        %dma_wait3A_251 = tpu.memref_slice %arg12[%run_scoped3A_240, %dma_wait3A_250] : memref<40x128xf32, #tpu.memory_space<vmem>> -> memref<1x128xf32, #tpu.memory_space<vmem>>
        %dma_wait3A_252 = tpu.memref_squeeze %dma_wait3A_251 : memref<1x128xf32, #tpu.memory_space<vmem>> -> memref<128xf32, #tpu.memory_space<vmem>>
        %dma_wait3A_253 = tpu.memref_slice %arg9[%add3A_239] : memref<20224xf32, #tpu.memory_space<hbm>> -> memref<128xf32, #tpu.memory_space<hbm>>
        %dma_wait3A_254 = tpu.memref_slice %arg9[%add3A_239] : memref<20224xf32, #tpu.memory_space<hbm>> -> memref<128xf32, #tpu.memory_space<hbm>>
        %dma_wait3A_255 = arith.constant 0 : i32
        %dma_wait3A_256 = tpu.memref_slice %arg12[%run_scoped3A_240, %dma_wait3A_255] : memref<40x128xf32, #tpu.memory_space<vmem>> -> memref<1x128xf32, #tpu.memory_space<vmem>>
        %dma_wait3A_257 = tpu.memref_squeeze %dma_wait3A_256 : memref<1x128xf32, #tpu.memory_space<vmem>> -> memref<128xf32, #tpu.memory_space<vmem>>
        tpu.wait_dma2 semaphore(%run_scoped3A_241 : memref<!tpu.dma_semaphore, #tpu.memory_space<semaphore_mem>>) src(%dma_wait3A_257 : memref<128xf32, #tpu.memory_space<vmem>>) dst(%dma_wait3A_254 : memref<128xf32, #tpu.memory_space<hbm>>)
        tpu.yield
      }) : () -> ()
    }
    %scan3A_211 = arith.constant 4 : i32
    %mul3A_212 = arith.constant 632 : i32
    %mul3A_213 = arith.muli %arg1, %mul3A_212 : i32
    %add3A_214 = arith.constant 512 : i32
    %add3A_215 = arith.addi %mul3A_213, %add3A_214 : i32
    %run_scoped3A_216 = arith.constant 0 : i32
    "tpu.region"() ({
      %run_scoped3A_225 = tpu.sem_alloc : memref<!tpu.dma_semaphore, #tpu.memory_space<semaphore_mem>>
      %dma_start3A_226 = arith.constant 0 : i32
      %dma_start3A_227 = tpu.memref_slice %arg12[%run_scoped3A_216, %dma_start3A_226] : memref<40x128xf32, #tpu.memory_space<vmem>> -> memref<1x120xf32, #tpu.memory_space<vmem>>
      %dma_start3A_228 = tpu.memref_squeeze %dma_start3A_227 : memref<1x120xf32, #tpu.memory_space<vmem>> -> memref<120xf32, #tpu.memory_space<vmem>>
      %dma_start3A_229 = tpu.memref_slice %arg15[%add3A_215] : memref<10112xf32, #tpu.memory_space<vmem_shared>> -> memref<120xf32, #tpu.memory_space<vmem_shared>>
      %dma_start3A_230 = arith.constant 0 : i32
      %dma_start3A_231 = tpu.memref_slice %arg12[%run_scoped3A_216, %dma_start3A_230] : memref<40x128xf32, #tpu.memory_space<vmem>> -> memref<1x120xf32, #tpu.memory_space<vmem>>
      %dma_start3A_232 = tpu.memref_squeeze %dma_start3A_231 : memref<1x120xf32, #tpu.memory_space<vmem>> -> memref<120xf32, #tpu.memory_space<vmem>>
      %dma_start3A_233 = tpu.memref_slice %arg15[%add3A_215] : memref<10112xf32, #tpu.memory_space<vmem_shared>> -> memref<120xf32, #tpu.memory_space<vmem_shared>>
      tpu.enqueue_dma source(%dma_start3A_233 : memref<120xf32, #tpu.memory_space<vmem_shared>>) target(%dma_start3A_232 : memref<120xf32, #tpu.memory_space<vmem>>) target_semaphore(%run_scoped3A_225 : memref<!tpu.dma_semaphore, #tpu.memory_space<semaphore_mem>>)
      %dma_wait3A_234 = arith.constant 0 : i32
      %dma_wait3A_235 = tpu.memref_slice %arg12[%run_scoped3A_216, %dma_wait3A_234] : memref<40x128xf32, #tpu.memory_space<vmem>> -> memref<1x120xf32, #tpu.memory_space<vmem>>
      %dma_wait3A_236 = tpu.memref_squeeze %dma_wait3A_235 : memref<1x120xf32, #tpu.memory_space<vmem>> -> memref<120xf32, #tpu.memory_space<vmem>>
      %dma_wait3A_237 = tpu.memref_slice %arg15[%add3A_215] : memref<10112xf32, #tpu.memory_space<vmem_shared>> -> memref<120xf32, #tpu.memory_space<vmem_shared>>
      %dma_wait3A_238 = arith.constant 0 : i32
      %dma_wait3A_239 = tpu.memref_slice %arg12[%run_scoped3A_216, %dma_wait3A_238] : memref<40x128xf32, #tpu.memory_space<vmem>> -> memref<1x120xf32, #tpu.memory_space<vmem>>
      %dma_wait3A_240 = tpu.memref_squeeze %dma_wait3A_239 : memref<1x120xf32, #tpu.memory_space<vmem>> -> memref<120xf32, #tpu.memory_space<vmem>>
      %dma_wait3A_241 = tpu.memref_slice %arg15[%add3A_215] : memref<10112xf32, #tpu.memory_space<vmem_shared>> -> memref<120xf32, #tpu.memory_space<vmem_shared>>
      tpu.wait_dma2 semaphore(%run_scoped3A_225 : memref<!tpu.dma_semaphore, #tpu.memory_space<semaphore_mem>>) src(%dma_wait3A_241 : memref<120xf32, #tpu.memory_space<vmem_shared>>) dst(%dma_wait3A_240 : memref<120xf32, #tpu.memory_space<vmem>>)
      tpu.yield
    }) : () -> ()
    %mul3A_217 = arith.constant 10112 : i32
    %mul3A_218 = arith.muli %arg0, %mul3A_217 : i32
    %mul3A_219 = arith.constant 632 : i32
    %mul3A_220 = arith.muli %arg1, %mul3A_219 : i32
    %add3A_221 = arith.addi %mul3A_218, %mul3A_220 : i32
    %add3A_222 = arith.constant 512 : i32
    %add3A_223 = arith.addi %add3A_221, %add3A_222 : i32
    %run_scoped3A_224 = arith.constant 0 : i32
    "tpu.region"() ({
      %run_scoped3A_225 = tpu.sem_alloc : memref<!tpu.dma_semaphore, #tpu.memory_space<semaphore_mem>>
      %dma_start3A_226 = arith.constant 0 : i32
      %dma_start3A_227 = tpu.memref_slice %arg12[%run_scoped3A_224, %dma_start3A_226] : memref<40x128xf32, #tpu.memory_space<vmem>> -> memref<1x120xf32, #tpu.memory_space<vmem>>
      %dma_start3A_228 = tpu.memref_squeeze %dma_start3A_227 : memref<1x120xf32, #tpu.memory_space<vmem>> -> memref<120xf32, #tpu.memory_space<vmem>>
      %dma_start3A_229 = tpu.memref_slice %arg9[%add3A_223] : memref<20224xf32, #tpu.memory_space<hbm>> -> memref<120xf32, #tpu.memory_space<hbm>>
      %dma_start3A_230 = tpu.memref_slice %arg9[%add3A_223] : memref<20224xf32, #tpu.memory_space<hbm>> -> memref<120xf32, #tpu.memory_space<hbm>>
      %dma_start3A_231 = arith.constant 0 : i32
      %dma_start3A_232 = tpu.memref_slice %arg12[%run_scoped3A_224, %dma_start3A_231] : memref<40x128xf32, #tpu.memory_space<vmem>> -> memref<1x120xf32, #tpu.memory_space<vmem>>
      %dma_start3A_233 = tpu.memref_squeeze %dma_start3A_232 : memref<1x120xf32, #tpu.memory_space<vmem>> -> memref<120xf32, #tpu.memory_space<vmem>>
      tpu.enqueue_dma source(%dma_start3A_233 : memref<120xf32, #tpu.memory_space<vmem>>) target(%dma_start3A_230 : memref<120xf32, #tpu.memory_space<hbm>>) target_semaphore(%run_scoped3A_225 : memref<!tpu.dma_semaphore, #tpu.memory_space<semaphore_mem>>)
      %dma_wait3A_234 = arith.constant 0 : i32
      %dma_wait3A_235 = tpu.memref_slice %arg12[%run_scoped3A_224, %dma_wait3A_234] : memref<40x128xf32, #tpu.memory_space<vmem>> -> memref<1x120xf32, #tpu.memory_space<vmem>>
      %dma_wait3A_236 = tpu.memref_squeeze %dma_wait3A_235 : memref<1x120xf32, #tpu.memory_space<vmem>> -> memref<120xf32, #tpu.memory_space<vmem>>
      %dma_wait3A_237 = tpu.memref_slice %arg9[%add3A_223] : memref<20224xf32, #tpu.memory_space<hbm>> -> memref<120xf32, #tpu.memory_space<hbm>>
      %dma_wait3A_238 = tpu.memref_slice %arg9[%add3A_223] : memref<20224xf32, #tpu.memory_space<hbm>> -> memref<120xf32, #tpu.memory_space<hbm>>
      %dma_wait3A_239 = arith.constant 0 : i32
      %dma_wait3A_240 = tpu.memref_slice %arg12[%run_scoped3A_224, %dma_wait3A_239] : memref<40x128xf32, #tpu.memory_space<vmem>> -> memref<1x120xf32, #tpu.memory_space<vmem>>
      %dma_wait3A_241 = tpu.memref_squeeze %dma_wait3A_240 : memref<1x120xf32, #tpu.memory_space<vmem>> -> memref<120xf32, #tpu.memory_space<vmem>>
      tpu.wait_dma2 semaphore(%run_scoped3A_225 : memref<!tpu.dma_semaphore, #tpu.memory_space<semaphore_mem>>) src(%dma_wait3A_241 : memref<120xf32, #tpu.memory_space<vmem>>) dst(%dma_wait3A_238 : memref<120xf32, #tpu.memory_space<hbm>>)
      tpu.yield
    }) : () -> ()
    return
  }
}

module attributes {stable_mosaic.version = 14 : i64} {
  func.func @_scale_body(%arg0: memref<10112x128xf32, #tpu.memory_space<vmem>>, %arg1: memref<128x128xf32, #tpu.memory_space<vmem>>, %arg2: memref<10112x2xf32, #tpu.memory_space<vmem>>, %arg3: memref<10112x128xf32, #tpu.memory_space<vmem>>, %arg4: memref<10112x1xf32, #tpu.memory_space<vmem>>) attributes {dimension_semantics = [], scalar_prefetch = 0 : i64, scratch_operands = 0 : i64, tpu.core_type = #tpu.core_type<tc>} {
    %get3A = arith.constant 0 : index
    %get3A_0 = arith.constant 0 : index
    %get3A_1 = vector.load %arg2[%get3A, %get3A_0] : memref<10112x2xf32, #tpu.memory_space<vmem>>, vector<10112x2xf32>
    %reduce_sum3A = arith.constant dense<0.000000e+00> : vector<10112xf32>
    %reduce_sum3A_2 = vector.multi_reduction <add>, %get3A_1, %reduce_sum3A [1] : vector<10112x2xf32> to vector<10112xf32>
    %broadcast_in_dim3A = vector.shape_cast %reduce_sum3A_2 : vector<10112xf32> to vector<10112x1xf32>
    %add3A = arith.constant 1.000000e+00 : f32
    %add3A_3 = vector.broadcast %add3A : f32 to vector<10112x1xf32>
    %add3A_4 = arith.addf %broadcast_in_dim3A, %add3A_3 : vector<10112x1xf32>
    %rsqrt3A = math.rsqrt %add3A_4 : vector<10112x1xf32>
    %get3A_5 = arith.constant 0 : index
    %get3A_6 = arith.constant 0 : index
    %get3A_7 = vector.load %arg0[%get3A_5, %get3A_6] : memref<10112x128xf32, #tpu.memory_space<vmem>>, vector<10112x128xf32>
    %get3A_8 = arith.constant 0 : index
    %get3A_9 = arith.constant 0 : index
    %get3A_10 = vector.load %arg1[%get3A_8, %get3A_9] : memref<128x128xf32, #tpu.memory_space<vmem>>, vector<128x128xf32>
    %dot_general3A = arith.constant dense<0.000000e+00> : vector<10112x128xf32>
    %dot_general3A_11 = tpu.matmul %get3A_7, %get3A_10, %dot_general3A {dimension_numbers = #tpu.dot_dimension_numbers<[1], [0], [0], [1], [0, 0, 1, 1], [], []>, transpose_lhs_hint = false} : vector<10112x128xf32>, vector<128x128xf32>, vector<10112x128xf32> -> vector<10112x128xf32>
    %mul3A = vector.broadcast %rsqrt3A : vector<10112x1xf32> to vector<10112x128xf32>
    %mul3A_12 = arith.mulf %mul3A, %dot_general3A_11 : vector<10112x128xf32>
    %swap3A = arith.constant 0 : index
    %swap3A_13 = arith.constant 0 : index
    %swap3A_14 = vector.load %arg3[%swap3A, %swap3A_13] : memref<10112x128xf32, #tpu.memory_space<vmem>>, vector<10112x128xf32>
    tpu.vector_store %arg3[%swap3A, %swap3A_13], %mul3A_12 {strides = array<i32>} : memref<10112x128xf32, #tpu.memory_space<vmem>>, vector<10112x128xf32>,
    %swap3A_15 = arith.constant 0 : index
    %swap3A_16 = arith.constant 0 : index
    %swap3A_17 = vector.load %arg4[%swap3A_15, %swap3A_16] : memref<10112x1xf32, #tpu.memory_space<vmem>>, vector<10112x1xf32>
    tpu.vector_store %arg4[%swap3A_15, %swap3A_16], %rsqrt3A {strides = array<i32>} : memref<10112x1xf32, #tpu.memory_space<vmem>>, vector<10112x1xf32>,
    return
  }
}

module attributes {stable_mosaic.version = 14 : i64} {
  func.func @_final_body(%arg0: memref<2x10112x128xf32, #tpu.memory_space<vmem>>, %arg1: memref<10112x128xf32, #tpu.memory_space<vmem>>, %arg2: memref<10112x2xf32, #tpu.memory_space<vmem>>, %arg3: memref<10112x1xf32, #tpu.memory_space<vmem>>, %arg4: memref<1x128xf32, #tpu.memory_space<vmem>>, %arg5: memref<128x128xf32, #tpu.memory_space<vmem>>, %arg6: memref<1x128xf32, #tpu.memory_space<vmem>>, %arg7: memref<1x128xf32, #tpu.memory_space<vmem>>) attributes {dimension_semantics = [], scalar_prefetch = 0 : i64, scratch_operands = 0 : i64, tpu.core_type = #tpu.core_type<tc>} {
    %get3A = arith.constant 0 : index
    %get3A_0 = arith.constant 0 : index
    %get3A_1 = vector.load %arg3[%get3A, %get3A_0] : memref<10112x1xf32, #tpu.memory_space<vmem>>, vector<10112x1xf32>
    %get3A_2 = arith.constant 0 : index
    %get3A_3 = arith.constant 0 : index
    %get3A_4 = arith.constant 0 : index
    %get3A_5 = vector.load %arg0[%get3A_2, %get3A_3, %get3A_4] : memref<2x10112x128xf32, #tpu.memory_space<vmem>>, vector<1x10112x128xf32>
    %get3A_6 = vector.shape_cast %get3A_5 : vector<1x10112x128xf32> to vector<10112x128xf32>
    %get3A_7 = arith.constant 1 : index
    %get3A_8 = arith.constant 0 : index
    %get3A_9 = arith.constant 0 : index
    %get3A_10 = vector.load %arg0[%get3A_7, %get3A_8, %get3A_9] : memref<2x10112x128xf32, #tpu.memory_space<vmem>>, vector<1x10112x128xf32>
    %get3A_11 = vector.shape_cast %get3A_10 : vector<1x10112x128xf32> to vector<10112x128xf32>
    %add3A = arith.addf %get3A_6, %get3A_11 : vector<10112x128xf32>
    %get3A_12 = arith.constant 0 : index
    %get3A_13 = arith.constant 0 : index
    %get3A_14 = vector.load %arg1[%get3A_12, %get3A_13] : memref<10112x128xf32, #tpu.memory_space<vmem>>, vector<10112x128xf32>
    %add3A_15 = arith.addf %add3A, %get3A_14 : vector<10112x128xf32>
    %mul3A = vector.broadcast %get3A_1 : vector<10112x1xf32> to vector<10112x128xf32>
    %mul3A_16 = arith.mulf %mul3A, %add3A_15 : vector<10112x128xf32>
    %get3A_17 = arith.constant 0 : index
    %get3A_18 = arith.constant 0 : index
    %get3A_19 = vector.load %arg4[%get3A_17, %get3A_18] : memref<1x128xf32, #tpu.memory_space<vmem>>, vector<1x128xf32>
    %add3A_20 = vector.broadcast %get3A_19 : vector<1x128xf32> to vector<10112x128xf32>
    %add3A_21 = arith.addf %mul3A_16, %add3A_20 : vector<10112x128xf32>
    %max3A = arith.constant 0.000000e+00 : f32
    %max3A_22 = vector.broadcast %max3A : f32 to vector<10112x128xf32>
    %max3A_23 = arith.maximumf %add3A_21, %max3A_22 : vector<10112x128xf32>
    %get3A_24 = arith.constant 0 : index
    %get3A_25 = arith.constant 0 : index
    %get3A_26 = vector.load %arg2[%get3A_24, %get3A_25] : memref<10112x2xf32, #tpu.memory_space<vmem>>, vector<10112x2xf32>
    %reduce_sum3A = arith.constant dense<0.000000e+00> : vector<10112xf32>
    %reduce_sum3A_27 = vector.multi_reduction <add>, %get3A_26, %reduce_sum3A [1] : vector<10112x2xf32> to vector<10112xf32>
    %broadcast_in_dim3A = vector.shape_cast %reduce_sum3A_27 : vector<10112xf32> to vector<10112x1xf32>
    %add3A_28 = arith.addf %broadcast_in_dim3A, %get3A_1 : vector<10112x1xf32>
    %iota3A = tpu.iota {dimensions = array<i32: 0>} : vector<10112x1xi32>
    %lt3A = arith.constant 10000 : i32
    %lt3A_29 = vector.broadcast %lt3A : i32 to vector<10112x1xi32>
    %lt3A_30 = arith.cmpi slt, %iota3A, %lt3A_29 : vector<10112x1xi32>
    %mul3A_31 = arith.mulf %get3A_1, %add3A_28 : vector<10112x1xf32>
    %jit3A = arith.constant 0.000000e+00 : f32
    %broadcast_in_dim3A_32 = vector.broadcast %jit3A : f32 to vector<10112x1xf32>
    %select_n3A = arith.select %lt3A_30, %mul3A_31, %broadcast_in_dim3A_32 : vector<10112x1xi1>, vector<10112x1xf32>
    %mul3A_33 = vector.broadcast %select_n3A : vector<10112x1xf32> to vector<10112x128xf32>
    %mul3A_34 = arith.mulf %mul3A_33, %max3A_23 : vector<10112x128xf32>
    %reduce_sum3A_35 = arith.constant dense<0.000000e+00> : vector<128xf32>
    %reduce_sum3A_36 = vector.multi_reduction <add>, %mul3A_34, %reduce_sum3A_35 [0] : vector<10112x128xf32> to vector<128xf32>
    %broadcast_in_dim3A_37 = vector.shape_cast %reduce_sum3A_36 : vector<128xf32> to vector<1x128xf32>
    %mul3A_38 = arith.constant 9.99999974E-5 : f32
    %mul3A_39 = vector.broadcast %mul3A_38 : f32 to vector<1x128xf32>
    %mul3A_40 = arith.mulf %broadcast_in_dim3A_37, %mul3A_39 : vector<1x128xf32>
    %get3A_41 = arith.constant 0 : index
    %get3A_42 = arith.constant 0 : index
    %get3A_43 = vector.load %arg5[%get3A_41, %get3A_42] : memref<128x128xf32, #tpu.memory_space<vmem>>, vector<128x128xf32>
    %dot_general3A = arith.constant dense<0.000000e+00> : vector<1x128xf32>
    %dot_general3A_44 = tpu.matmul %mul3A_40, %get3A_43, %dot_general3A {dimension_numbers = #tpu.dot_dimension_numbers<[1], [0], [0], [1], [0, 0, 1, 1], [], []>, transpose_lhs_hint = false} : vector<1x128xf32>, vector<128x128xf32>, vector<1x128xf32> -> vector<1x128xf32>
    %get3A_45 = arith.constant 0 : index
    %get3A_46 = arith.constant 0 : index
    %get3A_47 = vector.load %arg6[%get3A_45, %get3A_46] : memref<1x128xf32, #tpu.memory_space<vmem>>, vector<1x128xf32>
    %add3A_48 = arith.addf %dot_general3A_44, %get3A_47 : vector<1x128xf32>
    %swap3A = arith.constant 0 : index
    %swap3A_49 = arith.constant 0 : index
    %swap3A_50 = vector.load %arg7[%swap3A, %swap3A_49] : memref<1x128xf32, #tpu.memory_space<vmem>>, vector<1x128xf32>
    tpu.vector_store %arg7[%swap3A, %swap3A_49], %add3A_48 {strides = array<i32>} : memref<1x128xf32, #tpu.memory_space<vmem>>, vector<1x128xf32>,
    return
  }
}

</mosaic_0001>

<sc_bundles>
// kernel: kernel.6.cloned.1.call-start
scs
__scs_entry_jumppad:
0x0: {  	(pc) =	sbr.rel $0x88, $3  }
0x1: {  	(tag) =	ssettag $0x0;
	lr =	simm.s32 $0x1  }
0x2: {  	[smem:$0x3F9B] =	sst lr;
	_ =	strace $0xD0000000  }
0x3: {  	_ = 	snop  }
0x4: {  	_ = 	snop  }
0x5: {  	_ = 	snop  }
0x6: {  	_ = 	snop  }
0x7: {  	_ = 	snop  }
__scs_overlays_trampoline_lowered:
0x8: {  	[smem:$0x3FAA] =	sst s0  }
0x9: {  	[smem:$0x3FAB] =	sst s1  }
0xa: {  	[smem:$0x3FAC] =	sst s2  }
0xb: {  	[smem:$0x3FAD] =	sst s3  }
0xc: {  	[smem:$0x3FAE] =	sst s4  }
0xd: {  	[smem:$0x3FAF] =	sst s5  }
0xe: {  	[smem:$0x3FB0] =	sst s6  }
0xf: {  	[smem:$0x3FB1] =	sst s7  }
0x10: {  	[smem:$0x3FB2] =	sst s8  }
0x11: {  	[smem:$0x3FB3] =	sst s9;
	s0 =	simm.s32 @!p0 $0x0  }
0x12: {  	s1 =	sld [smem:$0x3F99];
	s0 =	simm.s32 @p0 $0x1  }
0x13: {  	[smem:$0x3FB4] =	sst s0;
	s0 =	simm.s32 @!p1 $0x0  }
0x14: {  	s2 =	sld [smem:$0x3F98];
	s0 =	simm.s32 @p1 $0x1  }
0x15: {  	[smem:$0x3FB5] =	sst s0;
	s0 =	simm.s32 @!p2 $0x0  }
0x16: {  	s3 =	sld [smem:$0x3FDB];
	s0 =	simm.s32 @p2 $0x1  }
0x17: {  	s4 =	simm.s32 $0x1BF5;
	[smem:$0x3FB7] =	sst s0  }
0x18: {  	s0 =	sld [smem:$0x3F9A];
	_ =	swait.ge [sflag:s4], $0x0  }
0x19: {  	s7 =	sld [smem:$0x3F9B]  }
0x1a: {  	s8 =	sadd.s32 $0xFFFFE003, lr  }
0x1b: {  	s9 =	sadd.s32 $0xFFFFFEF7, lr;
	s5 =	simm.s32 $0xFFFFFFFF;
	p2 =	slt.u32 s8, $0xFFFFF086  }
0x1c: {  	p1 =	slt.u32 s9, $0xF7A;
	s5 =	simm.s32 @!p2 $0x0  }
0x1d: {  	s5 =	simm.s32 @p1 $0x1;
	p0 =	seq.s32 s7, s2  }
0x1e: {  	s7 =	smul.u32 @!p0 $0xF7A, s2;
	p2 =	seq.s32 @!p0 s5, $0x0  }
0x1f: {  	s9 =	smul.u32 $0xF7A, s1;
	s8 =	simm.s32 @!p0 $0x1BF5;
	p2 =	por !p2, p0  }
0x20: {  	[sflag:s8] =	ssyncset.s32 @!p0 $0xFFFFF086;
	s6 =	sadd.s32 @!p0 s3, s7;
	s7 =	simm.s32 @!p0 $0x108  }
0x21: {  	s3 =	sadd.s32 s3, s9;
	s6 =	sadd.s32 @!p0 $0x88, s6;
	s7 =	simm.s32 @p2 $0x1082  }
0x22: {  	[simem:s7], [sflag:s8] =	dma.local @!p0 [hbm:s6], $0xF7A  }
0x23: {  	s9 =	sor.u32 $0xD0000000, s2;
	s6 =	simm.s32 $0x108;
	_ =	swait.ge @!p0 [sflag:s8], $0x0  }
0x24: {  	s3 =	sadd.s32 $0x88, s3;
	s6 =	simm.s32 @!p1 $0x1082;
	[sflag:s4] =	ssyncset.s32 $0xFFFFF086  }
0x25: {  	[simem:s6], [sflag:s4] =	dma.local [hbm:s3], $0xF7A  }
0x26: {  	[smem:$0x3F9B] =	sst s1;
	(tag) =	ssettag s2;
	_ =	strace s9  }
0x27: {  	s1 =	sld [smem:$0x3FAB]  }
0x28: {  	s2 =	sld [smem:$0x3FAC]  }
0x29: {  	s4 =	sld [smem:$0x3FAE]  }
0x2a: {  	p0 =	seq.s32 s5, $0x0;
	s5 =	sld [smem:$0x3FAF]  }
0x2b: {  	s6 =	sld [smem:$0x3FB0]  }
0x2c: {  	s7 =	sld [smem:$0x3FB1]  }
0x2d: {  	s3 =	simm.s32 $0x108;
	s8 =	sld [smem:$0x3FB2]  }
0x2e: {  	s3 =	simm.s32 @!p0 $0x1082;
	s9 =	sld [smem:$0x3FB3]  }
0x2f: {  	lr =	sadd.s32 s0, s3;
	s0 =	sld [smem:$0x3FAA]  }
0x30: {  	s3 =	sld [smem:$0x3FAD]  }
0x31: {  	[smem:$0x3FB6] =	sst s10  }
0x32: {  	s10 =	sld [smem:$0x3FB4];
	_ =	sdelay $0x3  }
0x33: {  	p0 =	seq.s32 s10, $0x1;
	s10 =	sld [smem:$0x3FB6];
	_ =	sdelay $0x3  }
0x34: {  	[smem:$0x3FB6] =	sst s10  }
0x35: {  	s10 =	sld [smem:$0x3FB5];
	_ =	sdelay $0x3  }
0x36: {  	p1 =	seq.s32 s10, $0x1;
	s10 =	sld [smem:$0x3FB6];
	_ =	sdelay $0x3  }
0x37: {  	[smem:$0x3FB6] =	sst s10  }
0x38: {  	s10 =	sld [smem:$0x3FB7]  }
0x39: {  	_ = 	snop;
	(pc) =	sbr.ind lr, $3  }
0x3a: {  	_ = 	snop  }
0x3b: {  	_ = 	snop  }
0x3c: {  	p2 =	seq.s32 s10, $0x1;
	s10 =	sld [smem:$0x3FB6]  }
0x3d: {  	_ =	shalt  }
0x3e: {  	_ =	shalt  }
0x3f: {  	_ =	shalt  }
0x40: {  	_ =	shalt  }
0x41: {  	_ =	shalt  }
0x42: {  	_ =	shalt  }
0x43: {  	_ =	shalt  }
0x44: {  	_ =	shalt  }
0x45: {  	_ =	shalt  }
0x46: {  	_ =	shalt  }
0x47: {  	_ =	shalt  }
0x48: {  	_ =	shalt  }
0x49: {  	_ =	shalt  }
0x4a: {  	_ =	shalt  }
0x4b: {  	_ =	shalt  }
0x4c: {  	_ =	shalt  }
0x4d: {  	_ =	shalt  }
0x4e: {  	_ =	shalt  }
0x4f: {  	_ =	shalt  }
0x50: {  	_ =	shalt  }
0x51: {  	_ =	shalt  }
0x52: {  	_ =	shalt  }
0x53: {  	_ =	shalt  }
0x54: {  	_ =	shalt  }
0x55: {  	_ =	shalt  }
0x56: {  	_ =	shalt  }
0x57: {  	_ =	shalt  }
0x58: {  	_ =	shalt  }
0x59: {  	_ =	shalt  }
0x5a: {  	_ =	shalt  }
0x5b: {  	_ =	shalt  }
0x5c: {  	_ =	shalt  }
0x5d: {  	_ =	shalt  }
0x5e: {  	_ =	shalt  }
0x5f: {  	_ =	shalt  }
0x60: {  	_ =	shalt  }
0x61: {  	_ =	shalt  }
0x62: {  	_ =	shalt  }
0x63: {  	_ =	shalt  }
0x64: {  	_ =	shalt  }
0x65: {  	_ =	shalt  }
0x66: {  	_ =	shalt  }
0x67: {  	_ =	shalt  }
0x68: {  	_ =	shalt  }
0x69: {  	_ =	shalt  }
0x6a: {  	_ =	shalt  }
0x6b: {  	_ =	shalt  }
0x6c: {  	_ =	shalt  }
0x6d: {  	_ =	shalt  }
0x6e: {  	_ =	shalt  }
0x6f: {  	_ =	shalt  }
0x70: {  	_ =	shalt  }
0x71: {  	_ =	shalt  }
0x72: {  	_ =	shalt  }
0x73: {  	_ =	shalt  }
0x74: {  	_ =	shalt  }
0x75: {  	_ =	shalt  }
0x76: {  	_ =	shalt  }
0x77: {  	_ =	shalt  }
0x78: {  	_ =	shalt  }
0x79: {  	_ =	shalt  }
0x7a: {  	_ =	shalt  }
0x7b: {  	_ =	shalt  }
0x7c: {  	_ =	shalt  }
0x7d: {  	_ =	shalt  }
0x7e: {  	_ =	shalt  }
0x7f: {  	_ =	shalt  }
0x80: {  	_ =	shalt  }
0x81: {  	_ =	shalt  }
0x82: {  	_ =	shalt  }
0x83: {  	_ =	shalt  }
0x84: {  	_ =	shalt  }
0x85: {  	_ =	shalt  }
0x86: {  	_ =	shalt  }
0x87: {  	_ =	shalt  }
.Lfunc_end0:
.L_simem_size_0:
called_computation_lowered:
.L_overlay_start_0:
0x88: {  	s2 =	sld [smem:$0x3FD9]  }
0x89: {  	s3 =	sld [smem:$0x3FFE];
	_ =	sdelay $0x1  }
0x8a: {  	s1 =	srdreg.scid  }
0x8b: {  	s0 =	sand.u32 $0x1, s1  }
0x8c: {  	s17 =	sshll.u32 s0, $0xA;
	s2 =	sadd.s32 s3, s2  }
0x8d: {  	s2 =	sadd.s32 s2, s17  }
0x8e: {  	[smem:$0x3FC2] =	sst s2  }
0x8f: {  	_ = 	snop  }
0x90: {  	s2 =	sld [smem:$0x3FD0];
	(tm) =	ssettm $0x1  }
0x91: {  	s18 =	sld [smem:$0x3FFB];
	_ =	sdelay $0x3  }
0x92: {  	_ =	strace s18  }
0x93: {  	s3 =	sld [smem:$0x3FFC];
	_ =	sdelay $0x3  }
0x94: {  	_ =	strace s3  }
0x95: {  	s3 =	sld [smem:$0x3FFD];
	_ =	sdelay $0x3  }
0x96: {  	_ =	strace s3  }
0x97: {  	_ =	strace $0x8FFFFFFF  }
0x98: {  	s19 =	sld [smem:$0x3FDB];
	_ =	sdelay $0x1  }
0x99: {  	s4 =	simm.s32 $_scs_section_size  }
0x9a: {  	s5 =	simm.s32 $_size__tile_overlayer_lowered;
	s6 =	simm.s32 $_tile_overlayer_lowered  }
0x9b: {  	s22 =	simm.s32 $0x1BFF;
	s21 =	sshll.u32 s6, $0x1;
	s3 =	sadd.s32 s4, s19  }
0x9c: {  	s7 =	simm.s32 $0x0;
	s20 =	sshll.u32 s5, $0x1;
	s5 =	sadd.s32 s21, s3  }
0x9d: {  	[timem:s7], [sflag:s22] =	dma.local [hbm:s5], s20  }
0x9e: {  	_ =	swait.ge [sflag:s22], s20  }
0x9f: {  	s4 =	ssub.s32 $0x0, s20;
	[sflag:s22] =	ssyncset.done $0x0  }
0xa0: {  	[sflag:s22] =	ssyncadd.s32 s4;
	_ =	sdelay $0x1  }
0xa1: {  	s23 =	simm.s32 $0x1B8B  }
0xa2: {  	_ =	swait.ge [sflag:s23], $0x1  }
0xa3: {  	[sflag:s23] =	ssyncset.done $0x0  }
0xa4: {  	s25 =	simm.s32 $0x1B8E;
	s24 =	sld [smem:$0x3FFE];
	[sflag:s23] =	ssyncadd.s32 $0xFFFFFFFF  }
0xa5: {  	s26 =	simm.s32 $execute0_lowered;
	[smem:$0x3FD2] =	sst s25  }
0xa6: {  	s5 =	sshll.u32 s26, $0x1;
	_ =	strace $0x80000046;
	[dreg:$0x1] =	wrdreg $0xFFFFFFFF  }
0xa7: {  	s28 =	simm.s32 $_size_execute0_lowered;
	s3 =	sadd.s32 s3, s5;
	[dreg:$0x0] =	wrdreg $0x0  }
0xa8: {  	s5 =	sshll.u32 s28, $0x1;
	[dreg:$0x2] =	wrdreg s3  }
0xa9: {  	[dreg:$0x3] =	wrdreg s5  }
0xaa: {  	[dreg:$0x4] =	wrdreg $0xC0  }
0xab: {  	_ =	task [dreg:s7], $0x5FFFF  }
0xac: {  	[dreg:$0x1] =	wrdreg $0xFFFFFFFF  }
0xad: {  	[dreg:$0x0] =	wrdreg $0x60  }
0xae: {  	[dreg:$0x2] =	wrdreg s24  }
0xaf: {  	[dreg:$0x3] =	wrdreg s2  }
0xb0: {  	[dreg:$0x4] =	wrdreg $0x2B000  }
0xb1: {  	[dreg:$0x5] =	wrdreg $0x9  }
0xb2: {  	_ =	task.clear_ibuf [dreg:s7], $0x6FFFF;
	_ =	strace $0x90000046  }
0xb3: {  	s29 =	simm.s32 $0x9;
	_ =	strace $0x80000048  }
0xb4: {  	_ =	swait.ge [sflag:s29], $0x1  }
0xb5: {  	[sflag:s29] =	ssyncadd.s32 $0xFFFFFFFF  }
0xb6: {  	_ =	strace $0x90000048  }
0xb7: {  	_ =	sfence  }
0xb8: {  	s30 =	sld [smem:$0x0];
	_ =	sdelay $0x2  }
0xb9: {  	s31 =	sshll.u32 s1, $0xD;
	s1 =	sshrl.u32 s1, $0x2  }
0xba: {  	s3 =	sand.u32 $0x4000, s31;
	s1 =	sadd.s32 s1, s30  }
0xbb: {  	s0 =	sor.u32 s3, s0;
	s1 =	sshll.u32 s1, $0x11  }
0xbc: {  	s0 =	sor.u32 s1, s0  }
0xbd: {  	s0 =	sadd.s32 $0x8F2B, s0  }
0xbe: {  	[sflag:s0] =	ssyncadd.remote.s32 $0x1  }
0xbf: {  	_ =	sfence.sel $0xFFFF  }
0xc0: {  	[dreg:$0x0] =	wrdreg $0xFFFFFFFF;
	(pc) =	sbr.abs _section_cstart, $3  }
0xc1: {  	[dreg:$0x1] =	wrdreg $0xFFFFFFFF  }
0xc2: {  	_ =	task.clear_ibuf [dreg:s7], $0x2FFFF;
	_ =	strace $0x9FFFFFFF  }
0xc3: {  	(tm) =	ssettm $0x7FFFFFFF  }
tec
execute0_lowered:
.L_overlay_start_1:
0x0: {  	(tag) =	ssettag $0x1  }
0x1: {  	s6 =	rddreg [dreg:$0x0]  }
0x2: {  	s2 =	rddreg [dreg:$0x1]  }
0x3: {  	s0 =	srdreg.scid;
	s3 =	rddreg [dreg:$0x2];
	s4 =	simm.s32 $0x0  }
0x4: {  	s12 =	simm.s32 $0x2880;
	s13 =	simm.s32 $0x80;
	s14 =	simm.s32 $0x1  }
0x5: {  	s15 =	simm.s32 $0x0;
	s5 =	sand.u32 $0x1, s0;
	s0 =	stileid.u32  }
0x6: {  	[smem:$0x7FF] =	sst s4;
	s1 =	sshll.u32 s5, $0x4;
	s8 =	smul.u32 $0x278, s0  }
0x7: {  	s9 =	smul.u32 $0x2780, s5;
	s5 =	ssub.s32 $0x2, s5;
	s1 =	sor.u32 s0, s1  }
0x8: {  	s31 =	sshrl.u32 s5, $0x1;
	s7 =	smul.u32 $0x500, s1;
	s1 =	rddreg [dreg:$0x3]  }
0x9: {  	_ =	strace $0x80000047;
	s9 =	sadd.s32 s8, s9;
	s10 =	sshrl.u32 s8, $0x3  }
0xa: {  	s11 =	ssub.s32 s5, s31;
	s9 =	sshrl.u32 s9, $0x3;
	s10 =	sadd.s32 s10, s6  }
0xb: {  	s7 =	sadd.s32 s7, s6;
	s9 =	sadd.s32 s9, s6;
	s6 =	sadd.s32 $0x15C00, s10  }
0xc: {  	s10 =	simm.s32 $0x2;
	s5 =	sadd.s32 $0xBC00, s7;
	s7 =	sadd.s32 s8, s3  }
0xd: {  	s8 =	sadd.s32 $0x16200, s9;
	s9 =	smax.u32 s11, $0x1;
	s11 =	simm.s32 $0x2800  }
.LBB2_1:
0xe: {  	[tilespmem:s4], [sflag:$0x2] =	stream.linear.gather [hbm4b:s5+s4], $0x2800, $0x38;
	[tilespmem:$0x2D78] =	vst v63  }
0xf: {  	_ =	swait.ge [sflag:s10], $0x2800  }
0x10: {  	[sflag:s10] =	ssyncset.done $0x0  }
0x11: {  	[sflag:s10] =	ssyncadd.s32 $0xFFFFD800  }
0x12: {  	[tilespmem:s11], [sflag:$0x2] =	stream.linear.gather [hbm4b:s2+s4], $0x80, $0x38;
	[tilespmem:$0x2D78] =	vst v63  }
0x13: {  	_ =	swait.ge [sflag:s10], $0x80  }
0x14: {  	[sflag:s10] =	ssyncset.done $0x0  }
0x15: {  	[sflag:s10] =	ssyncadd.s32 $0xFFFFFF80  }
0x16: {  	[tilespmem:s12], [sflag:$0x2] =	stream.linear.gather [hbm4b:s6+s4], $0x278, $0x38;
	[tilespmem:$0x2D78] =	vst v63  }
0x17: {  	_ =	swait.ge [sflag:s10], $0x278  }
0x18: {  	[sflag:s10] =	ssyncset.done $0x0  }
0x19: {  	[sflag:s10] =	ssyncadd.s32 $0xFFFFFD88  }
0x1a: {  	[spmem:s7] =	stream.linear.scatter [tilespmem:s12], [sflag:$0x2], $0x278, $0x38;
	[tilespmem:$0x2D78] =	vst v63  }
0x1b: {  	_ =	swait.ge [sflag:s10], $0x278  }
0x1c: {  	[sflag:s10] =	ssyncset.done $0x0  }
0x1d: {  	[sflag:s10] =	ssyncadd.s32 $0xFFFFFD88  }
0x1e: {  	s16 =	simm.s32 $0x0;
	[bflag:$0x0] =	sbarrier.arrive $0xFFFF  }
.LBB2_2:
0x1f: {  	p0 =	sne.s32 s16, $0x9E00  }
.Ltmp0:
0x20: {  	_ = 	snop;
	(pc) =	sbr.rel @p0 .LBB2_2-.Ltmp0, $3  }
0x21: {  	_ =	sdelay $0x1  }
0x22: {  	s17 =	sshra.s32 s16, $0x2;
	s16 =	sadd.s32 $0x200, s16  }
0x23: {  	[spmem:s3] =	stream.indirect.scatter.add.f32 [tilespmem:s11], [sflag:$0x1], $0x1, s17, s13, $0xb8;
	[tilespmem:$0x2D78] =	vst v63  }
0x24: {  	_ =	swait.ge [sflag:s14], $0x80  }
0x25: {  	s16 =	simm.s32 $0x4F;
	[sflag:s14] =	ssyncset.done $0x0  }
.LBB2_4:
0x26: {  	p0 =	sne.s32 s16, $0x1;
	s16 =	sadd.s32 $0xFFFFFFFF, s16;
	[sflag:s14] =	ssyncadd.s32 $0xFFFFFF80  }
.Ltmp1:
0x27: {  	(pc) =	sbr.rel @p0 .LBB2_4-.Ltmp1, $3  }
0x28: {  	_ =	sdelay $0x1  }
0x29: {  	_ =	swait.ge [sflag:s14], $0x80  }
0x2a: {  	[sflag:s14] =	ssyncset.done $0x0  }
0x2b: {  	[sflag:s14] =	ssyncadd.s32 $0xFFFFFF80  }
0x2c: {  	[bflag:$0x0] =	sbarrier.arrive $0xFFFF  }
0x2d: {  	[tilespmem:s12], [sflag:$0x2] =	stream.linear.gather [spmem:s7], $0x278, $0x38;
	[tilespmem:$0x2D78] =	vst v63  }
0x2e: {  	s15 =	sadd.s32 $0x1, s15;
	_ =	swait.ge [sflag:s10], $0x278  }
0x2f: {  	p0 =	sne.s32 s15, s9;
	[sflag:s10] =	ssyncset.done $0x0  }
.Ltmp2:
0x30: {  	[sflag:s10] =	ssyncadd.s32 $0xFFFFFD88;
	(pc) =	sbr.rel @p0 .LBB2_1-.Ltmp2, $4  }
0x31: {  	[hbm4b:s8+s4] =	stream.linear.scatter [tilespmem:s12], [sflag:$0x2], $0x278, $0x38;
	[tilespmem:$0x2D78] =	vst v63  }
0x32: {  	_ =	swait.ge [sflag:s10], $0x278  }
0x33: {  	[sflag:s10] =	ssyncset.done $0x0  }
0x34: {  	[sflag:s10] =	ssyncadd.s32 $0xFFFFFD88  }
0x35: {  	_ =	sfence.sel $0x180000  }
0x36: {  	[bflag:$0x0] =	sbarrier.arrive $0xFFFF  }
0x37: {  	p0 =	sne.s32 s0, $0x0;
	_ =	strace $0x90000047  }
0x38: {  	s0 =	sadd.s32 @!p0 $0x100000, s1;
	[bflag:$0x2] =	sbarrier.arrive $0xFFFF  }
0x39: {  	[sflag:s0] =	ssyncadd.tile.s32 @!p0 $0x1;
	_ =	shalt  }
.Lfunc_end2:
_tile_overlayer_lowered:
.L_overlay_start_2:
0x3a: {  	(tag) =	ssettag $0x2  }
0x3b: {  	s0 =	rddreg [dreg:$0x0];
	s2 =	stileid.u32  }
0x3c: {  	s1 =	rddreg [dreg:$0x1];
	p0 =	sne.s32 s2, $0x0  }
0x3d: {  	s3 =	rddreg [dreg:$0x2];
	[bflag:$0x3] =	sbarrier.arrive $0xFFFF;
	s2 =	simm.s32 @!p0 $0x1C02  }
0x3e: {  	[timem:s3], [sflag:s2] =	dma.local @!p0 [hbm:s0], s1  }
0x3f: {  	s0 =	simm.s32 @!p0 $0x2  }
0x40: {  	_ =	swait.ge @!p0 [sflag:s0], s1  }
0x41: {  	s1 =	ssub.s32 @!p0 $0x0, s1;
	[sflag:s0] =	ssyncset.done @!p0 $0x0  }
0x42: {  	[sflag:s0] =	ssyncadd.s32 @!p0 s1  }
0x43: {  	[bflag:$0x3] =	sbarrier.arrive $0xFFFF  }
0x44: {  	_ =	shalt  }

// kernel: kernel.9.cloned.1.call-start
scs
__scs_entry_jumppad:
0x0: {  	(pc) =	sbr.rel $0x88, $3  }
0x1: {  	(tag) =	ssettag $0x0;
	lr =	simm.s32 $0x1  }
0x2: {  	[smem:$0x3F9B] =	sst lr;
	_ =	strace $0xD0000000  }
0x3: {  	_ = 	snop  }
0x4: {  	_ = 	snop  }
0x5: {  	_ = 	snop  }
0x6: {  	_ = 	snop  }
0x7: {  	_ = 	snop  }
__scs_overlays_trampoline_lowered:
0x8: {  	[smem:$0x3FAA] =	sst s0  }
0x9: {  	[smem:$0x3FAB] =	sst s1  }
0xa: {  	[smem:$0x3FAC] =	sst s2  }
0xb: {  	[smem:$0x3FAD] =	sst s3  }
0xc: {  	[smem:$0x3FAE] =	sst s4  }
0xd: {  	[smem:$0x3FAF] =	sst s5  }
0xe: {  	[smem:$0x3FB0] =	sst s6  }
0xf: {  	[smem:$0x3FB1] =	sst s7  }
0x10: {  	[smem:$0x3FB2] =	sst s8  }
0x11: {  	[smem:$0x3FB3] =	sst s9;
	s0 =	simm.s32 @!p0 $0x0  }
0x12: {  	s1 =	sld [smem:$0x3F99];
	s0 =	simm.s32 @p0 $0x1  }
0x13: {  	[smem:$0x3FB4] =	sst s0;
	s0 =	simm.s32 @!p1 $0x0  }
0x14: {  	s2 =	sld [smem:$0x3F98];
	s0 =	simm.s32 @p1 $0x1  }
0x15: {  	[smem:$0x3FB5] =	sst s0;
	s0 =	simm.s32 @!p2 $0x0  }
0x16: {  	s3 =	sld [smem:$0x3FDB];
	s0 =	simm.s32 @p2 $0x1  }
0x17: {  	s4 =	simm.s32 $0x1BF5;
	[smem:$0x3FB7] =	sst s0  }
0x18: {  	s0 =	sld [smem:$0x3F9A];
	_ =	swait.ge [sflag:s4], $0x0  }
0x19: {  	s7 =	sld [smem:$0x3F9B]  }
0x1a: {  	s8 =	sadd.s32 $0xFFFFE003, lr  }
0x1b: {  	s9 =	sadd.s32 $0xFFFFFEF7, lr;
	s5 =	simm.s32 $0xFFFFFFFF;
	p2 =	slt.u32 s8, $0xFFFFF086  }
0x1c: {  	p1 =	slt.u32 s9, $0xF7A;
	s5 =	simm.s32 @!p2 $0x0  }
0x1d: {  	s5 =	simm.s32 @p1 $0x1;
	p0 =	seq.s32 s7, s2  }
0x1e: {  	s7 =	smul.u32 @!p0 $0xF7A, s2;
	p2 =	seq.s32 @!p0 s5, $0x0  }
0x1f: {  	s9 =	smul.u32 $0xF7A, s1;
	s8 =	simm.s32 @!p0 $0x1BF5;
	p2 =	por !p2, p0  }
0x20: {  	[sflag:s8] =	ssyncset.s32 @!p0 $0xFFFFF086;
	s6 =	sadd.s32 @!p0 s3, s7;
	s7 =	simm.s32 @!p0 $0x108  }
0x21: {  	s3 =	sadd.s32 s3, s9;
	s6 =	sadd.s32 @!p0 $0x88, s6;
	s7 =	simm.s32 @p2 $0x1082  }
0x22: {  	[simem:s7], [sflag:s8] =	dma.local @!p0 [hbm:s6], $0xF7A  }
0x23: {  	s9 =	sor.u32 $0xD0000000, s2;
	s6 =	simm.s32 $0x108;
	_ =	swait.ge @!p0 [sflag:s8], $0x0  }
0x24: {  	s3 =	sadd.s32 $0x88, s3;
	s6 =	simm.s32 @!p1 $0x1082;
	[sflag:s4] =	ssyncset.s32 $0xFFFFF086  }
0x25: {  	[simem:s6], [sflag:s4] =	dma.local [hbm:s3], $0xF7A  }
0x26: {  	[smem:$0x3F9B] =	sst s1;
	(tag) =	ssettag s2;
	_ =	strace s9  }
0x27: {  	s1 =	sld [smem:$0x3FAB]  }
0x28: {  	s2 =	sld [smem:$0x3FAC]  }
0x29: {  	s4 =	sld [smem:$0x3FAE]  }
0x2a: {  	p0 =	seq.s32 s5, $0x0;
	s5 =	sld [smem:$0x3FAF]  }
0x2b: {  	s6 =	sld [smem:$0x3FB0]  }
0x2c: {  	s7 =	sld [smem:$0x3FB1]  }
0x2d: {  	s3 =	simm.s32 $0x108;
	s8 =	sld [smem:$0x3FB2]  }
0x2e: {  	s3 =	simm.s32 @!p0 $0x1082;
	s9 =	sld [smem:$0x3FB3]  }
0x2f: {  	lr =	sadd.s32 s0, s3;
	s0 =	sld [smem:$0x3FAA]  }
0x30: {  	s3 =	sld [smem:$0x3FAD]  }
0x31: {  	[smem:$0x3FB6] =	sst s10  }
0x32: {  	s10 =	sld [smem:$0x3FB4];
	_ =	sdelay $0x3  }
0x33: {  	p0 =	seq.s32 s10, $0x1;
	s10 =	sld [smem:$0x3FB6];
	_ =	sdelay $0x3  }
0x34: {  	[smem:$0x3FB6] =	sst s10  }
0x35: {  	s10 =	sld [smem:$0x3FB5];
	_ =	sdelay $0x3  }
0x36: {  	p1 =	seq.s32 s10, $0x1;
	s10 =	sld [smem:$0x3FB6];
	_ =	sdelay $0x3  }
0x37: {  	[smem:$0x3FB6] =	sst s10  }
0x38: {  	s10 =	sld [smem:$0x3FB7]  }
0x39: {  	_ = 	snop;
	(pc) =	sbr.ind lr, $3  }
0x3a: {  	_ = 	snop  }
0x3b: {  	_ = 	snop  }
0x3c: {  	p2 =	seq.s32 s10, $0x1;
	s10 =	sld [smem:$0x3FB6]  }
0x3d: {  	_ =	shalt  }
0x3e: {  	_ =	shalt  }
0x3f: {  	_ =	shalt  }
0x40: {  	_ =	shalt  }
0x41: {  	_ =	shalt  }
0x42: {  	_ =	shalt  }
0x43: {  	_ =	shalt  }
0x44: {  	_ =	shalt  }
0x45: {  	_ =	shalt  }
0x46: {  	_ =	shalt  }
0x47: {  	_ =	shalt  }
0x48: {  	_ =	shalt  }
0x49: {  	_ =	shalt  }
0x4a: {  	_ =	shalt  }
0x4b: {  	_ =	shalt  }
0x4c: {  	_ =	shalt  }
0x4d: {  	_ =	shalt  }
0x4e: {  	_ =	shalt  }
0x4f: {  	_ =	shalt  }
0x50: {  	_ =	shalt  }
0x51: {  	_ =	shalt  }
0x52: {  	_ =	shalt  }
0x53: {  	_ =	shalt  }
0x54: {  	_ =	shalt  }
0x55: {  	_ =	shalt  }
0x56: {  	_ =	shalt  }
0x57: {  	_ =	shalt  }
0x58: {  	_ =	shalt  }
0x59: {  	_ =	shalt  }
0x5a: {  	_ =	shalt  }
0x5b: {  	_ =	shalt  }
0x5c: {  	_ =	shalt  }
0x5d: {  	_ =	shalt  }
0x5e: {  	_ =	shalt  }
0x5f: {  	_ =	shalt  }
0x60: {  	_ =	shalt  }
0x61: {  	_ =	shalt  }
0x62: {  	_ =	shalt  }
0x63: {  	_ =	shalt  }
0x64: {  	_ =	shalt  }
0x65: {  	_ =	shalt  }
0x66: {  	_ =	shalt  }
0x67: {  	_ =	shalt  }
0x68: {  	_ =	shalt  }
0x69: {  	_ =	shalt  }
0x6a: {  	_ =	shalt  }
0x6b: {  	_ =	shalt  }
0x6c: {  	_ =	shalt  }
0x6d: {  	_ =	shalt  }
0x6e: {  	_ =	shalt  }
0x6f: {  	_ =	shalt  }
0x70: {  	_ =	shalt  }
0x71: {  	_ =	shalt  }
0x72: {  	_ =	shalt  }
0x73: {  	_ =	shalt  }
0x74: {  	_ =	shalt  }
0x75: {  	_ =	shalt  }
0x76: {  	_ =	shalt  }
0x77: {  	_ =	shalt  }
0x78: {  	_ =	shalt  }
0x79: {  	_ =	shalt  }
0x7a: {  	_ =	shalt  }
0x7b: {  	_ =	shalt  }
0x7c: {  	_ =	shalt  }
0x7d: {  	_ =	shalt  }
0x7e: {  	_ =	shalt  }
0x7f: {  	_ =	shalt  }
0x80: {  	_ =	shalt  }
0x81: {  	_ =	shalt  }
0x82: {  	_ =	shalt  }
0x83: {  	_ =	shalt  }
0x84: {  	_ =	shalt  }
0x85: {  	_ =	shalt  }
0x86: {  	_ =	shalt  }
0x87: {  	_ =	shalt  }
.Lfunc_end0:
.L_simem_size_0:
called_computation.1_lowered:
.L_overlay_start_0:
0x88: {  	s2 =	sld [smem:$0x3FD9]  }
0x89: {  	s3 =	sld [smem:$0x3FFE];
	_ =	sdelay $0x1  }
0x8a: {  	s1 =	srdreg.scid  }
0x8b: {  	s0 =	sand.u32 $0x1, s1  }
0x8c: {  	s16 =	sshll.u32 s0, $0xA;
	s2 =	sadd.s32 s3, s2  }
0x8d: {  	s2 =	sadd.s32 s2, s16  }
0x8e: {  	[smem:$0x3FC2] =	sst s2  }
0x8f: {  	_ = 	snop  }
0x90: {  	(tm) =	ssettm $0x1  }
0x91: {  	s17 =	sld [smem:$0x3FFB];
	_ =	sdelay $0x3  }
0x92: {  	_ =	strace s17  }
0x93: {  	s2 =	sld [smem:$0x3FFC];
	_ =	sdelay $0x3  }
0x94: {  	_ =	strace s2  }
0x95: {  	s2 =	sld [smem:$0x3FFD];
	_ =	sdelay $0x3  }
0x96: {  	_ =	strace s2  }
0x97: {  	_ =	strace $0x8FFFFFFF  }
0x98: {  	s18 =	sld [smem:$0x3FDB];
	_ =	sdelay $0x1  }
0x99: {  	s19 =	simm.s32 $_scs_section_size  }
0x9a: {  	s4 =	simm.s32 $_size__tile_overlayer_lowered;
	s5 =	simm.s32 $_tile_overlayer_lowered  }
0x9b: {  	s22 =	simm.s32 $0x1BFF;
	s21 =	sshll.u32 s5, $0x1;
	s2 =	sadd.s32 s19, s18  }
0x9c: {  	s6 =	simm.s32 $0x0;
	s20 =	sshll.u32 s4, $0x1;
	s4 =	sadd.s32 s21, s2  }
0x9d: {  	[timem:s6], [sflag:s22] =	dma.local [hbm:s4], s20  }
0x9e: {  	_ =	swait.ge [sflag:s22], s20  }
0x9f: {  	s3 =	ssub.s32 $0x0, s20;
	[sflag:s22] =	ssyncset.done $0x0  }
0xa0: {  	[sflag:s22] =	ssyncadd.s32 s3;
	_ =	sdelay $0x1  }
0xa1: {  	s23 =	simm.s32 $0x1B8B  }
0xa2: {  	_ =	swait.ge [sflag:s23], $0x1  }
0xa3: {  	[sflag:s23] =	ssyncset.done $0x0  }
0xa4: {  	s25 =	simm.s32 $0x1B8E;
	s24 =	sld [smem:$0x3FFE];
	[sflag:s23] =	ssyncadd.s32 $0xFFFFFFFF  }
0xa5: {  	s26 =	simm.s32 $execute0_lowered;
	[smem:$0x3FD2] =	sst s25  }
0xa6: {  	s4 =	sshll.u32 s26, $0x1;
	_ =	strace $0x80000049;
	[dreg:$0x1] =	wrdreg $0xFFFFFFFF  }
0xa7: {  	s28 =	simm.s32 $_size_execute0_lowered;
	s2 =	sadd.s32 s2, s4;
	[dreg:$0x0] =	wrdreg $0x0  }
0xa8: {  	s4 =	sshll.u32 s28, $0x1;
	[dreg:$0x2] =	wrdreg s2  }
0xa9: {  	[dreg:$0x3] =	wrdreg s4  }
0xaa: {  	[dreg:$0x4] =	wrdreg $0xC0  }
0xab: {  	_ =	task [dreg:s6], $0x5FFFF  }
0xac: {  	[dreg:$0x1] =	wrdreg $0xFFFFFFFF  }
0xad: {  	[dreg:$0x0] =	wrdreg $0x60  }
0xae: {  	[dreg:$0x2] =	wrdreg s24  }
0xaf: {  	[dreg:$0x3] =	wrdreg $0xBC000  }
0xb0: {  	[dreg:$0x4] =	wrdreg $0x1F8000  }
0xb1: {  	[dreg:$0x5] =	wrdreg $0x9  }
0xb2: {  	_ =	task.clear_ibuf [dreg:s6], $0x6FFFF;
	_ =	strace $0x90000049  }
0xb3: {  	s29 =	simm.s32 $0x9;
	_ =	strace $0x8000004B  }
0xb4: {  	_ =	swait.ge [sflag:s29], $0x1  }
0xb5: {  	[sflag:s29] =	ssyncadd.s32 $0xFFFFFFFF  }
0xb6: {  	_ =	strace $0x9000004B  }
0xb7: {  	_ =	sfence  }
0xb8: {  	s30 =	sld [smem:$0x0];
	_ =	sdelay $0x2  }
0xb9: {  	s31 =	sshll.u32 s1, $0xD;
	s1 =	sshrl.u32 s1, $0x2  }
0xba: {  	s3 =	sand.u32 $0x4000, s31;
	s1 =	sadd.s32 s1, s30  }
0xbb: {  	s0 =	sor.u32 s3, s0;
	s1 =	sshll.u32 s1, $0x11  }
0xbc: {  	s0 =	sor.u32 s1, s0  }
0xbd: {  	s0 =	sadd.s32 $0x8F2B, s0  }
0xbe: {  	[sflag:s0] =	ssyncadd.remote.s32 $0x1  }
0xbf: {  	_ =	sfence.sel $0xFFFF  }
0xc0: {  	[dreg:$0x0] =	wrdreg $0xFFFFFFFF;
	(pc) =	sbr.abs _section_cstart, $3  }
0xc1: {  	[dreg:$0x1] =	wrdreg $0xFFFFFFFF  }
0xc2: {  	_ =	task.clear_ibuf [dreg:s6], $0x2FFFF;
	_ =	strace $0x9FFFFFFF  }
0xc3: {  	(tm) =	ssettm $0x7FFFFFFF  }
tec
execute0_lowered:
.L_overlay_start_1:
0x0: {  	(tag) =	ssettag $0x1  }
0x1: {  	s0 =	rddreg [dreg:$0x0]  }
0x2: {  	s1 =	rddreg [dreg:$0x1]  }
0x3: {  	s2 =	rddreg [dreg:$0x2]  }
0x4: {  	s3 =	simm.s32 $0x0;
	s4 =	srdreg.scid;
	s18 =	stileid.u32  }
0x5: {  	s28 =	simm.s32 $0x2;
	s29 =	simm.s32 $0x4;
	s31 =	simm.s32 $0x5  }
0x6: {  	s30 =	simm.s32 $0x0;
	[smem:$0x7FF] =	sst s3;
	s7 =	smul.u32 $0x278, s18  }
0x7: {  	s4 =	sand.u32 $0x1, s4;
	s5 =	sadd.s32 $0x1C00, s0;
	s16 =	smul.u32 $0x13C00, s18  }
0x8: {  	s9 =	sadd.s32 $0xBC00, s0;
	s11 =	sadd.s32 $0x66200, s0;
	s21 =	smul.u32 $0x2780, s18  }
0x9: {  	s12 =	sadd.s32 $0x65800, s0;
	_ =	strace $0x8000004A;
	s13 =	smul.u32 $0x13C000, s4  }
0xa: {  	s6 =	sshll.u32 s4, $0x4;
	s8 =	ssub.s32 $0x2, s4;
	s4 =	smul.u32 $0x2780, s4  }
0xb: {  	s6 =	sor.u32 s18, s6;
	s10 =	sshrl.u32 s8, $0x1;
	s17 =	sshll.u32 s7, $0x7  }
0xc: {  	s6 =	smul.u32 $0x2800, s6;
	s8 =	ssub.s32 s8, s10;
	s10 =	sadd.s32 $0x200, s7  }
0xd: {  	s25 =	sadd.s32 s13, s16;
	s26 =	sadd.s32 s7, s4;
	s14 =	sshll.u32 s10, $0x7  }
0xe: {  	s4 =	sadd.s32 s4, s10;
	s6 =	sshrl.u32 s6, $0x3;
	s23 =	sadd.s32 s13, s14  }
0xf: {  	s4 =	sshrl.u32 s4, $0x3;
	s15 =	sadd.s32 s5, s6;
	s22 =	sadd.s32 s9, s6  }
0x10: {  	s6 =	sadd.s32 $0x280, s6;
	s24 =	sshrl.u32 s23, $0x3;
	[dreg:$0x4] =	wrdreg s15  }
0x11: {  	s4 =	sadd.s32 s12, s4;
	s23 =	sshrl.u32 s7, $0x3;
	[dreg:$0x5] =	wrdreg s22  }
0x12: {  	s5 =	sadd.s32 s5, s6;
	s6 =	sadd.s32 s9, s6;
	s9 =	sadd.s32 $0x4000, s17  }
0x13: {  	s15 =	sadd.s32 $0x8000, s17;
	[dreg:$0xd] =	wrdreg s4;
	s22 =	sshrl.u32 s26, $0x3  }
0x14: {  	s4 =	sadd.s32 s23, s0;
	s23 =	sadd.s32 s10, s2;
	[dreg:$0x6] =	wrdreg s5  }
0x15: {  	s10 =	smax.u32 s8, $0x1;
	[dreg:$0x7] =	wrdreg s6;
	s5 =	sadd.s32 s11, s24  }
0x16: {  	s19 =	sadd.s32 s13, s9;
	s12 =	sadd.s32 s12, s22;
	s24 =	smul.u32 $0x4F000, s18  }
0x17: {  	s6 =	sadd.s32 $0x15C00, s4;
	s22 =	sadd.s32 s7, s2;
	[dreg:$0x11] =	wrdreg s10  }
0x18: {  	s10 =	simm.s32 $0x7;
	[dreg:$0x8] =	wrdreg s5;
	s5 =	sshrl.u32 s25, $0x3  }
0x19: {  	s16 =	sshrl.u32 s19, $0x3;
	[dreg:$0x10] =	wrdreg s6;
	s4 =	sadd.s32 $0x100, s22  }
0x1a: {  	[dreg:$0xe] =	wrdreg s12;
	s5 =	sadd.s32 s11, s5;
	s16 =	sadd.s32 s11, s16  }
0x1b: {  	s26 =	sshrl.u32 s24, $0x2;
	s24 =	sadd.s32 $0x10, s12;
	[dreg:$0x9] =	wrdreg s5  }
0x1c: {  	s5 =	sadd.s32 $0xC000, s17;
	s17 =	sadd.s32 s13, s15;
	[dreg:$0xa] =	wrdreg s16  }
0x1d: {  	s16 =	sadd.s32 $0x16200, s0;
	s19 =	sadd.s32 s26, s1;
	[dreg:$0x18] =	wrdreg s24  }
0x1e: {  	s26 =	sadd.s32 $0x30, s12;
	s13 =	sadd.s32 s13, s5;
	s17 =	sshrl.u32 s17, $0x3  }
0x1f: {  	s18 =	sadd.s32 $0x8000, s19;
	[dreg:$0x1a] =	wrdreg s26;
	s26 =	simm.s32 $0x6  }
0x20: {  	s13 =	sshrl.u32 s13, $0x3;
	s20 =	sadd.s32 s11, s17;
	[dreg:$0x16] =	wrdreg s18  }
0x21: {  	s17 =	sadd.s32 $0x3DA00, s0;
	[dreg:$0xb] =	wrdreg s20;
	s11 =	sadd.s32 s11, s13  }
0x22: {  	s18 =	simm.s32 $0x1;
	s13 =	sadd.s32 s15, s1;
	[dreg:$0xc] =	wrdreg s11  }
0x23: {  	s20 =	sadd.s32 s14, s1;
	s14 =	sadd.s32 s5, s1;
	[dreg:$0x13] =	wrdreg s13  }
0x24: {  	s15 =	sadd.s32 $0x4000, s19;
	s5 =	sadd.s32 $0x180, s22;
	[dreg:$0x14] =	wrdreg s14  }
0x25: {  	s11 =	sadd.s32 s21, s0;
	[dreg:$0x15] =	wrdreg s15;
	s21 =	sadd.s32 $0xC000, s19  }
0x26: {  	s0 =	sadd.s32 $0x80, s22;
	s13 =	simm.s32 $0x80;
	s14 =	simm.s32 $0x7C00  }
0x27: {  	s25 =	sadd.s32 $0x3E000, s11;
	s11 =	sadd.s32 s9, s1;
	[dreg:$0x17] =	wrdreg s21  }
0x28: {  	s9 =	simm.s32 $0x3C00;
	s21 =	simm.s32 $0x3;
	[dreg:$0xf] =	wrdreg s25  }
0x29: {  	[dreg:$0x12] =	wrdreg s11;
	s25 =	sadd.s32 $0x20, s12;
	s11 =	simm.s32 $0x2800  }
0x2a: {  	s12 =	simm.s32 $0x1400;
	[dreg:$0x19] =	wrdreg s25;
	s25 =	simm.s32 $0x1480  }
.LBB2_1:
0x2b: {  	s6 =	rddreg [dreg:$0xf]  }
0x2c: {  	[tilespmem:s9], [sflag:$0x7] =	stream.linear.gather [hbm4b:s6+s3], $0x4000, $0x38;
	[tilespmem:$0x1FA78] =	vst v63  }
0x2d: {  	_ =	swait.ge [sflag:s10], $0x4000  }
0x2e: {  	[sflag:s10] =	ssyncset.done $0x0  }
0x2f: {  	[sflag:s10] =	ssyncadd.s32 $0xFFFFC000  }
0x30: {  	[spmem:s19] =	stream.linear.scatter [tilespmem:s9], [sflag:$0x7], $0x4000, $0x38;
	[tilespmem:$0x1FA78] =	vst v63  }
0x31: {  	_ =	swait.ge [sflag:s10], $0x4000  }
0x32: {  	[sflag:s10] =	ssyncset.done $0x0  }
0x33: {  	s24 =	rddreg [dreg:$0x15];
	[sflag:s10] =	ssyncadd.s32 $0xFFFFC000  }
0x34: {  	[spmem:s24] =	stream.linear.scatter [tilespmem:s9], [sflag:$0x7], $0x4000, $0x38;
	[tilespmem:$0x1FA78] =	vst v63  }
0x35: {  	_ =	swait.ge [sflag:s10], $0x4000  }
0x36: {  	[sflag:s10] =	ssyncset.done $0x0  }
0x37: {  	s7 =	rddreg [dreg:$0x16];
	[sflag:s10] =	ssyncadd.s32 $0xFFFFC000  }
0x38: {  	[spmem:s7] =	stream.linear.scatter [tilespmem:s9], [sflag:$0x7], $0x4000, $0x38;
	[tilespmem:$0x1FA78] =	vst v63  }
0x39: {  	_ =	swait.ge [sflag:s10], $0x4000  }
0x3a: {  	[sflag:s10] =	ssyncset.done $0x0  }
0x3b: {  	s8 =	rddreg [dreg:$0x17];
	[sflag:s10] =	ssyncadd.s32 $0xFFFFC000  }
0x3c: {  	[spmem:s8] =	stream.linear.scatter [tilespmem:s9], [sflag:$0x7], $0x4000, $0x38;
	[tilespmem:$0x1FA78] =	vst v63  }
0x3d: {  	_ =	swait.ge [sflag:s10], $0x4000  }
0x3e: {  	[sflag:s10] =	ssyncset.done $0x0  }
0x3f: {  	[sflag:s10] =	ssyncadd.s32 $0xFFFFC000  }
0x40: {  	[spmem:s20] =	stream.linear.scatter [tilespmem:s9], [sflag:$0x7], $0x3C00, $0x38;
	[tilespmem:$0x1FA78] =	vst v63  }
0x41: {  	_ =	swait.ge [sflag:s10], $0x3C00  }
0x42: {  	[sflag:s10] =	ssyncset.done $0x0  }
0x43: {  	s15 =	rddreg [dreg:$0x10];
	[sflag:s10] =	ssyncadd.s32 $0xFFFFC400  }
0x44: {  	[tilespmem:s11], [sflag:$0x7] =	stream.linear.gather [hbm4b:s15+s3], $0x80, $0x38;
	[tilespmem:$0x1FA78] =	vst v63  }
0x45: {  	_ =	swait.ge [sflag:s10], $0x80  }
0x46: {  	[sflag:s10] =	ssyncset.done $0x0  }
0x47: {  	[sflag:s10] =	ssyncadd.s32 $0xFFFFFF80  }
0x48: {  	[spmem:s22] =	stream.linear.scatter [tilespmem:s11], [sflag:$0x7], $0x80, $0x38;
	[tilespmem:$0x1FA78] =	vst v63  }
0x49: {  	_ =	swait.ge [sflag:s10], $0x80  }
0x4a: {  	[sflag:s10] =	ssyncset.done $0x0  }
0x4b: {  	[sflag:s10] =	ssyncadd.s32 $0xFFFFFF80  }
0x4c: {  	[spmem:s0] =	stream.linear.scatter [tilespmem:s11], [sflag:$0x7], $0x80, $0x38;
	[tilespmem:$0x1FA78] =	vst v63  }
0x4d: {  	_ =	swait.ge [sflag:s10], $0x80  }
0x4e: {  	[sflag:s10] =	ssyncset.done $0x0  }
0x4f: {  	[sflag:s10] =	ssyncadd.s32 $0xFFFFFF80  }
0x50: {  	[spmem:s4] =	stream.linear.scatter [tilespmem:s11], [sflag:$0x7], $0x80, $0x38;
	[tilespmem:$0x1FA78] =	vst v63  }
0x51: {  	_ =	swait.ge [sflag:s10], $0x80  }
0x52: {  	[sflag:s10] =	ssyncset.done $0x0  }
0x53: {  	[sflag:s10] =	ssyncadd.s32 $0xFFFFFF80  }
0x54: {  	[spmem:s5] =	stream.linear.scatter [tilespmem:s11], [sflag:$0x7], $0x80, $0x38;
	[tilespmem:$0x1FA78] =	vst v63  }
0x55: {  	_ =	swait.ge [sflag:s10], $0x80  }
0x56: {  	[sflag:s10] =	ssyncset.done $0x0  }
0x57: {  	[sflag:s10] =	ssyncadd.s32 $0xFFFFFF80  }
0x58: {  	[spmem:s23] =	stream.linear.scatter [tilespmem:s11], [sflag:$0x7], $0x78, $0x38;
	[tilespmem:$0x1FA78] =	vst v63  }
0x59: {  	_ =	swait.ge [sflag:s10], $0x78  }
0x5a: {  	[sflag:s10] =	ssyncset.done $0x0  }
0x5b: {  	[sflag:s10] =	ssyncadd.s32 $0xFFFFFF88  }
0x5c: {  	[bflag:$0x0] =	sbarrier.arrive $0xFFFF  }
0x5d: {  	s24 =	rddreg [dreg:$0x4]  }
0x5e: {  	[tilespmem:s3], [sflag:$0x7] =	stream.linear.gather [hbm4b:s24+s3], $0x1400, $0x38;
	[tilespmem:$0x1FA78] =	vst v63  }
0x5f: {  	_ =	swait.ge [sflag:s10], $0x1400  }
0x60: {  	[sflag:s10] =	ssyncset.done $0x0  }
0x61: {  	s7 =	rddreg [dreg:$0x5];
	[sflag:s10] =	ssyncadd.s32 $0xFFFFEC00  }
0x62: {  	[tilespmem:s12], [sflag:$0x7] =	stream.linear.gather [hbm4b:s7+s3], $0x1400, $0x38;
	[tilespmem:$0x1FA78] =	vst v63  }
0x63: {  	_ =	swait.ge [sflag:s10], $0x1400  }
0x64: {  	[sflag:s10] =	ssyncset.done $0x0  }
0x65: {  	[sflag:s10] =	ssyncadd.s32 $0xFFFFEC00  }
0x66: {  	[tilespmem:s9], [sflag:$0x1] =	stream.indirect.gather [hbm4b:s16+s13], $0x80, s3, s13, $0xb8;
	[tilespmem:$0x1FA78] =	vst v63  }
0x67: {  	_ = 	snop  }
0x68: {  	[tilespmem:s14], [sflag:$0x2] =	stream.indirect.gather [hbm4b:s16+s13], $0x80, s13, s13, $0xb8;
	[tilespmem:$0x1FA78] =	vst v63  }
0x69: {  	_ = 	snop  }
0x6a: {  	[tilespmem:s11], [sflag:$0x5] =	stream.indirect.gather [hbm4b:s17+s13], $0x1, s12, s13, $0xb8;
	[tilespmem:$0x1FA78] =	vst v63  }
0x6b: {  	_ =	swait.ge [sflag:s18], $0x4000  }
0x6c: {  	[sflag:s18] =	ssyncset.done $0x0  }
0x6d: {  	[sflag:s18] =	ssyncadd.s32 $0xFFFFC000  }
0x6e: {  	[spmem:s1] =	stream.indirect.scatter.add.f32 [tilespmem:s9], [sflag:$0x3], $0x80, s12, s13, $0xb8;
	[tilespmem:$0x1FA78] =	vst v63  }
0x6f: {  	_ =	swait.ge [sflag:s21], $0x4000  }
0x70: {  	[sflag:s21] =	ssyncset.done $0x0  }
0x71: {  	s8 =	simm.s32 $0x100;
	[sflag:s21] =	ssyncadd.s32 $0xFFFFC000  }
0x72: {  	[tilespmem:s9], [sflag:$0x1] =	stream.indirect.gather [hbm4b:s16+s13], $0x80, s8, s13, $0xb8;
	[tilespmem:$0x1FA78] =	vst v63  }
0x73: {  	s15 =	simm.s32 $0x2880  }
0x74: {  	[tilespmem:s15], [sflag:$0x5] =	stream.indirect.gather [hbm4b:s17+s13], $0x1, s25, s13, $0xb8;
	[tilespmem:$0x1FA78] =	vst v63  }
0x75: {  	_ =	swait.ge [sflag:s28], $0x4000  }
0x76: {  	[sflag:s28] =	ssyncset.done $0x0  }
0x77: {  	[sflag:s28] =	ssyncadd.s32 $0xFFFFC000  }
0x78: {  	[spmem:s1] =	stream.indirect.scatter.add.f32 [tilespmem:s14], [sflag:$0x4], $0x80, s25, s13, $0xb8;
	[tilespmem:$0x1FA78] =	vst v63  }
0x79: {  	_ =	swait.ge [sflag:s29], $0x4000  }
0x7a: {  	[sflag:s29] =	ssyncset.done $0x0  }
0x7b: {  	s24 =	simm.s32 $0x180;
	s15 =	simm.s32 $0x0;
	[sflag:s29] =	ssyncadd.s32 $0xFFFFC000  }
0x7c: {  	[tilespmem:s14], [sflag:$0x2] =	stream.indirect.gather [hbm4b:s16+s13], $0x80, s24, s13, $0xb8;
	[tilespmem:$0x1FA78] =	vst v63  }
.LBB2_2:
0x7d: {  	s6 =	sshra.s32 s15, $0x2  }
0x7e: {  	s7 =	sadd.s32 $0x2900, s6;
	s8 =	sadd.s32 $0x1500, s6  }
0x7f: {  	[tilespmem:s7], [sflag:$0x5] =	stream.indirect.gather [hbm4b:s17+s13], $0x1, s8, s13, $0xb8;
	[tilespmem:$0x1FA78] =	vst v63  }
0x80: {  	_ =	swait.ge [sflag:s18], $0x4000  }
0x81: {  	[sflag:s18] =	ssyncset.done $0x0  }
0x82: {  	[sflag:s18] =	ssyncadd.s32 $0xFFFFC000  }
0x83: {  	[spmem:s1] =	stream.indirect.scatter.add.f32 [tilespmem:s9], [sflag:$0x3], $0x80, s8, s13, $0xb8;
	[tilespmem:$0x1FA78] =	vst v63  }
0x84: {  	_ =	swait.ge [sflag:s31], $0x80  }
0x85: {  	[sflag:s31] =	ssyncset.done $0x0  }
0x86: {  	p0 =	seq.s32 s15, $0x4800;
	s24 =	sadd.s32 $0x2800, s6;
	[sflag:s31] =	ssyncadd.s32 $0xFFFFFF80  }
0x87: {  	[spmem:s2] =	stream.indirect.scatter.add.f32 [tilespmem:s24], [sflag:$0x6], $0x1, s6, s13, $0xb8;
	[tilespmem:$0x1FA78] =	vst v63  }
0x88: {  	s7 =	sshra.s32 @!p0 s15, $0x2;
	_ =	swait.ge [sflag:s21], $0x4000  }
0x89: {  	s7 =	sadd.s32 @!p0 $0x200, s7;
	[sflag:s21] =	ssyncset.done $0x0  }
0x8a: {  	s8 =	simm.s32 @!p0 $0x80;
	s24 =	simm.s32 @!p0 $0x3C00;
	[sflag:s21] =	ssyncadd.s32 $0xFFFFC000  }
0x8b: {  	[tilespmem:s24], [sflag:$0x1] =	stream.indirect.gather @!p0 [hbm4b:s16+s8], $0x80, s7, s8, $0xb8;
	[tilespmem:$0x1FA78] =	vst v63  }
0x8c: {  	s8 =	sadd.s32 $0x2980, s6;
	s24 =	sadd.s32 $0x1580, s6  }
0x8d: {  	[tilespmem:s8], [sflag:$0x5] =	stream.indirect.gather [hbm4b:s17+s13], $0x1, s24, s13, $0xb8;
	[tilespmem:$0x1FA78] =	vst v63  }
0x8e: {  	_ =	swait.ge [sflag:s28], $0x4000  }
0x8f: {  	[sflag:s28] =	ssyncset.done $0x0  }
0x90: {  	[sflag:s28] =	ssyncadd.s32 $0xFFFFC000  }
0x91: {  	[spmem:s1] =	stream.indirect.scatter.add.f32 [tilespmem:s14], [sflag:$0x4], $0x80, s24, s13, $0xb8;
	[tilespmem:$0x1FA78] =	vst v63  }
0x92: {  	_ =	swait.ge [sflag:s31], $0x80  }
0x93: {  	s8 =	sadd.s32 $0x2880, s6;
	[sflag:s31] =	ssyncset.done $0x0  }
.Ltmp0:
0x94: {  	s24 =	sadd.s32 $0x80, s6;
	[sflag:s31] =	ssyncadd.s32 $0xFFFFFF80;
	(pc) =	sbr.rel @p0 .LBB2_4-.Ltmp0, $4  }
0x95: {  	[spmem:s2] =	stream.indirect.scatter.add.f32 [tilespmem:s8], [sflag:$0x6], $0x1, s24, s13, $0xb8;
	[tilespmem:$0x1FA78] =	vst v63  }
0x96: {  	_ =	swait.ge [sflag:s29], $0x4000  }
0x97: {  	[sflag:s29] =	ssyncset.done $0x0  }
0x98: {  	[sflag:s29] =	ssyncadd.s32 $0xFFFFC000  }
.Ltmp1:
0x99: {  	(pc) =	sbr.rel .LBB2_2-.Ltmp1, $3  }
0x9a: {  	_ =	sdelay $0x1  }
0x9b: {  	s6 =	sadd.s32 $0x280, s6;
	s15 =	sadd.s32 $0x400, s15  }
0x9c: {  	[tilespmem:s14], [sflag:$0x2] =	stream.indirect.gather [hbm4b:s16+s13], $0x80, s6, s13, $0xb8;
	[tilespmem:$0x1FA78] =	vst v63  }
.LBB2_4:
0x9d: {  	_ =	swait.ge [sflag:s31], $0x80  }
0x9e: {  	[sflag:s31] =	ssyncset.done $0x0  }
0x9f: {  	s6 =	simm.s32 $0x1300;
	s7 =	simm.s32 $0x3B00;
	[sflag:s31] =	ssyncadd.s32 $0xFFFFFF80  }
0xa0: {  	[spmem:s2] =	stream.indirect.scatter.add.f32 [tilespmem:s7], [sflag:$0x6], $0x1, s6, s13, $0xb8;
	[tilespmem:$0x1FA78] =	vst v63  }
0xa1: {  	_ =	swait.ge [sflag:s31], $0x80  }
0xa2: {  	[sflag:s31] =	ssyncset.done $0x0  }
0xa3: {  	s15 =	simm.s32 $0x1380;
	s24 =	simm.s32 $0x3B80;
	[sflag:s31] =	ssyncadd.s32 $0xFFFFFF80  }
0xa4: {  	[spmem:s2] =	stream.indirect.scatter.add.f32 [tilespmem:s24], [sflag:$0x6], $0x1, s15, s13, $0xb8;
	[tilespmem:$0x1FA78] =	vst v63  }
0xa5: {  	_ =	swait.ge [sflag:s26], $0x80  }
0xa6: {  	s6 =	simm.s32 $0x27;
	[sflag:s26] =	ssyncset.done $0x0  }
.LBB2_5:
0xa7: {  	p0 =	sne.s32 s6, $0x1;
	s6 =	sadd.s32 $0xFFFFFFFF, s6;
	[sflag:s26] =	ssyncadd.s32 $0xFFFFFF80  }
.Ltmp2:
0xa8: {  	(pc) =	sbr.rel @p0 .LBB2_5-.Ltmp2, $3  }
0xa9: {  	_ =	sdelay $0x1  }
0xaa: {  	_ =	swait.ge [sflag:s26], $0x80  }
0xab: {  	[sflag:s26] =	ssyncset.done $0x0  }
0xac: {  	[sflag:s26] =	ssyncadd.s32 $0xFFFFFF80;
	s15 =	simm.s32 $0x0;
	s6 =	rddreg [dreg:$0x6]  }
0xad: {  	[tilespmem:s15], [sflag:$0x7] =	stream.linear.gather [hbm4b:s6+s15], $0x1400, $0x38;
	[tilespmem:$0x1FA78] =	vst v63  }
0xae: {  	_ =	swait.ge [sflag:s10], $0x1400  }
0xaf: {  	[sflag:s10] =	ssyncset.done $0x0  }
0xb0: {  	s24 =	rddreg [dreg:$0x7];
	[sflag:s10] =	ssyncadd.s32 $0xFFFFEC00  }
0xb1: {  	[tilespmem:s12], [sflag:$0x7] =	stream.linear.gather [hbm4b:s24+s15], $0x1400, $0x38;
	[tilespmem:$0x1FA78] =	vst v63  }
0xb2: {  	_ =	swait.ge [sflag:s10], $0x1400  }
0xb3: {  	[sflag:s10] =	ssyncset.done $0x0  }
0xb4: {  	[sflag:s10] =	ssyncadd.s32 $0xFFFFEC00  }
0xb5: {  	[tilespmem:s9], [sflag:$0x1] =	stream.indirect.gather [hbm4b:s16+s13], $0x80, s15, s13, $0xb8;
	[tilespmem:$0x1FA78] =	vst v63  }
0xb6: {  	_ = 	snop  }
0xb7: {  	[tilespmem:s14], [sflag:$0x2] =	stream.indirect.gather [hbm4b:s16+s13], $0x80, s13, s13, $0xb8;
	[tilespmem:$0x1FA78] =	vst v63  }
0xb8: {  	_ = 	snop  }
0xb9: {  	[tilespmem:s11], [sflag:$0x5] =	stream.indirect.gather [hbm4b:s17+s13], $0x1, s12, s13, $0xb8;
	[tilespmem:$0x1FA78] =	vst v63  }
0xba: {  	_ =	swait.ge [sflag:s18], $0x4000  }
0xbb: {  	[sflag:s18] =	ssyncset.done $0x0  }
0xbc: {  	[sflag:s18] =	ssyncadd.s32 $0xFFFFC000  }
0xbd: {  	[spmem:s1] =	stream.indirect.scatter.add.f32 [tilespmem:s9], [sflag:$0x3], $0x80, s12, s13, $0xb8;
	[tilespmem:$0x1FA78] =	vst v63  }
0xbe: {  	_ =	swait.ge [sflag:s21], $0x4000  }
0xbf: {  	[sflag:s21] =	ssyncset.done $0x0  }
0xc0: {  	s7 =	simm.s32 $0x100;
	[sflag:s21] =	ssyncadd.s32 $0xFFFFC000  }
0xc1: {  	[tilespmem:s9], [sflag:$0x1] =	stream.indirect.gather [hbm4b:s16+s13], $0x80, s7, s13, $0xb8;
	[tilespmem:$0x1FA78] =	vst v63  }
0xc2: {  	s8 =	simm.s32 $0x2880  }
0xc3: {  	[tilespmem:s8], [sflag:$0x5] =	stream.indirect.gather [hbm4b:s17+s13], $0x1, s25, s13, $0xb8;
	[tilespmem:$0x1FA78] =	vst v63  }
0xc4: {  	_ =	swait.ge [sflag:s28], $0x4000  }
0xc5: {  	[sflag:s28] =	ssyncset.done $0x0  }
0xc6: {  	[sflag:s28] =	ssyncadd.s32 $0xFFFFC000  }
0xc7: {  	[spmem:s1] =	stream.indirect.scatter.add.f32 [tilespmem:s14], [sflag:$0x4], $0x80, s25, s13, $0xb8;
	[tilespmem:$0x1FA78] =	vst v63  }
0xc8: {  	_ =	swait.ge [sflag:s29], $0x4000  }
0xc9: {  	[sflag:s29] =	ssyncset.done $0x0  }
0xca: {  	s24 =	simm.s32 $0x180;
	[sflag:s29] =	ssyncadd.s32 $0xFFFFC000  }
0xcb: {  	[tilespmem:s14], [sflag:$0x2] =	stream.indirect.gather [hbm4b:s16+s13], $0x80, s24, s13, $0xb8;
	[tilespmem:$0x1FA78] =	vst v63  }
.LBB2_7:
0xcc: {  	s6 =	sshra.s32 s15, $0x2  }
0xcd: {  	s7 =	sadd.s32 $0x2900, s6;
	s8 =	sadd.s32 $0x1500, s6  }
0xce: {  	[tilespmem:s7], [sflag:$0x5] =	stream.indirect.gather [hbm4b:s17+s13], $0x1, s8, s13, $0xb8;
	[tilespmem:$0x1FA78] =	vst v63  }
0xcf: {  	_ =	swait.ge [sflag:s18], $0x4000  }
0xd0: {  	[sflag:s18] =	ssyncset.done $0x0  }
0xd1: {  	[sflag:s18] =	ssyncadd.s32 $0xFFFFC000  }
0xd2: {  	[spmem:s1] =	stream.indirect.scatter.add.f32 [tilespmem:s9], [sflag:$0x3], $0x80, s8, s13, $0xb8;
	[tilespmem:$0x1FA78] =	vst v63  }
0xd3: {  	_ =	swait.ge [sflag:s31], $0x80  }
0xd4: {  	[sflag:s31] =	ssyncset.done $0x0  }
0xd5: {  	p0 =	seq.s32 s15, $0x4800;
	s24 =	sadd.s32 $0x2800, s6;
	[sflag:s31] =	ssyncadd.s32 $0xFFFFFF80  }
0xd6: {  	[spmem:s2] =	stream.indirect.scatter.add.f32 [tilespmem:s24], [sflag:$0x6], $0x1, s6, s13, $0xb8;
	[tilespmem:$0x1FA78] =	vst v63  }
0xd7: {  	s7 =	sshra.s32 @!p0 s15, $0x2;
	_ =	swait.ge [sflag:s21], $0x4000  }
0xd8: {  	s7 =	sadd.s32 @!p0 $0x200, s7;
	[sflag:s21] =	ssyncset.done $0x0  }
0xd9: {  	s8 =	simm.s32 @!p0 $0x80;
	s24 =	simm.s32 @!p0 $0x3C00;
	[sflag:s21] =	ssyncadd.s32 $0xFFFFC000  }
0xda: {  	[tilespmem:s24], [sflag:$0x1] =	stream.indirect.gather @!p0 [hbm4b:s16+s8], $0x80, s7, s8, $0xb8;
	[tilespmem:$0x1FA78] =	vst v63  }
0xdb: {  	s8 =	sadd.s32 $0x2980, s6;
	s24 =	sadd.s32 $0x1580, s6  }
0xdc: {  	[tilespmem:s8], [sflag:$0x5] =	stream.indirect.gather [hbm4b:s17+s13], $0x1, s24, s13, $0xb8;
	[tilespmem:$0x1FA78] =	vst v63  }
0xdd: {  	_ =	swait.ge [sflag:s28], $0x4000  }
0xde: {  	[sflag:s28] =	ssyncset.done $0x0  }
0xdf: {  	[sflag:s28] =	ssyncadd.s32 $0xFFFFC000  }
0xe0: {  	[spmem:s1] =	stream.indirect.scatter.add.f32 [tilespmem:s14], [sflag:$0x4], $0x80, s24, s13, $0xb8;
	[tilespmem:$0x1FA78] =	vst v63  }
0xe1: {  	_ =	swait.ge [sflag:s31], $0x80  }
0xe2: {  	s8 =	sadd.s32 $0x2880, s6;
	[sflag:s31] =	ssyncset.done $0x0  }
.Ltmp3:
0xe3: {  	s24 =	sadd.s32 $0x80, s6;
	[sflag:s31] =	ssyncadd.s32 $0xFFFFFF80;
	(pc) =	sbr.rel @p0 .LBB2_9-.Ltmp3, $4  }
0xe4: {  	[spmem:s2] =	stream.indirect.scatter.add.f32 [tilespmem:s8], [sflag:$0x6], $0x1, s24, s13, $0xb8;
	[tilespmem:$0x1FA78] =	vst v63  }
0xe5: {  	_ =	swait.ge [sflag:s29], $0x4000  }
0xe6: {  	[sflag:s29] =	ssyncset.done $0x0  }
0xe7: {  	[sflag:s29] =	ssyncadd.s32 $0xFFFFC000  }
.Ltmp4:
0xe8: {  	(pc) =	sbr.rel .LBB2_7-.Ltmp4, $3  }
0xe9: {  	_ =	sdelay $0x1  }
0xea: {  	s6 =	sadd.s32 $0x280, s6;
	s15 =	sadd.s32 $0x400, s15  }
0xeb: {  	[tilespmem:s14], [sflag:$0x2] =	stream.indirect.gather [hbm4b:s16+s13], $0x80, s6, s13, $0xb8;
	[tilespmem:$0x1FA78] =	vst v63  }
.LBB2_9:
0xec: {  	_ =	swait.ge [sflag:s31], $0x80  }
0xed: {  	[sflag:s31] =	ssyncset.done $0x0  }
0xee: {  	s6 =	simm.s32 $0x1300;
	s7 =	simm.s32 $0x3B00;
	[sflag:s31] =	ssyncadd.s32 $0xFFFFFF80  }
0xef: {  	[spmem:s2] =	stream.indirect.scatter.add.f32 [tilespmem:s7], [sflag:$0x6], $0x1, s6, s13, $0xb8;
	[tilespmem:$0x1FA78] =	vst v63  }
0xf0: {  	_ =	swait.ge [sflag:s31], $0x80  }
0xf1: {  	[sflag:s31] =	ssyncset.done $0x0  }
0xf2: {  	s15 =	simm.s32 $0x1380;
	s24 =	simm.s32 $0x3B80;
	[sflag:s31] =	ssyncadd.s32 $0xFFFFFF80  }
0xf3: {  	[spmem:s2] =	stream.indirect.scatter.add.f32 [tilespmem:s24], [sflag:$0x6], $0x1, s15, s13, $0xb8;
	[tilespmem:$0x1FA78] =	vst v63  }
0xf4: {  	_ =	swait.ge [sflag:s26], $0x80  }
0xf5: {  	s6 =	simm.s32 $0x27;
	[sflag:s26] =	ssyncset.done $0x0  }
.LBB2_10:
0xf6: {  	p0 =	sne.s32 s6, $0x1;
	s6 =	sadd.s32 $0xFFFFFFFF, s6;
	[sflag:s26] =	ssyncadd.s32 $0xFFFFFF80  }
.Ltmp5:
0xf7: {  	(pc) =	sbr.rel @p0 .LBB2_10-.Ltmp5, $3  }
0xf8: {  	_ =	sdelay $0x1  }
0xf9: {  	_ =	swait.ge [sflag:s26], $0x80  }
0xfa: {  	[sflag:s26] =	ssyncset.done $0x0  }
0xfb: {  	[sflag:s26] =	ssyncadd.s32 $0xFFFFFF80  }
0xfc: {  	[bflag:$0x0] =	sbarrier.arrive $0xFFFF  }
0xfd: {  	[tilespmem:s9], [sflag:$0x7] =	stream.linear.gather [spmem:s19], $0x4000, $0x38;
	[tilespmem:$0x1FA78] =	vst v63  }
0xfe: {  	_ =	swait.ge [sflag:s10], $0x4000  }
0xff: {  	[sflag:s10] =	ssyncset.done $0x0  }
0x100: {  	s6 =	rddreg [dreg:$0x9];
	[sflag:s10] =	ssyncadd.s32 $0xFFFFC000  }
0x101: {  	[hbm4b:s6+s3] =	stream.linear.scatter [tilespmem:s9], [sflag:$0x7], $0x4000, $0x38;
	[tilespmem:$0x1FA78] =	vst v63  }
0x102: {  	_ =	swait.ge [sflag:s10], $0x4000  }
0x103: {  	[sflag:s10] =	ssyncset.done $0x0  }
0x104: {  	s24 =	rddreg [dreg:$0x12];
	[sflag:s10] =	ssyncadd.s32 $0xFFFFC000  }
0x105: {  	[tilespmem:s9], [sflag:$0x7] =	stream.linear.gather [spmem:s24], $0x4000, $0x38;
	[tilespmem:$0x1FA78] =	vst v63  }
0x106: {  	_ =	swait.ge [sflag:s10], $0x4000  }
0x107: {  	[sflag:s10] =	ssyncset.done $0x0  }
0x108: {  	s7 =	rddreg [dreg:$0xa];
	[sflag:s10] =	ssyncadd.s32 $0xFFFFC000  }
0x109: {  	[hbm4b:s7+s3] =	stream.linear.scatter [tilespmem:s9], [sflag:$0x7], $0x4000, $0x38;
	[tilespmem:$0x1FA78] =	vst v63  }
0x10a: {  	_ =	swait.ge [sflag:s10], $0x4000  }
0x10b: {  	[sflag:s10] =	ssyncset.done $0x0  }
0x10c: {  	s8 =	rddreg [dreg:$0x13];
	[sflag:s10] =	ssyncadd.s32 $0xFFFFC000  }
0x10d: {  	[tilespmem:s9], [sflag:$0x7] =	stream.linear.gather [spmem:s8], $0x4000, $0x38;
	[tilespmem:$0x1FA78] =	vst v63  }
0x10e: {  	_ =	swait.ge [sflag:s10], $0x4000  }
0x10f: {  	[sflag:s10] =	ssyncset.done $0x0  }
0x110: {  	s15 =	rddreg [dreg:$0xb];
	[sflag:s10] =	ssyncadd.s32 $0xFFFFC000  }
0x111: {  	[hbm4b:s15+s3] =	stream.linear.scatter [tilespmem:s9], [sflag:$0x7], $0x4000, $0x38;
	[tilespmem:$0x1FA78] =	vst v63  }
0x112: {  	_ =	swait.ge [sflag:s10], $0x4000  }
0x113: {  	[sflag:s10] =	ssyncset.done $0x0  }
0x114: {  	s24 =	rddreg [dreg:$0x14];
	[sflag:s10] =	ssyncadd.s32 $0xFFFFC000  }
0x115: {  	[tilespmem:s9], [sflag:$0x7] =	stream.linear.gather [spmem:s24], $0x4000, $0x38;
	[tilespmem:$0x1FA78] =	vst v63  }
0x116: {  	_ =	swait.ge [sflag:s10], $0x4000  }
0x117: {  	[sflag:s10] =	ssyncset.done $0x0  }
0x118: {  	s7 =	rddreg [dreg:$0xc];
	[sflag:s10] =	ssyncadd.s32 $0xFFFFC000  }
0x119: {  	[hbm4b:s7+s3] =	stream.linear.scatter [tilespmem:s9], [sflag:$0x7], $0x4000, $0x38;
	[tilespmem:$0x1FA78] =	vst v63  }
0x11a: {  	_ =	swait.ge [sflag:s10], $0x4000  }
0x11b: {  	[sflag:s10] =	ssyncset.done $0x0  }
0x11c: {  	[sflag:s10] =	ssyncadd.s32 $0xFFFFC000  }
0x11d: {  	[tilespmem:s9], [sflag:$0x7] =	stream.linear.gather [spmem:s20], $0x3C00, $0x38;
	[tilespmem:$0x1FA78] =	vst v63  }
0x11e: {  	_ =	swait.ge [sflag:s10], $0x3C00  }
0x11f: {  	[sflag:s10] =	ssyncset.done $0x0  }
0x120: {  	s8 =	rddreg [dreg:$0x8];
	[sflag:s10] =	ssyncadd.s32 $0xFFFFC400  }
0x121: {  	[hbm4b:s8+s3] =	stream.linear.scatter [tilespmem:s9], [sflag:$0x7], $0x3C00, $0x38;
	[tilespmem:$0x1FA78] =	vst v63  }
0x122: {  	_ =	swait.ge [sflag:s10], $0x3C00  }
0x123: {  	[sflag:s10] =	ssyncset.done $0x0  }
0x124: {  	[sflag:s10] =	ssyncadd.s32 $0xFFFFC400  }
0x125: {  	[tilespmem:s11], [sflag:$0x7] =	stream.linear.gather [spmem:s22], $0x80, $0x38;
	[tilespmem:$0x1FA78] =	vst v63  }
0x126: {  	_ =	swait.ge [sflag:s10], $0x80  }
0x127: {  	[sflag:s10] =	ssyncset.done $0x0  }
0x128: {  	s15 =	rddreg [dreg:$0xe];
	[sflag:s10] =	ssyncadd.s32 $0xFFFFFF80  }
0x129: {  	[hbm4b:s15+s3] =	stream.linear.scatter [tilespmem:s11], [sflag:$0x7], $0x80, $0x38;
	[tilespmem:$0x1FA78] =	vst v63  }
0x12a: {  	_ =	swait.ge [sflag:s10], $0x80  }
0x12b: {  	[sflag:s10] =	ssyncset.done $0x0  }
0x12c: {  	[sflag:s10] =	ssyncadd.s32 $0xFFFFFF80  }
0x12d: {  	[tilespmem:s11], [sflag:$0x7] =	stream.linear.gather [spmem:s0], $0x80, $0x38;
	[tilespmem:$0x1FA78] =	vst v63  }
0x12e: {  	_ =	swait.ge [sflag:s10], $0x80  }
0x12f: {  	[sflag:s10] =	ssyncset.done $0x0  }
0x130: {  	s24 =	rddreg [dreg:$0x18];
	[sflag:s10] =	ssyncadd.s32 $0xFFFFFF80  }
0x131: {  	[hbm4b:s24+s3] =	stream.linear.scatter [tilespmem:s11], [sflag:$0x7], $0x80, $0x38;
	[tilespmem:$0x1FA78] =	vst v63  }
0x132: {  	_ =	swait.ge [sflag:s10], $0x80  }
0x133: {  	[sflag:s10] =	ssyncset.done $0x0  }
0x134: {  	[sflag:s10] =	ssyncadd.s32 $0xFFFFFF80  }
0x135: {  	[tilespmem:s11], [sflag:$0x7] =	stream.linear.gather [spmem:s4], $0x80, $0x38;
	[tilespmem:$0x1FA78] =	vst v63  }
0x136: {  	_ =	swait.ge [sflag:s10], $0x80  }
0x137: {  	[sflag:s10] =	ssyncset.done $0x0  }
0x138: {  	s7 =	rddreg [dreg:$0x19];
	[sflag:s10] =	ssyncadd.s32 $0xFFFFFF80  }
0x139: {  	[hbm4b:s7+s3] =	stream.linear.scatter [tilespmem:s11], [sflag:$0x7], $0x80, $0x38;
	[tilespmem:$0x1FA78] =	vst v63  }
0x13a: {  	_ =	swait.ge [sflag:s10], $0x80  }
0x13b: {  	[sflag:s10] =	ssyncset.done $0x0  }
0x13c: {  	[sflag:s10] =	ssyncadd.s32 $0xFFFFFF80  }
0x13d: {  	[tilespmem:s11], [sflag:$0x7] =	stream.linear.gather [spmem:s5], $0x80, $0x38;
	[tilespmem:$0x1FA78] =	vst v63  }
0x13e: {  	_ =	swait.ge [sflag:s10], $0x80  }
0x13f: {  	[sflag:s10] =	ssyncset.done $0x0  }
0x140: {  	s8 =	rddreg [dreg:$0x1a];
	[sflag:s10] =	ssyncadd.s32 $0xFFFFFF80  }
0x141: {  	[hbm4b:s8+s3] =	stream.linear.scatter [tilespmem:s11], [sflag:$0x7], $0x80, $0x38;
	[tilespmem:$0x1FA78] =	vst v63  }
0x142: {  	_ =	swait.ge [sflag:s10], $0x80  }
0x143: {  	[sflag:s10] =	ssyncset.done $0x0  }
0x144: {  	[sflag:s10] =	ssyncadd.s32 $0xFFFFFF80  }
0x145: {  	[tilespmem:s11], [sflag:$0x7] =	stream.linear.gather [spmem:s23], $0x78, $0x38;
	[tilespmem:$0x1FA78] =	vst v63  }
0x146: {  	_ =	swait.ge [sflag:s10], $0x78  }
0x147: {  	[sflag:s10] =	ssyncset.done $0x0  }
0x148: {  	s15 =	rddreg [dreg:$0xd];
	[sflag:s10] =	ssyncadd.s32 $0xFFFFFF88  }
0x149: {  	[hbm4b:s15+s3] =	stream.linear.scatter [tilespmem:s11], [sflag:$0x7], $0x78, $0x38;
	[tilespmem:$0x1FA78] =	vst v63  }
0x14a: {  	_ =	swait.ge [sflag:s10], $0x78  }
0x14b: {  	s30 =	sadd.s32 $0x1, s30;
	s24 =	rddreg [dreg:$0x11]  }
0x14c: {  	p0 =	sne.s32 s30, s24  }
.Ltmp6:
0x14d: {  	_ = 	snop;
	(pc) =	sbr.rel @p0 .LBB2_1-.Ltmp6, $3  }
0x14e: {  	_ =	sdelay $0x1  }
0x14f: {  	[sflag:s10] =	ssyncset.done $0x0  }
0x150: {  	[sflag:s10] =	ssyncadd.s32 $0xFFFFFF88  }
0x151: {  	_ =	sfence.sel $0x180000  }
0x152: {  	[bflag:$0x0] =	sbarrier.arrive $0xFFFF  }
0x153: {  	_ =	strace $0x9000004A  }
0x154: {  	s0 =	stileid.u32;
	[bflag:$0x2] =	sbarrier.arrive $0xFFFF  }
0x155: {  	p0 =	sne.s32 s0, $0x0;
	s0 =	rddreg [dreg:$0x3]  }
0x156: {  	s0 =	sadd.s32 @!p0 $0x100000, s0  }
0x157: {  	[sflag:s0] =	ssyncadd.tile.s32 @!p0 $0x1;
	_ =	shalt  }
.Lfunc_end2:
_tile_overlayer_lowered:
.L_overlay_start_2:
0x158: {  	(tag) =	ssettag $0x2  }
0x159: {  	s0 =	rddreg [dreg:$0x0];
	s2 =	stileid.u32  }
0x15a: {  	s1 =	rddreg [dreg:$0x1];
	p0 =	sne.s32 s2, $0x0  }
0x15b: {  	s3 =	rddreg [dreg:$0x2];
	[bflag:$0x3] =	sbarrier.arrive $0xFFFF;
	s2 =	simm.s32 @!p0 $0x1C07  }
0x15c: {  	[timem:s3], [sflag:s2] =	dma.local @!p0 [hbm:s0], s1  }
0x15d: {  	s0 =	simm.s32 @!p0 $0x7  }
0x15e: {  	_ =	swait.ge @!p0 [sflag:s0], s1  }
0x15f: {  	s1 =	ssub.s32 @!p0 $0x0, s1;
	[sflag:s0] =	ssyncset.done @!p0 $0x0  }
0x160: {  	[sflag:s0] =	ssyncadd.s32 @!p0 s1  }
0x161: {  	[bflag:$0x3] =	sbarrier.arrive $0xFFFF  }
0x162: {  	_ =	shalt  }

</sc_bundles>
